<compile_context>
chip_gen: v7x
topology: tpu7x:2x2x1
jax: 0.10.2.dev20260603
libtpu: 0.0.44.dev20260713+nightly
codegen_flags: <defaults>
</compile_context>

<pallas_src>
import functools

import jax
import jax.numpy as jnp
from jax import lax
from jax.experimental import pallas as pl
from jax.experimental.pallas import tpu as pltpu
from jax.experimental.pallas import tpu_sc as plsc

_N_NODES = 100000
_NODE_DIM = 128
_HIDDEN_DIM = 64
_NUM_SEGMENTS = 512


_ROWS = 4096
_BLOCKS1 = 15
_BLOCKS2 = 10
_N1 = _BLOCKS1 * _ROWS
_N2 = _BLOCKS2 * _ROWS
_N_PAD = _N1 + _N2
_PK = _NODE_DIM + 3


def _mlp_body(base_block, x_ref, p_ref, out_ref):
    i = base_block + pl.program_id(0)
    x = x_ref[...]
    w1t = p_ref[:, 0:_NODE_DIM]
    b1c = p_ref[:, _NODE_DIM:_NODE_DIM + 1]
    w2c = p_ref[:, _NODE_DIM + 1:_NODE_DIM + 2]
    b2s = p_ref[0, _NODE_DIM + 2]
    ht = lax.dot_general(w1t, x, (((1,), (1,)), ((), ())),
                         preferred_element_type=jnp.float32)
    ht = ht + b1c
    ht = ht * jax.nn.sigmoid(ht)
    e = lax.dot_general(w2c, ht, (((0,), (0,)), ((), ())),
                        preferred_element_type=jnp.float32)
    e = e + b2s
    row = i * _ROWS + lax.broadcasted_iota(jnp.int32, (1, _ROWS), 1)
    e = jnp.where(row < _N_NODES, e, 0.0)
    out_ref[...] = e.reshape(_ROWS)


def _mlp(x, packed, base_block, num_blocks):
    return pl.pallas_call(
        functools.partial(_mlp_body, base_block),
        grid=(num_blocks,),
        in_specs=[
            pl.BlockSpec((_ROWS, _NODE_DIM), lambda i: (i + base_block, 0)),
            pl.BlockSpec((_HIDDEN_DIM, _PK), lambda i: (0, 0)),
        ],
        out_specs=pl.BlockSpec((_ROWS,), lambda i: (i,)),
        out_shape=jax.ShapeDtypeStruct((num_blocks * _ROWS,), jnp.float32),
    )(x, packed)



_NW = 16
_SEG_PER_W = _NUM_SEGMENTS // _NW
_LANES = 16


def _segsum_body(chunk, nvec2, safe, safe_nvec2, base_off,
                 e_hbm, b_hbm, prev_hbm, out_hbm,
                 e_v, b_v, accf_v, acc_v, tmp_v, res_v, prev_v,
                 shared, sem_e, sem_b):
    wid = lax.axis_index("s")
    base = wid * chunk
    cp_e = pltpu.async_copy(e_hbm.at[pl.ds(base, chunk)], e_v, sem_e)
    cp_b = pltpu.async_copy(b_hbm.at[pl.ds(base_off + base, safe)],
                            b_v.at[pl.ds(0, safe)], sem_b)

    col = wid * _SEG_PER_W
    cp_p = pltpu.async_copy(prev_hbm.at[pl.ds(col, _SEG_PER_W)], prev_v, sem_b)

    if safe != chunk:
        @pl.when(wid < _NW - 1)
        def _():
            pltpu.async_copy(
                b_hbm.at[pl.ds(base_off + base + safe, chunk - safe)],
                b_v.at[pl.ds(safe, chunk - safe)], sem_b).wait()

    zero = jnp.zeros((16,), jnp.float32)
    lane_off = lax.iota(jnp.int32, 16) * _NUM_SEGMENTS

    def zbody(j, carry):
        for u in range(4):
            accf_v[pl.ds(j * 64 + u * 16, 16)] = zero
        return carry

    lax.fori_loop(0, _LANES * _NUM_SEGMENTS // 64, zbody, 0)
    cp_e.wait()
    cp_b.wait()
    cp_p.wait()

    def body(i, carry):
        for u in range(2):
            k = i * 2 + u
            idx = b_v[pl.ds(k * 16, 16)] + lane_off
            v = e_v[pl.ds(k * 16, 16)]
            plsc.addupdate_scatter(accf_v, [idx], v)
        return carry

    nvec = jnp.where(wid < _NW - 1, nvec2, safe_nvec2)
    lax.fori_loop(0, nvec, body, 0)

    def rbody(j, carry):
        s = zero
        for r in range(_LANES):
            s = s + accf_v[pl.ds(r * _NUM_SEGMENTS + j * 16, 16)]
        acc_v[pl.ds(j * 16, 16)] = s
        return carry

    lax.fori_loop(0, _NUM_SEGMENTS // 16, rbody, 0)

    pltpu.sync_copy(acc_v, shared.at[wid])
    plsc.subcore_barrier()

    cps = [pltpu.async_copy(shared.at[t, pl.ds(col, _SEG_PER_W)], tmp_v.at[t], sem_e)
           for t in range(_NW)]
    for cp in cps:
        cp.wait()
    for q in range(_SEG_PER_W // 16):
        s = prev_v[pl.ds(q * 16, 16)]
        for t in range(_NW):
            s = s + tmp_v[t, pl.ds(q * 16, 16)]
        res_v[pl.ds(q * 16, 16)] = s
    pltpu.sync_copy(res_v, out_hbm.at[pl.ds(col, _SEG_PER_W)])


def _segment_sum(e_pad, b, prev, n, base_off):
    chunk = n // _NW
    n_valid = min(_N_NODES - base_off, n)
    safe = n_valid - (_NW - 1) * chunk
    mesh = plsc.VectorSubcoreMesh(
        core_axis_name="c", subcore_axis_name="s", num_cores=1
    )
    body = functools.partial(_segsum_body, chunk, chunk // 32, safe,
                             safe // 32, base_off)
    return pl.kernel(
        body,
        mesh=mesh,
        out_type=jax.ShapeDtypeStruct((_NUM_SEGMENTS,), jnp.float32),
        scratch_types=[
            pltpu.VMEM((chunk,), jnp.float32),
            pltpu.VMEM((chunk,), jnp.int32),
            pltpu.VMEM((_LANES * _NUM_SEGMENTS,), jnp.float32),
            pltpu.VMEM((_NUM_SEGMENTS,), jnp.float32),
            pltpu.VMEM((_NW, _SEG_PER_W), jnp.float32),
            pltpu.VMEM((_SEG_PER_W,), jnp.float32),
            pltpu.VMEM((_SEG_PER_W,), jnp.float32),
            pltpu.VMEM_SHARED((_NW, _NUM_SEGMENTS), jnp.float32),
            pltpu.SemaphoreType.DMA,
            pltpu.SemaphoreType.DMA,
        ],
        compiler_params=pltpu.CompilerParams(needs_layout_passes=False),
    )(e_pad, b, prev)


def kernel(node_invariant, batch, W1, b1, W2, b2):
    packed = jnp.concatenate(
        [W1.T, b1.reshape(_HIDDEN_DIM, 1), W2,
         jnp.broadcast_to(b2, (_HIDDEN_DIM, 1))], axis=1)
    b32 = batch.astype(jnp.int32)
    e1 = _mlp(node_invariant, packed, 0, _BLOCKS1)
    part1 = _segment_sum(e1, b32, jnp.zeros((_NUM_SEGMENTS,), jnp.float32),
                         _N1, 0)
    e2 = _mlp(node_invariant, packed, _BLOCKS1, _BLOCKS2)
    total = _segment_sum(e2, b32, part1, _N2, _N1)
    atomic = jnp.concatenate([e1, e2[:_N_NODES - _N1]]).reshape(_N_NODES, 1)
    return (total.reshape(_NUM_SEGMENTS, 1), atomic)

# --- scband reference (transcript-rebuilt; emitter-appended) ---
"""Pipeline reference for scband-force-field-out-54443005444458 (READ-ONLY COPY).

The authoritative reference and input builder live on the scoring server;
editing this copy changes nothing except your own understanding.
"""

import jax, jax.numpy as jnp
import numpy as np

N_NODES = 100000
NODE_DIM = 128
HIDDEN_DIM = 64
NUM_SEGMENTS = 512
NODE_BIAS = 0.0


def setup_inputs(seed: int = 0) -> dict:
    key = jax.random.key(seed)
    k1, k2, k3, k4, k5 = jax.random.split(key, 5)
    node_invariant = jax.random.normal(k1, (N_NODES, NODE_DIM), dtype=jnp.float32)
    batch = jnp.sort(jax.random.randint(k2, (N_NODES,), 0, NUM_SEGMENTS)).astype(jnp.int64)
    # MLP params: Linear(node_dim -> hidden) , SiLU, Linear(hidden -> 1) with bias init to node_bias
    lim1 = 1.0 / np.sqrt(NODE_DIM)
    W1 = jax.random.uniform(k3, (NODE_DIM, HIDDEN_DIM), minval=-lim1, maxval=lim1, dtype=jnp.float32)
    b1 = jax.random.uniform(k4, (HIDDEN_DIM,), minval=-lim1, maxval=lim1, dtype=jnp.float32)
    lim2 = 1.0 / np.sqrt(HIDDEN_DIM)
    W2 = jax.random.uniform(k5, (HIDDEN_DIM, 1), minval=-lim2, maxval=lim2, dtype=jnp.float32)
    b2 = jnp.full((1,), NODE_BIAS, dtype=jnp.float32)
    return {"node_invariant": node_invariant, "batch": batch, "W1": W1, "b1": b1, "W2": W2, "b2": b2}


def reference(node_invariant, batch, W1, b1, W2, b2):
    # out_mlp: Linear -> SiLU -> Linear (bias initialized to node_bias)
    h = jax.nn.silu(node_invariant @ W1 + b1)
    atomic_energies = h @ W2 + b2  # [N, 1]
    # scatter_sum over batch (segment reduce) -> per-graph total energy
    total_energy = jax.ops.segment_sum(atomic_energies, batch, num_segments=NUM_SEGMENTS)  # [512, 1]
    return (total_energy, atomic_energies)

if __name__ == "__main__":
    import jax
    _d = setup_inputs()
    print(jax.jit(kernel)(*tuple(_d.values())))

</pallas_src>

<mosaic_0001>
#map = affine_map<(d0, d1) -> (0)>
module attributes {stable_mosaic.version = 14 : i64} {
  func.func @_segsum_body(%arg0: i32, %arg1: i32, %arg2: memref<61440xf32, #tpu.memory_space<hbm>>, %arg3: memref<100000xi32, #tpu.memory_space<hbm>>, %arg4: memref<512xf32, #tpu.memory_space<hbm>>, %arg5: memref<512xf32, #tpu.memory_space<hbm>>, %arg6: memref<3840xf32, #tpu.memory_space<vmem>>, %arg7: memref<3840xi32, #tpu.memory_space<vmem>>, %arg8: memref<8192xf32, #tpu.memory_space<vmem>>, %arg9: memref<512xf32, #tpu.memory_space<vmem>>, %arg10: memref<16x32xf32, #tpu.memory_space<vmem>>, %arg11: memref<32xf32, #tpu.memory_space<vmem>>, %arg12: memref<32xf32, #tpu.memory_space<vmem>>, %arg13: memref<16x512xf32, #tpu.memory_space<vmem_shared>>, %arg14: memref<!tpu.dma_semaphore, #tpu.memory_space<semaphore_mem>>, %arg15: memref<!tpu.dma_semaphore, #tpu.memory_space<semaphore_mem>>) attributes {dimension_semantics = [#tpu.dimension_semantics<core_parallel>, #tpu.dimension_semantics<subcore_parallel>], iteration_bounds = array<i64: 1, 16>, scalar_prefetch = 0 : i64, scratch_operands = 10 : i64, tpu.core_type = #tpu.core_type<sc_vector_subcore>, window_params = [{transform_indices = #map}, {transform_indices = #map}, {transform_indices = #map}, {transform_indices = #map}]} {
    %mul3A = arith.constant 3840 : i32
    %mul3A_0 = arith.muli %arg1, %mul3A : i32
    %dma_start3A = tpu.memref_slice %arg2[%mul3A_0] : memref<61440xf32, #tpu.memory_space<hbm>> -> memref<3840xf32, #tpu.memory_space<hbm>>
    %dma_start3A_1 = tpu.memref_slice %arg2[%mul3A_0] : memref<61440xf32, #tpu.memory_space<hbm>> -> memref<3840xf32, #tpu.memory_space<hbm>>
    tpu.enqueue_dma source(%dma_start3A_1 : memref<3840xf32, #tpu.memory_space<hbm>>) target(%arg6 : memref<3840xf32, #tpu.memory_space<vmem>>) target_semaphore(%arg14 : memref<!tpu.dma_semaphore, #tpu.memory_space<semaphore_mem>>)
    %add3A = arith.constant 0 : i32
    %add3A_2 = arith.addi %add3A, %mul3A_0 : i32
    %dma_start3A_3 = arith.constant 0 : i32
    %dma_start3A_4 = tpu.memref_slice %arg7[%dma_start3A_3] : memref<3840xi32, #tpu.memory_space<vmem>> -> memref<3840xi32, #tpu.memory_space<vmem>>
    %dma_start3A_5 = tpu.memref_slice %arg3[%add3A_2] : memref<100000xi32, #tpu.memory_space<hbm>> -> memref<3840xi32, #tpu.memory_space<hbm>>
    %dma_start3A_6 = arith.constant 0 : i32
    %dma_start3A_7 = tpu.memref_slice %arg7[%dma_start3A_6] : memref<3840xi32, #tpu.memory_space<vmem>> -> memref<3840xi32, #tpu.memory_space<vmem>>
    %dma_start3A_8 = tpu.memref_slice %arg3[%add3A_2] : memref<100000xi32, #tpu.memory_space<hbm>> -> memref<3840xi32, #tpu.memory_space<hbm>>
    tpu.enqueue_dma source(%dma_start3A_8 : memref<3840xi32, #tpu.memory_space<hbm>>) target(%dma_start3A_7 : memref<3840xi32, #tpu.memory_space<vmem>>) target_semaphore(%arg15 : memref<!tpu.dma_semaphore, #tpu.memory_space<semaphore_mem>>)
    %mul3A_9 = arith.constant 32 : i32
    %mul3A_10 = arith.muli %arg1, %mul3A_9 : i32
    %dma_start3A_11 = tpu.memref_slice %arg4[%mul3A_10] : memref<512xf32, #tpu.memory_space<hbm>> -> memref<32xf32, #tpu.memory_space<hbm>>
    %dma_start3A_12 = tpu.memref_slice %arg4[%mul3A_10] : memref<512xf32, #tpu.memory_space<hbm>> -> memref<32xf32, #tpu.memory_space<hbm>>
    tpu.enqueue_dma source(%dma_start3A_12 : memref<32xf32, #tpu.memory_space<hbm>>) target(%arg12 : memref<32xf32, #tpu.memory_space<vmem>>) target_semaphore(%arg15 : memref<!tpu.dma_semaphore, #tpu.memory_space<semaphore_mem>>)
    %broadcast_in_dim3A = arith.constant 0.000000e+00 : f32
    %broadcast_in_dim3A_13 = vector.broadcast %broadcast_in_dim3A : f32 to vector<16xf32>
    %iota3A = tpu.iota {dimensions = array<i32: 0>} : vector<16xi32>
    %mul3A_14 = arith.constant 512 : i32
    %mul3A_15 = vector.broadcast %mul3A_14 : i32 to vector<16xi32>
    %mul3A_16 = arith.muli %iota3A, %mul3A_15 : vector<16xi32>
    %scan3A = arith.constant 0 : i32
    %scan3A_17 = arith.constant 0 : i32
    %scan3A_18 = arith.constant 128 : i32
    %scan3A_19 = arith.addi %scan3A_17, %scan3A_18 : i32
    %scan3A_20 = arith.constant 1 : i32
    scf.for %scan3A_598 = %scan3A_17 to %scan3A_19 step %scan3A_20  : i32 {
      %mul3A_599 = arith.constant 64 : i32
      %mul3A_600 = arith.muli %scan3A_598, %mul3A_599 : i32
      %add3A_601 = arith.constant 0 : i32
      %add3A_602 = arith.addi %mul3A_600, %add3A_601 : i32
      %swap3A_603 = arith.index_cast %add3A_602 : i32 to index
      %swap3A_604 = tpu.vector_load %arg8[%swap3A_603] {strides = array<i32>} : memref<8192xf32, #tpu.memory_space<vmem>>, vector<16xf32>,
      tpu.vector_store %arg8[%swap3A_603], %broadcast_in_dim3A_13 {strides = array<i32>} : memref<8192xf32, #tpu.memory_space<vmem>>, vector<16xf32>,
      %mul3A_605 = arith.constant 64 : i32
      %mul3A_606 = arith.muli %scan3A_598, %mul3A_605 : i32
      %add3A_607 = arith.constant 16 : i32
      %add3A_608 = arith.addi %mul3A_606, %add3A_607 : i32
      %swap3A_609 = arith.index_cast %add3A_608 : i32 to index
      %swap3A_610 = tpu.vector_load %arg8[%swap3A_609] {strides = array<i32>} : memref<8192xf32, #tpu.memory_space<vmem>>, vector<16xf32>,
      tpu.vector_store %arg8[%swap3A_609], %broadcast_in_dim3A_13 {strides = array<i32>} : memref<8192xf32, #tpu.memory_space<vmem>>, vector<16xf32>,
      %mul3A_611 = arith.constant 64 : i32
      %mul3A_612 = arith.muli %scan3A_598, %mul3A_611 : i32
      %add3A_613 = arith.constant 32 : i32
      %add3A_614 = arith.addi %mul3A_612, %add3A_613 : i32
      %swap3A_615 = arith.index_cast %add3A_614 : i32 to index
      %swap3A_616 = tpu.vector_load %arg8[%swap3A_615] {strides = array<i32>} : memref<8192xf32, #tpu.memory_space<vmem>>, vector<16xf32>,
      tpu.vector_store %arg8[%swap3A_615], %broadcast_in_dim3A_13 {strides = array<i32>} : memref<8192xf32, #tpu.memory_space<vmem>>, vector<16xf32>,
      %mul3A_617 = arith.constant 64 : i32
      %mul3A_618 = arith.muli %scan3A_598, %mul3A_617 : i32
      %add3A_619 = arith.constant 48 : i32
      %add3A_620 = arith.addi %mul3A_618, %add3A_619 : i32
      %swap3A_621 = arith.index_cast %add3A_620 : i32 to index
      %swap3A_622 = tpu.vector_load %arg8[%swap3A_621] {strides = array<i32>} : memref<8192xf32, #tpu.memory_space<vmem>>, vector<16xf32>,
      tpu.vector_store %arg8[%swap3A_621], %broadcast_in_dim3A_13 {strides = array<i32>} : memref<8192xf32, #tpu.memory_space<vmem>>, vector<16xf32>,
    }
    %scan3A_21 = arith.constant 128 : i32
    %dma_wait3A = tpu.memref_slice %arg2[%mul3A_0] : memref<61440xf32, #tpu.memory_space<hbm>> -> memref<3840xf32, #tpu.memory_space<hbm>>
    %dma_wait3A_22 = tpu.memref_slice %arg2[%mul3A_0] : memref<61440xf32, #tpu.memory_space<hbm>> -> memref<3840xf32, #tpu.memory_space<hbm>>
    tpu.wait_dma2 semaphore(%arg14 : memref<!tpu.dma_semaphore, #tpu.memory_space<semaphore_mem>>) src(%dma_wait3A_22 : memref<3840xf32, #tpu.memory_space<hbm>>) dst(%arg6 : memref<3840xf32, #tpu.memory_space<vmem>>)
    %dma_wait3A_23 = arith.constant 0 : i32
    %dma_wait3A_24 = tpu.memref_slice %arg7[%dma_wait3A_23] : memref<3840xi32, #tpu.memory_space<vmem>> -> memref<3840xi32, #tpu.memory_space<vmem>>
    %dma_wait3A_25 = tpu.memref_slice %arg3[%add3A_2] : memref<100000xi32, #tpu.memory_space<hbm>> -> memref<3840xi32, #tpu.memory_space<hbm>>
    %dma_wait3A_26 = arith.constant 0 : i32
    %dma_wait3A_27 = tpu.memref_slice %arg7[%dma_wait3A_26] : memref<3840xi32, #tpu.memory_space<vmem>> -> memref<3840xi32, #tpu.memory_space<vmem>>
    %dma_wait3A_28 = tpu.memref_slice %arg3[%add3A_2] : memref<100000xi32, #tpu.memory_space<hbm>> -> memref<3840xi32, #tpu.memory_space<hbm>>
    tpu.wait_dma2 semaphore(%arg15 : memref<!tpu.dma_semaphore, #tpu.memory_space<semaphore_mem>>) src(%dma_wait3A_28 : memref<3840xi32, #tpu.memory_space<hbm>>) dst(%dma_wait3A_27 : memref<3840xi32, #tpu.memory_space<vmem>>)
    %dma_wait3A_29 = tpu.memref_slice %arg4[%mul3A_10] : memref<512xf32, #tpu.memory_space<hbm>> -> memref<32xf32, #tpu.memory_space<hbm>>
    %dma_wait3A_30 = tpu.memref_slice %arg4[%mul3A_10] : memref<512xf32, #tpu.memory_space<hbm>> -> memref<32xf32, #tpu.memory_space<hbm>>
    tpu.wait_dma2 semaphore(%arg15 : memref<!tpu.dma_semaphore, #tpu.memory_space<semaphore_mem>>) src(%dma_wait3A_30 : memref<32xf32, #tpu.memory_space<hbm>>) dst(%arg12 : memref<32xf32, #tpu.memory_space<vmem>>)
    %lt3A = arith.constant 15 : i32
    %lt3A_31 = arith.cmpi slt, %arg1, %lt3A : i32
    %jit3A = arith.constant 120 : i32
    %jit3A_32 = arith.constant 120 : i32
    %select_n3A = arith.select %lt3A_31, %jit3A, %jit3A_32 : i32
    %while3A = arith.constant 0 : i32
    %while3A_33 = arith.constant 0 : i32
    %while3A_34 = arith.subi %select_n3A, %while3A_33 : i32
    %while3A_35 = arith.addi %while3A_33, %while3A_34 : i32
    %while3A_36 = arith.constant 1 : i32
    %while3A_37 = arith.divsi %while3A_34, %while3A_36 : i32
    %while3A_38 = arith.muli %while3A_37, %while3A_36 : i32
    %while3A_39 = arith.addi %while3A_33, %while3A_38 : i32
    %while3A_40 = arith.constant 1 : i32
    scf.for %while3A_598 = %while3A_33 to %while3A_39 step %while3A_40  : i32 {
      %mul3A_599 = arith.constant 2 : i32
      %mul3A_600 = arith.muli %while3A_598, %mul3A_599 : i32
      %add3A_601 = arith.constant 0 : i32
      %add3A_602 = arith.addi %mul3A_600, %add3A_601 : i32
      %mul3A_603 = arith.constant 16 : i32
      %mul3A_604 = arith.muli %add3A_602, %mul3A_603 : i32
      %get3A_605 = arith.index_cast %mul3A_604 : i32 to index
      %get3A_606 = tpu.vector_load %arg7[%get3A_605] {strides = array<i32>} : memref<3840xi32, #tpu.memory_space<vmem>>, vector<16xi32>,
      %add3A_607 = arith.addi %get3A_606, %mul3A_16 : vector<16xi32>
      %mul3A_608 = arith.constant 16 : i32
      %mul3A_609 = arith.muli %add3A_602, %mul3A_608 : i32
      %get3A_610 = arith.index_cast %mul3A_609 : i32 to index
      %get3A_611 = tpu.vector_load %arg6[%get3A_610] {strides = array<i32>} : memref<3840xf32, #tpu.memory_space<vmem>>, vector<16xf32>,
      tpu.vector_store_idx %arg8[%add3A_607], %get3A_611 {add = true} : memref<8192xf32, #tpu.memory_space<vmem>>[vector<16xi32>], vector<16xf32>,
      %mul3A_612 = arith.constant 2 : i32
      %mul3A_613 = arith.muli %while3A_598, %mul3A_612 : i32
      %add3A_614 = arith.constant 1 : i32
      %add3A_615 = arith.addi %mul3A_613, %add3A_614 : i32
      %mul3A_616 = arith.constant 16 : i32
      %mul3A_617 = arith.muli %add3A_615, %mul3A_616 : i32
      %get3A_618 = arith.index_cast %mul3A_617 : i32 to index
      %get3A_619 = tpu.vector_load %arg7[%get3A_618] {strides = array<i32>} : memref<3840xi32, #tpu.memory_space<vmem>>, vector<16xi32>,
      %add3A_620 = arith.addi %get3A_619, %mul3A_16 : vector<16xi32>
      %mul3A_621 = arith.constant 16 : i32
      %mul3A_622 = arith.muli %add3A_615, %mul3A_621 : i32
      %get3A_623 = arith.index_cast %mul3A_622 : i32 to index
      %get3A_624 = tpu.vector_load %arg6[%get3A_623] {strides = array<i32>} : memref<3840xf32, #tpu.memory_space<vmem>>, vector<16xf32>,
      tpu.vector_store_idx %arg8[%add3A_620], %get3A_624 {add = true} : memref<8192xf32, #tpu.memory_space<vmem>>[vector<16xi32>], vector<16xf32>,
    }
    %while3A_41 = arith.constant 1 : i32
    scf.for %while3A_598 = %while3A_39 to %while3A_35 step %while3A_41  : i32 {
      %mul3A_599 = arith.constant 2 : i32
      %mul3A_600 = arith.muli %while3A_598, %mul3A_599 : i32
      %add3A_601 = arith.constant 0 : i32
      %add3A_602 = arith.addi %mul3A_600, %add3A_601 : i32
      %mul3A_603 = arith.constant 16 : i32
      %mul3A_604 = arith.muli %add3A_602, %mul3A_603 : i32
      %get3A_605 = arith.index_cast %mul3A_604 : i32 to index
      %get3A_606 = tpu.vector_load %arg7[%get3A_605] {strides = array<i32>} : memref<3840xi32, #tpu.memory_space<vmem>>, vector<16xi32>,
      %add3A_607 = arith.addi %get3A_606, %mul3A_16 : vector<16xi32>
      %mul3A_608 = arith.constant 16 : i32
      %mul3A_609 = arith.muli %add3A_602, %mul3A_608 : i32
      %get3A_610 = arith.index_cast %mul3A_609 : i32 to index
      %get3A_611 = tpu.vector_load %arg6[%get3A_610] {strides = array<i32>} : memref<3840xf32, #tpu.memory_space<vmem>>, vector<16xf32>,
      tpu.vector_store_idx %arg8[%add3A_607], %get3A_611 {add = true} : memref<8192xf32, #tpu.memory_space<vmem>>[vector<16xi32>], vector<16xf32>,
      %mul3A_612 = arith.constant 2 : i32
      %mul3A_613 = arith.muli %while3A_598, %mul3A_612 : i32
      %add3A_614 = arith.constant 1 : i32
      %add3A_615 = arith.addi %mul3A_613, %add3A_614 : i32
      %mul3A_616 = arith.constant 16 : i32
      %mul3A_617 = arith.muli %add3A_615, %mul3A_616 : i32
      %get3A_618 = arith.index_cast %mul3A_617 : i32 to index
      %get3A_619 = tpu.vector_load %arg7[%get3A_618] {strides = array<i32>} : memref<3840xi32, #tpu.memory_space<vmem>>, vector<16xi32>,
      %add3A_620 = arith.addi %get3A_619, %mul3A_16 : vector<16xi32>
      %mul3A_621 = arith.constant 16 : i32
      %mul3A_622 = arith.muli %add3A_615, %mul3A_621 : i32
      %get3A_623 = arith.index_cast %mul3A_622 : i32 to index
      %get3A_624 = tpu.vector_load %arg6[%get3A_623] {strides = array<i32>} : memref<3840xf32, #tpu.memory_space<vmem>>, vector<16xf32>,
      tpu.vector_store_idx %arg8[%add3A_620], %get3A_624 {add = true} : memref<8192xf32, #tpu.memory_space<vmem>>[vector<16xi32>], vector<16xf32>,
    }
    %scan3A_42 = arith.constant 0 : i32
    %scan3A_43 = arith.constant 0 : i32
    %scan3A_44 = arith.constant 32 : i32
    %scan3A_45 = arith.addi %scan3A_43, %scan3A_44 : i32
    %scan3A_46 = arith.constant 1 : i32
    scf.for %scan3A_598 = %scan3A_43 to %scan3A_45 step %scan3A_46  : i32 {
      %mul3A_599 = arith.constant 16 : i32
      %mul3A_600 = arith.muli %scan3A_598, %mul3A_599 : i32
      %add3A_601 = arith.constant 0 : i32
      %add3A_602 = arith.addi %add3A_601, %mul3A_600 : i32
      %get3A_603 = arith.index_cast %add3A_602 : i32 to index
      %get3A_604 = tpu.vector_load %arg8[%get3A_603] {strides = array<i32>} : memref<8192xf32, #tpu.memory_space<vmem>>, vector<16xf32>,
      %add3A_605 = arith.addf %broadcast_in_dim3A_13, %get3A_604 : vector<16xf32>
      %mul3A_606 = arith.constant 16 : i32
      %mul3A_607 = arith.muli %scan3A_598, %mul3A_606 : i32
      %add3A_608 = arith.constant 512 : i32
      %add3A_609 = arith.addi %add3A_608, %mul3A_607 : i32
      %get3A_610 = arith.index_cast %add3A_609 : i32 to index
      %get3A_611 = tpu.vector_load %arg8[%get3A_610] {strides = array<i32>} : memref<8192xf32, #tpu.memory_space<vmem>>, vector<16xf32>,
      %add3A_612 = arith.addf %add3A_605, %get3A_611 : vector<16xf32>
      %mul3A_613 = arith.constant 16 : i32
      %mul3A_614 = arith.muli %scan3A_598, %mul3A_613 : i32
      %add3A_615 = arith.constant 1024 : i32
      %add3A_616 = arith.addi %add3A_615, %mul3A_614 : i32
      %get3A_617 = arith.index_cast %add3A_616 : i32 to index
      %get3A_618 = tpu.vector_load %arg8[%get3A_617] {strides = array<i32>} : memref<8192xf32, #tpu.memory_space<vmem>>, vector<16xf32>,
      %add3A_619 = arith.addf %add3A_612, %get3A_618 : vector<16xf32>
      %mul3A_620 = arith.constant 16 : i32
      %mul3A_621 = arith.muli %scan3A_598, %mul3A_620 : i32
      %add3A_622 = arith.constant 1536 : i32
      %add3A_623 = arith.addi %add3A_622, %mul3A_621 : i32
      %get3A_624 = arith.index_cast %add3A_623 : i32 to index
      %get3A_625 = tpu.vector_load %arg8[%get3A_624] {strides = array<i32>} : memref<8192xf32, #tpu.memory_space<vmem>>, vector<16xf32>,
      %add3A_626 = arith.addf %add3A_619, %get3A_625 : vector<16xf32>
      %mul3A_627 = arith.constant 16 : i32
      %mul3A_628 = arith.muli %scan3A_598, %mul3A_627 : i32
      %add3A_629 = arith.constant 2048 : i32
      %add3A_630 = arith.addi %add3A_629, %mul3A_628 : i32
      %get3A_631 = arith.index_cast %add3A_630 : i32 to index
      %get3A_632 = tpu.vector_load %arg8[%get3A_631] {strides = array<i32>} : memref<8192xf32, #tpu.memory_space<vmem>>, vector<16xf32>,
      %add3A_633 = arith.addf %add3A_626, %get3A_632 : vector<16xf32>
      %mul3A_634 = arith.constant 16 : i32
      %mul3A_635 = arith.muli %scan3A_598, %mul3A_634 : i32
      %add3A_636 = arith.constant 2560 : i32
      %add3A_637 = arith.addi %add3A_636, %mul3A_635 : i32
      %get3A_638 = arith.index_cast %add3A_637 : i32 to index
      %get3A_639 = tpu.vector_load %arg8[%get3A_638] {strides = array<i32>} : memref<8192xf32, #tpu.memory_space<vmem>>, vector<16xf32>,
      %add3A_640 = arith.addf %add3A_633, %get3A_639 : vector<16xf32>
      %mul3A_641 = arith.constant 16 : i32
      %mul3A_642 = arith.muli %scan3A_598, %mul3A_641 : i32
      %add3A_643 = arith.constant 3072 : i32
      %add3A_644 = arith.addi %add3A_643, %mul3A_642 : i32
      %get3A_645 = arith.index_cast %add3A_644 : i32 to index
      %get3A_646 = tpu.vector_load %arg8[%get3A_645] {strides = array<i32>} : memref<8192xf32, #tpu.memory_space<vmem>>, vector<16xf32>,
      %add3A_647 = arith.addf %add3A_640, %get3A_646 : vector<16xf32>
      %mul3A_648 = arith.constant 16 : i32
      %mul3A_649 = arith.muli %scan3A_598, %mul3A_648 : i32
      %add3A_650 = arith.constant 3584 : i32
      %add3A_651 = arith.addi %add3A_650, %mul3A_649 : i32
      %get3A_652 = arith.index_cast %add3A_651 : i32 to index
      %get3A_653 = tpu.vector_load %arg8[%get3A_652] {strides = array<i32>} : memref<8192xf32, #tpu.memory_space<vmem>>, vector<16xf32>,
      %add3A_654 = arith.addf %add3A_647, %get3A_653 : vector<16xf32>
      %mul3A_655 = arith.constant 16 : i32
      %mul3A_656 = arith.muli %scan3A_598, %mul3A_655 : i32
      %add3A_657 = arith.constant 4096 : i32
      %add3A_658 = arith.addi %add3A_657, %mul3A_656 : i32
      %get3A_659 = arith.index_cast %add3A_658 : i32 to index
      %get3A_660 = tpu.vector_load %arg8[%get3A_659] {strides = array<i32>} : memref<8192xf32, #tpu.memory_space<vmem>>, vector<16xf32>,
      %add3A_661 = arith.addf %add3A_654, %get3A_660 : vector<16xf32>
      %mul3A_662 = arith.constant 16 : i32
      %mul3A_663 = arith.muli %scan3A_598, %mul3A_662 : i32
      %add3A_664 = arith.constant 4608 : i32
      %add3A_665 = arith.addi %add3A_664, %mul3A_663 : i32
      %get3A_666 = arith.index_cast %add3A_665 : i32 to index
      %get3A_667 = tpu.vector_load %arg8[%get3A_666] {strides = array<i32>} : memref<8192xf32, #tpu.memory_space<vmem>>, vector<16xf32>,
      %add3A_668 = arith.addf %add3A_661, %get3A_667 : vector<16xf32>
      %mul3A_669 = arith.constant 16 : i32
      %mul3A_670 = arith.muli %scan3A_598, %mul3A_669 : i32
      %add3A_671 = arith.constant 5120 : i32
      %add3A_672 = arith.addi %add3A_671, %mul3A_670 : i32
      %get3A_673 = arith.index_cast %add3A_672 : i32 to index
      %get3A_674 = tpu.vector_load %arg8[%get3A_673] {strides = array<i32>} : memref<8192xf32, #tpu.memory_space<vmem>>, vector<16xf32>,
      %add3A_675 = arith.addf %add3A_668, %get3A_674 : vector<16xf32>
      %mul3A_676 = arith.constant 16 : i32
      %mul3A_677 = arith.muli %scan3A_598, %mul3A_676 : i32
      %add3A_678 = arith.constant 5632 : i32
      %add3A_679 = arith.addi %add3A_678, %mul3A_677 : i32
      %get3A_680 = arith.index_cast %add3A_679 : i32 to index
      %get3A_681 = tpu.vector_load %arg8[%get3A_680] {strides = array<i32>} : memref<8192xf32, #tpu.memory_space<vmem>>, vector<16xf32>,
      %add3A_682 = arith.addf %add3A_675, %get3A_681 : vector<16xf32>
      %mul3A_683 = arith.constant 16 : i32
      %mul3A_684 = arith.muli %scan3A_598, %mul3A_683 : i32
      %add3A_685 = arith.constant 6144 : i32
      %add3A_686 = arith.addi %add3A_685, %mul3A_684 : i32
      %get3A_687 = arith.index_cast %add3A_686 : i32 to index
      %get3A_688 = tpu.vector_load %arg8[%get3A_687] {strides = array<i32>} : memref<8192xf32, #tpu.memory_space<vmem>>, vector<16xf32>,
      %add3A_689 = arith.addf %add3A_682, %get3A_688 : vector<16xf32>
      %mul3A_690 = arith.constant 16 : i32
      %mul3A_691 = arith.muli %scan3A_598, %mul3A_690 : i32
      %add3A_692 = arith.constant 6656 : i32
      %add3A_693 = arith.addi %add3A_692, %mul3A_691 : i32
      %get3A_694 = arith.index_cast %add3A_693 : i32 to index
      %get3A_695 = tpu.vector_load %arg8[%get3A_694] {strides = array<i32>} : memref<8192xf32, #tpu.memory_space<vmem>>, vector<16xf32>,
      %add3A_696 = arith.addf %add3A_689, %get3A_695 : vector<16xf32>
      %mul3A_697 = arith.constant 16 : i32
      %mul3A_698 = arith.muli %scan3A_598, %mul3A_697 : i32
      %add3A_699 = arith.constant 7168 : i32
      %add3A_700 = arith.addi %add3A_699, %mul3A_698 : i32
      %get3A_701 = arith.index_cast %add3A_700 : i32 to index
      %get3A_702 = tpu.vector_load %arg8[%get3A_701] {strides = array<i32>} : memref<8192xf32, #tpu.memory_space<vmem>>, vector<16xf32>,
      %add3A_703 = arith.addf %add3A_696, %get3A_702 : vector<16xf32>
      %mul3A_704 = arith.constant 16 : i32
      %mul3A_705 = arith.muli %scan3A_598, %mul3A_704 : i32
      %add3A_706 = arith.constant 7680 : i32
      %add3A_707 = arith.addi %add3A_706, %mul3A_705 : i32
      %get3A_708 = arith.index_cast %add3A_707 : i32 to index
      %get3A_709 = tpu.vector_load %arg8[%get3A_708] {strides = array<i32>} : memref<8192xf32, #tpu.memory_space<vmem>>, vector<16xf32>,
      %add3A_710 = arith.addf %add3A_703, %get3A_709 : vector<16xf32>
      %mul3A_711 = arith.constant 16 : i32
      %mul3A_712 = arith.muli %scan3A_598, %mul3A_711 : i32
      %swap3A_713 = arith.index_cast %mul3A_712 : i32 to index
      %swap3A_714 = tpu.vector_load %arg9[%swap3A_713] {strides = array<i32>} : memref<512xf32, #tpu.memory_space<vmem>>, vector<16xf32>,
      tpu.vector_store %arg9[%swap3A_713], %add3A_710 {strides = array<i32>} : memref<512xf32, #tpu.memory_space<vmem>>, vector<16xf32>,
    }
    %scan3A_47 = arith.constant 32 : i32
    "tpu.region"() ({
      %run_scoped3A = tpu.sem_alloc : memref<!tpu.dma_semaphore, #tpu.memory_space<semaphore_mem>>
      %dma_start3A_598 = arith.constant 0 : i32
      %dma_start3A_599 = tpu.memref_slice %arg13[%arg1, %dma_start3A_598] : memref<16x512xf32, #tpu.memory_space<vmem_shared>> -> memref<1x512xf32, #tpu.memory_space<vmem_shared>>
      %dma_start3A_600 = tpu.memref_squeeze %dma_start3A_599 : memref<1x512xf32, #tpu.memory_space<vmem_shared>> -> memref<512xf32, #tpu.memory_space<vmem_shared>>
      %dma_start3A_601 = arith.constant 0 : i32
      %dma_start3A_602 = tpu.memref_slice %arg13[%arg1, %dma_start3A_601] : memref<16x512xf32, #tpu.memory_space<vmem_shared>> -> memref<1x512xf32, #tpu.memory_space<vmem_shared>>
      %dma_start3A_603 = tpu.memref_squeeze %dma_start3A_602 : memref<1x512xf32, #tpu.memory_space<vmem_shared>> -> memref<512xf32, #tpu.memory_space<vmem_shared>>
      tpu.enqueue_dma source(%arg9 : memref<512xf32, #tpu.memory_space<vmem>>) target(%dma_start3A_603 : memref<512xf32, #tpu.memory_space<vmem_shared>>) target_semaphore(%run_scoped3A : memref<!tpu.dma_semaphore, #tpu.memory_space<semaphore_mem>>)
      %dma_wait3A_604 = arith.constant 0 : i32
      %dma_wait3A_605 = tpu.memref_slice %arg13[%arg1, %dma_wait3A_604] : memref<16x512xf32, #tpu.memory_space<vmem_shared>> -> memref<1x512xf32, #tpu.memory_space<vmem_shared>>
      %dma_wait3A_606 = tpu.memref_squeeze %dma_wait3A_605 : memref<1x512xf32, #tpu.memory_space<vmem_shared>> -> memref<512xf32, #tpu.memory_space<vmem_shared>>
      %dma_wait3A_607 = arith.constant 0 : i32
      %dma_wait3A_608 = tpu.memref_slice %arg13[%arg1, %dma_wait3A_607] : memref<16x512xf32, #tpu.memory_space<vmem_shared>> -> memref<1x512xf32, #tpu.memory_space<vmem_shared>>
      %dma_wait3A_609 = tpu.memref_squeeze %dma_wait3A_608 : memref<1x512xf32, #tpu.memory_space<vmem_shared>> -> memref<512xf32, #tpu.memory_space<vmem_shared>>
      tpu.wait_dma2 semaphore(%run_scoped3A : memref<!tpu.dma_semaphore, #tpu.memory_space<semaphore_mem>>) src(%arg9 : memref<512xf32, #tpu.memory_space<vmem>>) dst(%dma_wait3A_609 : memref<512xf32, #tpu.memory_space<vmem_shared>>)
      tpu.yield
    }) : () -> ()
    %barrier3A = arith.constant 0 : index
    tpu.barrier barrier_id(%barrier3A)
    %dma_start3A_48 = arith.constant 0 : i32
    %dma_start3A_49 = arith.constant 0 : i32
    %dma_start3A_50 = arith.constant 0 : i32
    %dma_start3A_51 = tpu.memref_slice %arg10[%dma_start3A_49, %dma_start3A_50] : memref<16x32xf32, #tpu.memory_space<vmem>> -> memref<1x32xf32, #tpu.memory_space<vmem>>
    %dma_start3A_52 = tpu.memref_squeeze %dma_start3A_51 : memref<1x32xf32, #tpu.memory_space<vmem>> -> memref<32xf32, #tpu.memory_space<vmem>>
    %dma_start3A_53 = tpu.memref_slice %arg13[%dma_start3A_48, %mul3A_10] : memref<16x512xf32, #tpu.memory_space<vmem_shared>> -> memref<1x32xf32, #tpu.memory_space<vmem_shared>>
    %dma_start3A_54 = tpu.memref_squeeze %dma_start3A_53 : memref<1x32xf32, #tpu.memory_space<vmem_shared>> -> memref<32xf32, #tpu.memory_space<vmem_shared>>
    %dma_start3A_55 = arith.constant 0 : i32
    %dma_start3A_56 = tpu.memref_slice %arg10[%dma_start3A_49, %dma_start3A_55] : memref<16x32xf32, #tpu.memory_space<vmem>> -> memref<1x32xf32, #tpu.memory_space<vmem>>
    %dma_start3A_57 = tpu.memref_squeeze %dma_start3A_56 : memref<1x32xf32, #tpu.memory_space<vmem>> -> memref<32xf32, #tpu.memory_space<vmem>>
    %dma_start3A_58 = tpu.memref_slice %arg13[%dma_start3A_48, %mul3A_10] : memref<16x512xf32, #tpu.memory_space<vmem_shared>> -> memref<1x32xf32, #tpu.memory_space<vmem_shared>>
    %dma_start3A_59 = tpu.memref_squeeze %dma_start3A_58 : memref<1x32xf32, #tpu.memory_space<vmem_shared>> -> memref<32xf32, #tpu.memory_space<vmem_shared>>
    tpu.enqueue_dma source(%dma_start3A_59 : memref<32xf32, #tpu.memory_space<vmem_shared>>) target(%dma_start3A_57 : memref<32xf32, #tpu.memory_space<vmem>>) target_semaphore(%arg14 : memref<!tpu.dma_semaphore, #tpu.memory_space<semaphore_mem>>)
    %dma_start3A_60 = arith.constant 1 : i32
    %dma_start3A_61 = arith.constant 1 : i32
    %dma_start3A_62 = arith.constant 0 : i32
    %dma_start3A_63 = tpu.memref_slice %arg10[%dma_start3A_61, %dma_start3A_62] : memref<16x32xf32, #tpu.memory_space<vmem>> -> memref<1x32xf32, #tpu.memory_space<vmem>>
    %dma_start3A_64 = tpu.memref_squeeze %dma_start3A_63 : memref<1x32xf32, #tpu.memory_space<vmem>> -> memref<32xf32, #tpu.memory_space<vmem>>
    %dma_start3A_65 = tpu.memref_slice %arg13[%dma_start3A_60, %mul3A_10] : memref<16x512xf32, #tpu.memory_space<vmem_shared>> -> memref<1x32xf32, #tpu.memory_space<vmem_shared>>
    %dma_start3A_66 = tpu.memref_squeeze %dma_start3A_65 : memref<1x32xf32, #tpu.memory_space<vmem_shared>> -> memref<32xf32, #tpu.memory_space<vmem_shared>>
    %dma_start3A_67 = arith.constant 0 : i32
    %dma_start3A_68 = tpu.memref_slice %arg10[%dma_start3A_61, %dma_start3A_67] : memref<16x32xf32, #tpu.memory_space<vmem>> -> memref<1x32xf32, #tpu.memory_space<vmem>>
    %dma_start3A_69 = tpu.memref_squeeze %dma_start3A_68 : memref<1x32xf32, #tpu.memory_space<vmem>> -> memref<32xf32, #tpu.memory_space<vmem>>
    %dma_start3A_70 = tpu.memref_slice %arg13[%dma_start3A_60, %mul3A_10] : memref<16x512xf32, #tpu.memory_space<vmem_shared>> -> memref<1x32xf32, #tpu.memory_space<vmem_shared>>
    %dma_start3A_71 = tpu.memref_squeeze %dma_start3A_70 : memref<1x32xf32, #tpu.memory_space<vmem_shared>> -> memref<32xf32, #tpu.memory_space<vmem_shared>>
    tpu.enqueue_dma source(%dma_start3A_71 : memref<32xf32, #tpu.memory_space<vmem_shared>>) target(%dma_start3A_69 : memref<32xf32, #tpu.memory_space<vmem>>) target_semaphore(%arg14 : memref<!tpu.dma_semaphore, #tpu.memory_space<semaphore_mem>>)
    %dma_start3A_72 = arith.constant 2 : i32
    %dma_start3A_73 = arith.constant 2 : i32
    %dma_start3A_74 = arith.constant 0 : i32
    %dma_start3A_75 = tpu.memref_slice %arg10[%dma_start3A_73, %dma_start3A_74] : memref<16x32xf32, #tpu.memory_space<vmem>> -> memref<1x32xf32, #tpu.memory_space<vmem>>
    %dma_start3A_76 = tpu.memref_squeeze %dma_start3A_75 : memref<1x32xf32, #tpu.memory_space<vmem>> -> memref<32xf32, #tpu.memory_space<vmem>>
    %dma_start3A_77 = tpu.memref_slice %arg13[%dma_start3A_72, %mul3A_10] : memref<16x512xf32, #tpu.memory_space<vmem_shared>> -> memref<1x32xf32, #tpu.memory_space<vmem_shared>>
    %dma_start3A_78 = tpu.memref_squeeze %dma_start3A_77 : memref<1x32xf32, #tpu.memory_space<vmem_shared>> -> memref<32xf32, #tpu.memory_space<vmem_shared>>
    %dma_start3A_79 = arith.constant 0 : i32
    %dma_start3A_80 = tpu.memref_slice %arg10[%dma_start3A_73, %dma_start3A_79] : memref<16x32xf32, #tpu.memory_space<vmem>> -> memref<1x32xf32, #tpu.memory_space<vmem>>
    %dma_start3A_81 = tpu.memref_squeeze %dma_start3A_80 : memref<1x32xf32, #tpu.memory_space<vmem>> -> memref<32xf32, #tpu.memory_space<vmem>>
    %dma_start3A_82 = tpu.memref_slice %arg13[%dma_start3A_72, %mul3A_10] : memref<16x512xf32, #tpu.memory_space<vmem_shared>> -> memref<1x32xf32, #tpu.memory_space<vmem_shared>>
    %dma_start3A_83 = tpu.memref_squeeze %dma_start3A_82 : memref<1x32xf32, #tpu.memory_space<vmem_shared>> -> memref<32xf32, #tpu.memory_space<vmem_shared>>
    tpu.enqueue_dma source(%dma_start3A_83 : memref<32xf32, #tpu.memory_space<vmem_shared>>) target(%dma_start3A_81 : memref<32xf32, #tpu.memory_space<vmem>>) target_semaphore(%arg14 : memref<!tpu.dma_semaphore, #tpu.memory_space<semaphore_mem>>)
    %dma_start3A_84 = arith.constant 3 : i32
    %dma_start3A_85 = arith.constant 3 : i32
    %dma_start3A_86 = arith.constant 0 : i32
    %dma_start3A_87 = tpu.memref_slice %arg10[%dma_start3A_85, %dma_start3A_86] : memref<16x32xf32, #tpu.memory_space<vmem>> -> memref<1x32xf32, #tpu.memory_space<vmem>>
    %dma_start3A_88 = tpu.memref_squeeze %dma_start3A_87 : memref<1x32xf32, #tpu.memory_space<vmem>> -> memref<32xf32, #tpu.memory_space<vmem>>
    %dma_start3A_89 = tpu.memref_slice %arg13[%dma_start3A_84, %mul3A_10] : memref<16x512xf32, #tpu.memory_space<vmem_shared>> -> memref<1x32xf32, #tpu.memory_space<vmem_shared>>
    %dma_start3A_90 = tpu.memref_squeeze %dma_start3A_89 : memref<1x32xf32, #tpu.memory_space<vmem_shared>> -> memref<32xf32, #tpu.memory_space<vmem_shared>>
    %dma_start3A_91 = arith.constant 0 : i32
    %dma_start3A_92 = tpu.memref_slice %arg10[%dma_start3A_85, %dma_start3A_91] : memref<16x32xf32, #tpu.memory_space<vmem>> -> memref<1x32xf32, #tpu.memory_space<vmem>>
    %dma_start3A_93 = tpu.memref_squeeze %dma_start3A_92 : memref<1x32xf32, #tpu.memory_space<vmem>> -> memref<32xf32, #tpu.memory_space<vmem>>
    %dma_start3A_94 = tpu.memref_slice %arg13[%dma_start3A_84, %mul3A_10] : memref<16x512xf32, #tpu.memory_space<vmem_shared>> -> memref<1x32xf32, #tpu.memory_space<vmem_shared>>
    %dma_start3A_95 = tpu.memref_squeeze %dma_start3A_94 : memref<1x32xf32, #tpu.memory_space<vmem_shared>> -> memref<32xf32, #tpu.memory_space<vmem_shared>>
    tpu.enqueue_dma source(%dma_start3A_95 : memref<32xf32, #tpu.memory_space<vmem_shared>>) target(%dma_start3A_93 : memref<32xf32, #tpu.memory_space<vmem>>) target_semaphore(%arg14 : memref<!tpu.dma_semaphore, #tpu.memory_space<semaphore_mem>>)
    %dma_start3A_96 = arith.constant 4 : i32
    %dma_start3A_97 = arith.constant 4 : i32
    %dma_start3A_98 = arith.constant 0 : i32
    %dma_start3A_99 = tpu.memref_slice %arg10[%dma_start3A_97, %dma_start3A_98] : memref<16x32xf32, #tpu.memory_space<vmem>> -> memref<1x32xf32, #tpu.memory_space<vmem>>
    %dma_start3A_100 = tpu.memref_squeeze %dma_start3A_99 : memref<1x32xf32, #tpu.memory_space<vmem>> -> memref<32xf32, #tpu.memory_space<vmem>>
    %dma_start3A_101 = tpu.memref_slice %arg13[%dma_start3A_96, %mul3A_10] : memref<16x512xf32, #tpu.memory_space<vmem_shared>> -> memref<1x32xf32, #tpu.memory_space<vmem_shared>>
    %dma_start3A_102 = tpu.memref_squeeze %dma_start3A_101 : memref<1x32xf32, #tpu.memory_space<vmem_shared>> -> memref<32xf32, #tpu.memory_space<vmem_shared>>
    %dma_start3A_103 = arith.constant 0 : i32
    %dma_start3A_104 = tpu.memref_slice %arg10[%dma_start3A_97, %dma_start3A_103] : memref<16x32xf32, #tpu.memory_space<vmem>> -> memref<1x32xf32, #tpu.memory_space<vmem>>
    %dma_start3A_105 = tpu.memref_squeeze %dma_start3A_104 : memref<1x32xf32, #tpu.memory_space<vmem>> -> memref<32xf32, #tpu.memory_space<vmem>>
    %dma_start3A_106 = tpu.memref_slice %arg13[%dma_start3A_96, %mul3A_10] : memref<16x512xf32, #tpu.memory_space<vmem_shared>> -> memref<1x32xf32, #tpu.memory_space<vmem_shared>>
    %dma_start3A_107 = tpu.memref_squeeze %dma_start3A_106 : memref<1x32xf32, #tpu.memory_space<vmem_shared>> -> memref<32xf32, #tpu.memory_space<vmem_shared>>
    tpu.enqueue_dma source(%dma_start3A_107 : memref<32xf32, #tpu.memory_space<vmem_shared>>) target(%dma_start3A_105 : memref<32xf32, #tpu.memory_space<vmem>>) target_semaphore(%arg14 : memref<!tpu.dma_semaphore, #tpu.memory_space<semaphore_mem>>)
    %dma_start3A_108 = arith.constant 5 : i32
    %dma_start3A_109 = arith.constant 5 : i32
    %dma_start3A_110 = arith.constant 0 : i32
    %dma_start3A_111 = tpu.memref_slice %arg10[%dma_start3A_109, %dma_start3A_110] : memref<16x32xf32, #tpu.memory_space<vmem>> -> memref<1x32xf32, #tpu.memory_space<vmem>>
    %dma_start3A_112 = tpu.memref_squeeze %dma_start3A_111 : memref<1x32xf32, #tpu.memory_space<vmem>> -> memref<32xf32, #tpu.memory_space<vmem>>
    %dma_start3A_113 = tpu.memref_slice %arg13[%dma_start3A_108, %mul3A_10] : memref<16x512xf32, #tpu.memory_space<vmem_shared>> -> memref<1x32xf32, #tpu.memory_space<vmem_shared>>
    %dma_start3A_114 = tpu.memref_squeeze %dma_start3A_113 : memref<1x32xf32, #tpu.memory_space<vmem_shared>> -> memref<32xf32, #tpu.memory_space<vmem_shared>>
    %dma_start3A_115 = arith.constant 0 : i32
    %dma_start3A_116 = tpu.memref_slice %arg10[%dma_start3A_109, %dma_start3A_115] : memref<16x32xf32, #tpu.memory_space<vmem>> -> memref<1x32xf32, #tpu.memory_space<vmem>>
    %dma_start3A_117 = tpu.memref_squeeze %dma_start3A_116 : memref<1x32xf32, #tpu.memory_space<vmem>> -> memref<32xf32, #tpu.memory_space<vmem>>
    %dma_start3A_118 = tpu.memref_slice %arg13[%dma_start3A_108, %mul3A_10] : memref<16x512xf32, #tpu.memory_space<vmem_shared>> -> memref<1x32xf32, #tpu.memory_space<vmem_shared>>
    %dma_start3A_119 = tpu.memref_squeeze %dma_start3A_118 : memref<1x32xf32, #tpu.memory_space<vmem_shared>> -> memref<32xf32, #tpu.memory_space<vmem_shared>>
    tpu.enqueue_dma source(%dma_start3A_119 : memref<32xf32, #tpu.memory_space<vmem_shared>>) target(%dma_start3A_117 : memref<32xf32, #tpu.memory_space<vmem>>) target_semaphore(%arg14 : memref<!tpu.dma_semaphore, #tpu.memory_space<semaphore_mem>>)
    %dma_start3A_120 = arith.constant 6 : i32
    %dma_start3A_121 = arith.constant 6 : i32
    %dma_start3A_122 = arith.constant 0 : i32
    %dma_start3A_123 = tpu.memref_slice %arg10[%dma_start3A_121, %dma_start3A_122] : memref<16x32xf32, #tpu.memory_space<vmem>> -> memref<1x32xf32, #tpu.memory_space<vmem>>
    %dma_start3A_124 = tpu.memref_squeeze %dma_start3A_123 : memref<1x32xf32, #tpu.memory_space<vmem>> -> memref<32xf32, #tpu.memory_space<vmem>>
    %dma_start3A_125 = tpu.memref_slice %arg13[%dma_start3A_120, %mul3A_10] : memref<16x512xf32, #tpu.memory_space<vmem_shared>> -> memref<1x32xf32, #tpu.memory_space<vmem_shared>>
    %dma_start3A_126 = tpu.memref_squeeze %dma_start3A_125 : memref<1x32xf32, #tpu.memory_space<vmem_shared>> -> memref<32xf32, #tpu.memory_space<vmem_shared>>
    %dma_start3A_127 = arith.constant 0 : i32
    %dma_start3A_128 = tpu.memref_slice %arg10[%dma_start3A_121, %dma_start3A_127] : memref<16x32xf32, #tpu.memory_space<vmem>> -> memref<1x32xf32, #tpu.memory_space<vmem>>
    %dma_start3A_129 = tpu.memref_squeeze %dma_start3A_128 : memref<1x32xf32, #tpu.memory_space<vmem>> -> memref<32xf32, #tpu.memory_space<vmem>>
    %dma_start3A_130 = tpu.memref_slice %arg13[%dma_start3A_120, %mul3A_10] : memref<16x512xf32, #tpu.memory_space<vmem_shared>> -> memref<1x32xf32, #tpu.memory_space<vmem_shared>>
    %dma_start3A_131 = tpu.memref_squeeze %dma_start3A_130 : memref<1x32xf32, #tpu.memory_space<vmem_shared>> -> memref<32xf32, #tpu.memory_space<vmem_shared>>
    tpu.enqueue_dma source(%dma_start3A_131 : memref<32xf32, #tpu.memory_space<vmem_shared>>) target(%dma_start3A_129 : memref<32xf32, #tpu.memory_space<vmem>>) target_semaphore(%arg14 : memref<!tpu.dma_semaphore, #tpu.memory_space<semaphore_mem>>)
    %dma_start3A_132 = arith.constant 7 : i32
    %dma_start3A_133 = arith.constant 7 : i32
    %dma_start3A_134 = arith.constant 0 : i32
    %dma_start3A_135 = tpu.memref_slice %arg10[%dma_start3A_133, %dma_start3A_134] : memref<16x32xf32, #tpu.memory_space<vmem>> -> memref<1x32xf32, #tpu.memory_space<vmem>>
    %dma_start3A_136 = tpu.memref_squeeze %dma_start3A_135 : memref<1x32xf32, #tpu.memory_space<vmem>> -> memref<32xf32, #tpu.memory_space<vmem>>
    %dma_start3A_137 = tpu.memref_slice %arg13[%dma_start3A_132, %mul3A_10] : memref<16x512xf32, #tpu.memory_space<vmem_shared>> -> memref<1x32xf32, #tpu.memory_space<vmem_shared>>
    %dma_start3A_138 = tpu.memref_squeeze %dma_start3A_137 : memref<1x32xf32, #tpu.memory_space<vmem_shared>> -> memref<32xf32, #tpu.memory_space<vmem_shared>>
    %dma_start3A_139 = arith.constant 0 : i32
    %dma_start3A_140 = tpu.memref_slice %arg10[%dma_start3A_133, %dma_start3A_139] : memref<16x32xf32, #tpu.memory_space<vmem>> -> memref<1x32xf32, #tpu.memory_space<vmem>>
    %dma_start3A_141 = tpu.memref_squeeze %dma_start3A_140 : memref<1x32xf32, #tpu.memory_space<vmem>> -> memref<32xf32, #tpu.memory_space<vmem>>
    %dma_start3A_142 = tpu.memref_slice %arg13[%dma_start3A_132, %mul3A_10] : memref<16x512xf32, #tpu.memory_space<vmem_shared>> -> memref<1x32xf32, #tpu.memory_space<vmem_shared>>
    %dma_start3A_143 = tpu.memref_squeeze %dma_start3A_142 : memref<1x32xf32, #tpu.memory_space<vmem_shared>> -> memref<32xf32, #tpu.memory_space<vmem_shared>>
    tpu.enqueue_dma source(%dma_start3A_143 : memref<32xf32, #tpu.memory_space<vmem_shared>>) target(%dma_start3A_141 : memref<32xf32, #tpu.memory_space<vmem>>) target_semaphore(%arg14 : memref<!tpu.dma_semaphore, #tpu.memory_space<semaphore_mem>>)
    %dma_start3A_144 = arith.constant 8 : i32
    %dma_start3A_145 = arith.constant 8 : i32
    %dma_start3A_146 = arith.constant 0 : i32
    %dma_start3A_147 = tpu.memref_slice %arg10[%dma_start3A_145, %dma_start3A_146] : memref<16x32xf32, #tpu.memory_space<vmem>> -> memref<1x32xf32, #tpu.memory_space<vmem>>
    %dma_start3A_148 = tpu.memref_squeeze %dma_start3A_147 : memref<1x32xf32, #tpu.memory_space<vmem>> -> memref<32xf32, #tpu.memory_space<vmem>>
    %dma_start3A_149 = tpu.memref_slice %arg13[%dma_start3A_144, %mul3A_10] : memref<16x512xf32, #tpu.memory_space<vmem_shared>> -> memref<1x32xf32, #tpu.memory_space<vmem_shared>>
    %dma_start3A_150 = tpu.memref_squeeze %dma_start3A_149 : memref<1x32xf32, #tpu.memory_space<vmem_shared>> -> memref<32xf32, #tpu.memory_space<vmem_shared>>
    %dma_start3A_151 = arith.constant 0 : i32
    %dma_start3A_152 = tpu.memref_slice %arg10[%dma_start3A_145, %dma_start3A_151] : memref<16x32xf32, #tpu.memory_space<vmem>> -> memref<1x32xf32, #tpu.memory_space<vmem>>
    %dma_start3A_153 = tpu.memref_squeeze %dma_start3A_152 : memref<1x32xf32, #tpu.memory_space<vmem>> -> memref<32xf32, #tpu.memory_space<vmem>>
    %dma_start3A_154 = tpu.memref_slice %arg13[%dma_start3A_144, %mul3A_10] : memref<16x512xf32, #tpu.memory_space<vmem_shared>> -> memref<1x32xf32, #tpu.memory_space<vmem_shared>>
    %dma_start3A_155 = tpu.memref_squeeze %dma_start3A_154 : memref<1x32xf32, #tpu.memory_space<vmem_shared>> -> memref<32xf32, #tpu.memory_space<vmem_shared>>
    tpu.enqueue_dma source(%dma_start3A_155 : memref<32xf32, #tpu.memory_space<vmem_shared>>) target(%dma_start3A_153 : memref<32xf32, #tpu.memory_space<vmem>>) target_semaphore(%arg14 : memref<!tpu.dma_semaphore, #tpu.memory_space<semaphore_mem>>)
    %dma_start3A_156 = arith.constant 9 : i32
    %dma_start3A_157 = arith.constant 9 : i32
    %dma_start3A_158 = arith.constant 0 : i32
    %dma_start3A_159 = tpu.memref_slice %arg10[%dma_start3A_157, %dma_start3A_158] : memref<16x32xf32, #tpu.memory_space<vmem>> -> memref<1x32xf32, #tpu.memory_space<vmem>>
    %dma_start3A_160 = tpu.memref_squeeze %dma_start3A_159 : memref<1x32xf32, #tpu.memory_space<vmem>> -> memref<32xf32, #tpu.memory_space<vmem>>
    %dma_start3A_161 = tpu.memref_slice %arg13[%dma_start3A_156, %mul3A_10] : memref<16x512xf32, #tpu.memory_space<vmem_shared>> -> memref<1x32xf32, #tpu.memory_space<vmem_shared>>
    %dma_start3A_162 = tpu.memref_squeeze %dma_start3A_161 : memref<1x32xf32, #tpu.memory_space<vmem_shared>> -> memref<32xf32, #tpu.memory_space<vmem_shared>>
    %dma_start3A_163 = arith.constant 0 : i32
    %dma_start3A_164 = tpu.memref_slice %arg10[%dma_start3A_157, %dma_start3A_163] : memref<16x32xf32, #tpu.memory_space<vmem>> -> memref<1x32xf32, #tpu.memory_space<vmem>>
    %dma_start3A_165 = tpu.memref_squeeze %dma_start3A_164 : memref<1x32xf32, #tpu.memory_space<vmem>> -> memref<32xf32, #tpu.memory_space<vmem>>
    %dma_start3A_166 = tpu.memref_slice %arg13[%dma_start3A_156, %mul3A_10] : memref<16x512xf32, #tpu.memory_space<vmem_shared>> -> memref<1x32xf32, #tpu.memory_space<vmem_shared>>
    %dma_start3A_167 = tpu.memref_squeeze %dma_start3A_166 : memref<1x32xf32, #tpu.memory_space<vmem_shared>> -> memref<32xf32, #tpu.memory_space<vmem_shared>>
    tpu.enqueue_dma source(%dma_start3A_167 : memref<32xf32, #tpu.memory_space<vmem_shared>>) target(%dma_start3A_165 : memref<32xf32, #tpu.memory_space<vmem>>) target_semaphore(%arg14 : memref<!tpu.dma_semaphore, #tpu.memory_space<semaphore_mem>>)
    %dma_start3A_168 = arith.constant 10 : i32
    %dma_start3A_169 = arith.constant 10 : i32
    %dma_start3A_170 = arith.constant 0 : i32
    %dma_start3A_171 = tpu.memref_slice %arg10[%dma_start3A_169, %dma_start3A_170] : memref<16x32xf32, #tpu.memory_space<vmem>> -> memref<1x32xf32, #tpu.memory_space<vmem>>
    %dma_start3A_172 = tpu.memref_squeeze %dma_start3A_171 : memref<1x32xf32, #tpu.memory_space<vmem>> -> memref<32xf32, #tpu.memory_space<vmem>>
    %dma_start3A_173 = tpu.memref_slice %arg13[%dma_start3A_168, %mul3A_10] : memref<16x512xf32, #tpu.memory_space<vmem_shared>> -> memref<1x32xf32, #tpu.memory_space<vmem_shared>>
    %dma_start3A_174 = tpu.memref_squeeze %dma_start3A_173 : memref<1x32xf32, #tpu.memory_space<vmem_shared>> -> memref<32xf32, #tpu.memory_space<vmem_shared>>
    %dma_start3A_175 = arith.constant 0 : i32
    %dma_start3A_176 = tpu.memref_slice %arg10[%dma_start3A_169, %dma_start3A_175] : memref<16x32xf32, #tpu.memory_space<vmem>> -> memref<1x32xf32, #tpu.memory_space<vmem>>
    %dma_start3A_177 = tpu.memref_squeeze %dma_start3A_176 : memref<1x32xf32, #tpu.memory_space<vmem>> -> memref<32xf32, #tpu.memory_space<vmem>>
    %dma_start3A_178 = tpu.memref_slice %arg13[%dma_start3A_168, %mul3A_10] : memref<16x512xf32, #tpu.memory_space<vmem_shared>> -> memref<1x32xf32, #tpu.memory_space<vmem_shared>>
    %dma_start3A_179 = tpu.memref_squeeze %dma_start3A_178 : memref<1x32xf32, #tpu.memory_space<vmem_shared>> -> memref<32xf32, #tpu.memory_space<vmem_shared>>
    tpu.enqueue_dma source(%dma_start3A_179 : memref<32xf32, #tpu.memory_space<vmem_shared>>) target(%dma_start3A_177 : memref<32xf32, #tpu.memory_space<vmem>>) target_semaphore(%arg14 : memref<!tpu.dma_semaphore, #tpu.memory_space<semaphore_mem>>)
    %dma_start3A_180 = arith.constant 11 : i32
    %dma_start3A_181 = arith.constant 11 : i32
    %dma_start3A_182 = arith.constant 0 : i32
    %dma_start3A_183 = tpu.memref_slice %arg10[%dma_start3A_181, %dma_start3A_182] : memref<16x32xf32, #tpu.memory_space<vmem>> -> memref<1x32xf32, #tpu.memory_space<vmem>>
    %dma_start3A_184 = tpu.memref_squeeze %dma_start3A_183 : memref<1x32xf32, #tpu.memory_space<vmem>> -> memref<32xf32, #tpu.memory_space<vmem>>
    %dma_start3A_185 = tpu.memref_slice %arg13[%dma_start3A_180, %mul3A_10] : memref<16x512xf32, #tpu.memory_space<vmem_shared>> -> memref<1x32xf32, #tpu.memory_space<vmem_shared>>
    %dma_start3A_186 = tpu.memref_squeeze %dma_start3A_185 : memref<1x32xf32, #tpu.memory_space<vmem_shared>> -> memref<32xf32, #tpu.memory_space<vmem_shared>>
    %dma_start3A_187 = arith.constant 0 : i32
    %dma_start3A_188 = tpu.memref_slice %arg10[%dma_start3A_181, %dma_start3A_187] : memref<16x32xf32, #tpu.memory_space<vmem>> -> memref<1x32xf32, #tpu.memory_space<vmem>>
    %dma_start3A_189 = tpu.memref_squeeze %dma_start3A_188 : memref<1x32xf32, #tpu.memory_space<vmem>> -> memref<32xf32, #tpu.memory_space<vmem>>
    %dma_start3A_190 = tpu.memref_slice %arg13[%dma_start3A_180, %mul3A_10] : memref<16x512xf32, #tpu.memory_space<vmem_shared>> -> memref<1x32xf32, #tpu.memory_space<vmem_shared>>
    %dma_start3A_191 = tpu.memref_squeeze %dma_start3A_190 : memref<1x32xf32, #tpu.memory_space<vmem_shared>> -> memref<32xf32, #tpu.memory_space<vmem_shared>>
    tpu.enqueue_dma source(%dma_start3A_191 : memref<32xf32, #tpu.memory_space<vmem_shared>>) target(%dma_start3A_189 : memref<32xf32, #tpu.memory_space<vmem>>) target_semaphore(%arg14 : memref<!tpu.dma_semaphore, #tpu.memory_space<semaphore_mem>>)
    %dma_start3A_192 = arith.constant 12 : i32
    %dma_start3A_193 = arith.constant 12 : i32
    %dma_start3A_194 = arith.constant 0 : i32
    %dma_start3A_195 = tpu.memref_slice %arg10[%dma_start3A_193, %dma_start3A_194] : memref<16x32xf32, #tpu.memory_space<vmem>> -> memref<1x32xf32, #tpu.memory_space<vmem>>
    %dma_start3A_196 = tpu.memref_squeeze %dma_start3A_195 : memref<1x32xf32, #tpu.memory_space<vmem>> -> memref<32xf32, #tpu.memory_space<vmem>>
    %dma_start3A_197 = tpu.memref_slice %arg13[%dma_start3A_192, %mul3A_10] : memref<16x512xf32, #tpu.memory_space<vmem_shared>> -> memref<1x32xf32, #tpu.memory_space<vmem_shared>>
    %dma_start3A_198 = tpu.memref_squeeze %dma_start3A_197 : memref<1x32xf32, #tpu.memory_space<vmem_shared>> -> memref<32xf32, #tpu.memory_space<vmem_shared>>
    %dma_start3A_199 = arith.constant 0 : i32
    %dma_start3A_200 = tpu.memref_slice %arg10[%dma_start3A_193, %dma_start3A_199] : memref<16x32xf32, #tpu.memory_space<vmem>> -> memref<1x32xf32, #tpu.memory_space<vmem>>
    %dma_start3A_201 = tpu.memref_squeeze %dma_start3A_200 : memref<1x32xf32, #tpu.memory_space<vmem>> -> memref<32xf32, #tpu.memory_space<vmem>>
    %dma_start3A_202 = tpu.memref_slice %arg13[%dma_start3A_192, %mul3A_10] : memref<16x512xf32, #tpu.memory_space<vmem_shared>> -> memref<1x32xf32, #tpu.memory_space<vmem_shared>>
    %dma_start3A_203 = tpu.memref_squeeze %dma_start3A_202 : memref<1x32xf32, #tpu.memory_space<vmem_shared>> -> memref<32xf32, #tpu.memory_space<vmem_shared>>
    tpu.enqueue_dma source(%dma_start3A_203 : memref<32xf32, #tpu.memory_space<vmem_shared>>) target(%dma_start3A_201 : memref<32xf32, #tpu.memory_space<vmem>>) target_semaphore(%arg14 : memref<!tpu.dma_semaphore, #tpu.memory_space<semaphore_mem>>)
    %dma_start3A_204 = arith.constant 13 : i32
    %dma_start3A_205 = arith.constant 13 : i32
    %dma_start3A_206 = arith.constant 0 : i32
    %dma_start3A_207 = tpu.memref_slice %arg10[%dma_start3A_205, %dma_start3A_206] : memref<16x32xf32, #tpu.memory_space<vmem>> -> memref<1x32xf32, #tpu.memory_space<vmem>>
    %dma_start3A_208 = tpu.memref_squeeze %dma_start3A_207 : memref<1x32xf32, #tpu.memory_space<vmem>> -> memref<32xf32, #tpu.memory_space<vmem>>
    %dma_start3A_209 = tpu.memref_slice %arg13[%dma_start3A_204, %mul3A_10] : memref<16x512xf32, #tpu.memory_space<vmem_shared>> -> memref<1x32xf32, #tpu.memory_space<vmem_shared>>
    %dma_start3A_210 = tpu.memref_squeeze %dma_start3A_209 : memref<1x32xf32, #tpu.memory_space<vmem_shared>> -> memref<32xf32, #tpu.memory_space<vmem_shared>>
    %dma_start3A_211 = arith.constant 0 : i32
    %dma_start3A_212 = tpu.memref_slice %arg10[%dma_start3A_205, %dma_start3A_211] : memref<16x32xf32, #tpu.memory_space<vmem>> -> memref<1x32xf32, #tpu.memory_space<vmem>>
    %dma_start3A_213 = tpu.memref_squeeze %dma_start3A_212 : memref<1x32xf32, #tpu.memory_space<vmem>> -> memref<32xf32, #tpu.memory_space<vmem>>
    %dma_start3A_214 = tpu.memref_slice %arg13[%dma_start3A_204, %mul3A_10] : memref<16x512xf32, #tpu.memory_space<vmem_shared>> -> memref<1x32xf32, #tpu.memory_space<vmem_shared>>
    %dma_start3A_215 = tpu.memref_squeeze %dma_start3A_214 : memref<1x32xf32, #tpu.memory_space<vmem_shared>> -> memref<32xf32, #tpu.memory_space<vmem_shared>>
    tpu.enqueue_dma source(%dma_start3A_215 : memref<32xf32, #tpu.memory_space<vmem_shared>>) target(%dma_start3A_213 : memref<32xf32, #tpu.memory_space<vmem>>) target_semaphore(%arg14 : memref<!tpu.dma_semaphore, #tpu.memory_space<semaphore_mem>>)
    %dma_start3A_216 = arith.constant 14 : i32
    %dma_start3A_217 = arith.constant 14 : i32
    %dma_start3A_218 = arith.constant 0 : i32
    %dma_start3A_219 = tpu.memref_slice %arg10[%dma_start3A_217, %dma_start3A_218] : memref<16x32xf32, #tpu.memory_space<vmem>> -> memref<1x32xf32, #tpu.memory_space<vmem>>
    %dma_start3A_220 = tpu.memref_squeeze %dma_start3A_219 : memref<1x32xf32, #tpu.memory_space<vmem>> -> memref<32xf32, #tpu.memory_space<vmem>>
    %dma_start3A_221 = tpu.memref_slice %arg13[%dma_start3A_216, %mul3A_10] : memref<16x512xf32, #tpu.memory_space<vmem_shared>> -> memref<1x32xf32, #tpu.memory_space<vmem_shared>>
    %dma_start3A_222 = tpu.memref_squeeze %dma_start3A_221 : memref<1x32xf32, #tpu.memory_space<vmem_shared>> -> memref<32xf32, #tpu.memory_space<vmem_shared>>
    %dma_start3A_223 = arith.constant 0 : i32
    %dma_start3A_224 = tpu.memref_slice %arg10[%dma_start3A_217, %dma_start3A_223] : memref<16x32xf32, #tpu.memory_space<vmem>> -> memref<1x32xf32, #tpu.memory_space<vmem>>
    %dma_start3A_225 = tpu.memref_squeeze %dma_start3A_224 : memref<1x32xf32, #tpu.memory_space<vmem>> -> memref<32xf32, #tpu.memory_space<vmem>>
    %dma_start3A_226 = tpu.memref_slice %arg13[%dma_start3A_216, %mul3A_10] : memref<16x512xf32, #tpu.memory_space<vmem_shared>> -> memref<1x32xf32, #tpu.memory_space<vmem_shared>>
    %dma_start3A_227 = tpu.memref_squeeze %dma_start3A_226 : memref<1x32xf32, #tpu.memory_space<vmem_shared>> -> memref<32xf32, #tpu.memory_space<vmem_shared>>
    tpu.enqueue_dma source(%dma_start3A_227 : memref<32xf32, #tpu.memory_space<vmem_shared>>) target(%dma_start3A_225 : memref<32xf32, #tpu.memory_space<vmem>>) target_semaphore(%arg14 : memref<!tpu.dma_semaphore, #tpu.memory_space<semaphore_mem>>)
    %dma_start3A_228 = arith.constant 15 : i32
    %dma_start3A_229 = arith.constant 15 : i32
    %dma_start3A_230 = arith.constant 0 : i32
    %dma_start3A_231 = tpu.memref_slice %arg10[%dma_start3A_229, %dma_start3A_230] : memref<16x32xf32, #tpu.memory_space<vmem>> -> memref<1x32xf32, #tpu.memory_space<vmem>>
    %dma_start3A_232 = tpu.memref_squeeze %dma_start3A_231 : memref<1x32xf32, #tpu.memory_space<vmem>> -> memref<32xf32, #tpu.memory_space<vmem>>
    %dma_start3A_233 = tpu.memref_slice %arg13[%dma_start3A_228, %mul3A_10] : memref<16x512xf32, #tpu.memory_space<vmem_shared>> -> memref<1x32xf32, #tpu.memory_space<vmem_shared>>
    %dma_start3A_234 = tpu.memref_squeeze %dma_start3A_233 : memref<1x32xf32, #tpu.memory_space<vmem_shared>> -> memref<32xf32, #tpu.memory_space<vmem_shared>>
    %dma_start3A_235 = arith.constant 0 : i32
    %dma_start3A_236 = tpu.memref_slice %arg10[%dma_start3A_229, %dma_start3A_235] : memref<16x32xf32, #tpu.memory_space<vmem>> -> memref<1x32xf32, #tpu.memory_space<vmem>>
    %dma_start3A_237 = tpu.memref_squeeze %dma_start3A_236 : memref<1x32xf32, #tpu.memory_space<vmem>> -> memref<32xf32, #tpu.memory_space<vmem>>
    %dma_start3A_238 = tpu.memref_slice %arg13[%dma_start3A_228, %mul3A_10] : memref<16x512xf32, #tpu.memory_space<vmem_shared>> -> memref<1x32xf32, #tpu.memory_space<vmem_shared>>
    %dma_start3A_239 = tpu.memref_squeeze %dma_start3A_238 : memref<1x32xf32, #tpu.memory_space<vmem_shared>> -> memref<32xf32, #tpu.memory_space<vmem_shared>>
    tpu.enqueue_dma source(%dma_start3A_239 : memref<32xf32, #tpu.memory_space<vmem_shared>>) target(%dma_start3A_237 : memref<32xf32, #tpu.memory_space<vmem>>) target_semaphore(%arg14 : memref<!tpu.dma_semaphore, #tpu.memory_space<semaphore_mem>>)
    %dma_wait3A_240 = arith.constant 0 : i32
    %dma_wait3A_241 = arith.constant 0 : i32
    %dma_wait3A_242 = arith.constant 0 : i32
    %dma_wait3A_243 = tpu.memref_slice %arg10[%dma_wait3A_241, %dma_wait3A_242] : memref<16x32xf32, #tpu.memory_space<vmem>> -> memref<1x32xf32, #tpu.memory_space<vmem>>
    %dma_wait3A_244 = tpu.memref_squeeze %dma_wait3A_243 : memref<1x32xf32, #tpu.memory_space<vmem>> -> memref<32xf32, #tpu.memory_space<vmem>>
    %dma_wait3A_245 = tpu.memref_slice %arg13[%dma_wait3A_240, %mul3A_10] : memref<16x512xf32, #tpu.memory_space<vmem_shared>> -> memref<1x32xf32, #tpu.memory_space<vmem_shared>>
    %dma_wait3A_246 = tpu.memref_squeeze %dma_wait3A_245 : memref<1x32xf32, #tpu.memory_space<vmem_shared>> -> memref<32xf32, #tpu.memory_space<vmem_shared>>
    %dma_wait3A_247 = arith.constant 0 : i32
    %dma_wait3A_248 = tpu.memref_slice %arg10[%dma_wait3A_241, %dma_wait3A_247] : memref<16x32xf32, #tpu.memory_space<vmem>> -> memref<1x32xf32, #tpu.memory_space<vmem>>
    %dma_wait3A_249 = tpu.memref_squeeze %dma_wait3A_248 : memref<1x32xf32, #tpu.memory_space<vmem>> -> memref<32xf32, #tpu.memory_space<vmem>>
    %dma_wait3A_250 = tpu.memref_slice %arg13[%dma_wait3A_240, %mul3A_10] : memref<16x512xf32, #tpu.memory_space<vmem_shared>> -> memref<1x32xf32, #tpu.memory_space<vmem_shared>>
    %dma_wait3A_251 = tpu.memref_squeeze %dma_wait3A_250 : memref<1x32xf32, #tpu.memory_space<vmem_shared>> -> memref<32xf32, #tpu.memory_space<vmem_shared>>
    tpu.wait_dma2 semaphore(%arg14 : memref<!tpu.dma_semaphore, #tpu.memory_space<semaphore_mem>>) src(%dma_wait3A_251 : memref<32xf32, #tpu.memory_space<vmem_shared>>) dst(%dma_wait3A_249 : memref<32xf32, #tpu.memory_space<vmem>>)
    %dma_wait3A_252 = arith.constant 1 : i32
    %dma_wait3A_253 = arith.constant 1 : i32
    %dma_wait3A_254 = arith.constant 0 : i32
    %dma_wait3A_255 = tpu.memref_slice %arg10[%dma_wait3A_253, %dma_wait3A_254] : memref<16x32xf32, #tpu.memory_space<vmem>> -> memref<1x32xf32, #tpu.memory_space<vmem>>
    %dma_wait3A_256 = tpu.memref_squeeze %dma_wait3A_255 : memref<1x32xf32, #tpu.memory_space<vmem>> -> memref<32xf32, #tpu.memory_space<vmem>>
    %dma_wait3A_257 = tpu.memref_slice %arg13[%dma_wait3A_252, %mul3A_10] : memref<16x512xf32, #tpu.memory_space<vmem_shared>> -> memref<1x32xf32, #tpu.memory_space<vmem_shared>>
    %dma_wait3A_258 = tpu.memref_squeeze %dma_wait3A_257 : memref<1x32xf32, #tpu.memory_space<vmem_shared>> -> memref<32xf32, #tpu.memory_space<vmem_shared>>
    %dma_wait3A_259 = arith.constant 0 : i32
    %dma_wait3A_260 = tpu.memref_slice %arg10[%dma_wait3A_253, %dma_wait3A_259] : memref<16x32xf32, #tpu.memory_space<vmem>> -> memref<1x32xf32, #tpu.memory_space<vmem>>
    %dma_wait3A_261 = tpu.memref_squeeze %dma_wait3A_260 : memref<1x32xf32, #tpu.memory_space<vmem>> -> memref<32xf32, #tpu.memory_space<vmem>>
    %dma_wait3A_262 = tpu.memref_slice %arg13[%dma_wait3A_252, %mul3A_10] : memref<16x512xf32, #tpu.memory_space<vmem_shared>> -> memref<1x32xf32, #tpu.memory_space<vmem_shared>>
    %dma_wait3A_263 = tpu.memref_squeeze %dma_wait3A_262 : memref<1x32xf32, #tpu.memory_space<vmem_shared>> -> memref<32xf32, #tpu.memory_space<vmem_shared>>
    tpu.wait_dma2 semaphore(%arg14 : memref<!tpu.dma_semaphore, #tpu.memory_space<semaphore_mem>>) src(%dma_wait3A_263 : memref<32xf32, #tpu.memory_space<vmem_shared>>) dst(%dma_wait3A_261 : memref<32xf32, #tpu.memory_space<vmem>>)
    %dma_wait3A_264 = arith.constant 2 : i32
    %dma_wait3A_265 = arith.constant 2 : i32
    %dma_wait3A_266 = arith.constant 0 : i32
    %dma_wait3A_267 = tpu.memref_slice %arg10[%dma_wait3A_265, %dma_wait3A_266] : memref<16x32xf32, #tpu.memory_space<vmem>> -> memref<1x32xf32, #tpu.memory_space<vmem>>
    %dma_wait3A_268 = tpu.memref_squeeze %dma_wait3A_267 : memref<1x32xf32, #tpu.memory_space<vmem>> -> memref<32xf32, #tpu.memory_space<vmem>>
    %dma_wait3A_269 = tpu.memref_slice %arg13[%dma_wait3A_264, %mul3A_10] : memref<16x512xf32, #tpu.memory_space<vmem_shared>> -> memref<1x32xf32, #tpu.memory_space<vmem_shared>>
    %dma_wait3A_270 = tpu.memref_squeeze %dma_wait3A_269 : memref<1x32xf32, #tpu.memory_space<vmem_shared>> -> memref<32xf32, #tpu.memory_space<vmem_shared>>
    %dma_wait3A_271 = arith.constant 0 : i32
    %dma_wait3A_272 = tpu.memref_slice %arg10[%dma_wait3A_265, %dma_wait3A_271] : memref<16x32xf32, #tpu.memory_space<vmem>> -> memref<1x32xf32, #tpu.memory_space<vmem>>
    %dma_wait3A_273 = tpu.memref_squeeze %dma_wait3A_272 : memref<1x32xf32, #tpu.memory_space<vmem>> -> memref<32xf32, #tpu.memory_space<vmem>>
    %dma_wait3A_274 = tpu.memref_slice %arg13[%dma_wait3A_264, %mul3A_10] : memref<16x512xf32, #tpu.memory_space<vmem_shared>> -> memref<1x32xf32, #tpu.memory_space<vmem_shared>>
    %dma_wait3A_275 = tpu.memref_squeeze %dma_wait3A_274 : memref<1x32xf32, #tpu.memory_space<vmem_shared>> -> memref<32xf32, #tpu.memory_space<vmem_shared>>
    tpu.wait_dma2 semaphore(%arg14 : memref<!tpu.dma_semaphore, #tpu.memory_space<semaphore_mem>>) src(%dma_wait3A_275 : memref<32xf32, #tpu.memory_space<vmem_shared>>) dst(%dma_wait3A_273 : memref<32xf32, #tpu.memory_space<vmem>>)
    %dma_wait3A_276 = arith.constant 3 : i32
    %dma_wait3A_277 = arith.constant 3 : i32
    %dma_wait3A_278 = arith.constant 0 : i32
    %dma_wait3A_279 = tpu.memref_slice %arg10[%dma_wait3A_277, %dma_wait3A_278] : memref<16x32xf32, #tpu.memory_space<vmem>> -> memref<1x32xf32, #tpu.memory_space<vmem>>
    %dma_wait3A_280 = tpu.memref_squeeze %dma_wait3A_279 : memref<1x32xf32, #tpu.memory_space<vmem>> -> memref<32xf32, #tpu.memory_space<vmem>>
    %dma_wait3A_281 = tpu.memref_slice %arg13[%dma_wait3A_276, %mul3A_10] : memref<16x512xf32, #tpu.memory_space<vmem_shared>> -> memref<1x32xf32, #tpu.memory_space<vmem_shared>>
    %dma_wait3A_282 = tpu.memref_squeeze %dma_wait3A_281 : memref<1x32xf32, #tpu.memory_space<vmem_shared>> -> memref<32xf32, #tpu.memory_space<vmem_shared>>
    %dma_wait3A_283 = arith.constant 0 : i32
    %dma_wait3A_284 = tpu.memref_slice %arg10[%dma_wait3A_277, %dma_wait3A_283] : memref<16x32xf32, #tpu.memory_space<vmem>> -> memref<1x32xf32, #tpu.memory_space<vmem>>
    %dma_wait3A_285 = tpu.memref_squeeze %dma_wait3A_284 : memref<1x32xf32, #tpu.memory_space<vmem>> -> memref<32xf32, #tpu.memory_space<vmem>>
    %dma_wait3A_286 = tpu.memref_slice %arg13[%dma_wait3A_276, %mul3A_10] : memref<16x512xf32, #tpu.memory_space<vmem_shared>> -> memref<1x32xf32, #tpu.memory_space<vmem_shared>>
    %dma_wait3A_287 = tpu.memref_squeeze %dma_wait3A_286 : memref<1x32xf32, #tpu.memory_space<vmem_shared>> -> memref<32xf32, #tpu.memory_space<vmem_shared>>
    tpu.wait_dma2 semaphore(%arg14 : memref<!tpu.dma_semaphore, #tpu.memory_space<semaphore_mem>>) src(%dma_wait3A_287 : memref<32xf32, #tpu.memory_space<vmem_shared>>) dst(%dma_wait3A_285 : memref<32xf32, #tpu.memory_space<vmem>>)
    %dma_wait3A_288 = arith.constant 4 : i32
    %dma_wait3A_289 = arith.constant 4 : i32
    %dma_wait3A_290 = arith.constant 0 : i32
    %dma_wait3A_291 = tpu.memref_slice %arg10[%dma_wait3A_289, %dma_wait3A_290] : memref<16x32xf32, #tpu.memory_space<vmem>> -> memref<1x32xf32, #tpu.memory_space<vmem>>
    %dma_wait3A_292 = tpu.memref_squeeze %dma_wait3A_291 : memref<1x32xf32, #tpu.memory_space<vmem>> -> memref<32xf32, #tpu.memory_space<vmem>>
    %dma_wait3A_293 = tpu.memref_slice %arg13[%dma_wait3A_288, %mul3A_10] : memref<16x512xf32, #tpu.memory_space<vmem_shared>> -> memref<1x32xf32, #tpu.memory_space<vmem_shared>>
    %dma_wait3A_294 = tpu.memref_squeeze %dma_wait3A_293 : memref<1x32xf32, #tpu.memory_space<vmem_shared>> -> memref<32xf32, #tpu.memory_space<vmem_shared>>
    %dma_wait3A_295 = arith.constant 0 : i32
    %dma_wait3A_296 = tpu.memref_slice %arg10[%dma_wait3A_289, %dma_wait3A_295] : memref<16x32xf32, #tpu.memory_space<vmem>> -> memref<1x32xf32, #tpu.memory_space<vmem>>
    %dma_wait3A_297 = tpu.memref_squeeze %dma_wait3A_296 : memref<1x32xf32, #tpu.memory_space<vmem>> -> memref<32xf32, #tpu.memory_space<vmem>>
    %dma_wait3A_298 = tpu.memref_slice %arg13[%dma_wait3A_288, %mul3A_10] : memref<16x512xf32, #tpu.memory_space<vmem_shared>> -> memref<1x32xf32, #tpu.memory_space<vmem_shared>>
    %dma_wait3A_299 = tpu.memref_squeeze %dma_wait3A_298 : memref<1x32xf32, #tpu.memory_space<vmem_shared>> -> memref<32xf32, #tpu.memory_space<vmem_shared>>
    tpu.wait_dma2 semaphore(%arg14 : memref<!tpu.dma_semaphore, #tpu.memory_space<semaphore_mem>>) src(%dma_wait3A_299 : memref<32xf32, #tpu.memory_space<vmem_shared>>) dst(%dma_wait3A_297 : memref<32xf32, #tpu.memory_space<vmem>>)
    %dma_wait3A_300 = arith.constant 5 : i32
    %dma_wait3A_301 = arith.constant 5 : i32
    %dma_wait3A_302 = arith.constant 0 : i32
    %dma_wait3A_303 = tpu.memref_slice %arg10[%dma_wait3A_301, %dma_wait3A_302] : memref<16x32xf32, #tpu.memory_space<vmem>> -> memref<1x32xf32, #tpu.memory_space<vmem>>
    %dma_wait3A_304 = tpu.memref_squeeze %dma_wait3A_303 : memref<1x32xf32, #tpu.memory_space<vmem>> -> memref<32xf32, #tpu.memory_space<vmem>>
    %dma_wait3A_305 = tpu.memref_slice %arg13[%dma_wait3A_300, %mul3A_10] : memref<16x512xf32, #tpu.memory_space<vmem_shared>> -> memref<1x32xf32, #tpu.memory_space<vmem_shared>>
    %dma_wait3A_306 = tpu.memref_squeeze %dma_wait3A_305 : memref<1x32xf32, #tpu.memory_space<vmem_shared>> -> memref<32xf32, #tpu.memory_space<vmem_shared>>
    %dma_wait3A_307 = arith.constant 0 : i32
    %dma_wait3A_308 = tpu.memref_slice %arg10[%dma_wait3A_301, %dma_wait3A_307] : memref<16x32xf32, #tpu.memory_space<vmem>> -> memref<1x32xf32, #tpu.memory_space<vmem>>
    %dma_wait3A_309 = tpu.memref_squeeze %dma_wait3A_308 : memref<1x32xf32, #tpu.memory_space<vmem>> -> memref<32xf32, #tpu.memory_space<vmem>>
    %dma_wait3A_310 = tpu.memref_slice %arg13[%dma_wait3A_300, %mul3A_10] : memref<16x512xf32, #tpu.memory_space<vmem_shared>> -> memref<1x32xf32, #tpu.memory_space<vmem_shared>>
    %dma_wait3A_311 = tpu.memref_squeeze %dma_wait3A_310 : memref<1x32xf32, #tpu.memory_space<vmem_shared>> -> memref<32xf32, #tpu.memory_space<vmem_shared>>
    tpu.wait_dma2 semaphore(%arg14 : memref<!tpu.dma_semaphore, #tpu.memory_space<semaphore_mem>>) src(%dma_wait3A_311 : memref<32xf32, #tpu.memory_space<vmem_shared>>) dst(%dma_wait3A_309 : memref<32xf32, #tpu.memory_space<vmem>>)
    %dma_wait3A_312 = arith.constant 6 : i32
    %dma_wait3A_313 = arith.constant 6 : i32
    %dma_wait3A_314 = arith.constant 0 : i32
    %dma_wait3A_315 = tpu.memref_slice %arg10[%dma_wait3A_313, %dma_wait3A_314] : memref<16x32xf32, #tpu.memory_space<vmem>> -> memref<1x32xf32, #tpu.memory_space<vmem>>
    %dma_wait3A_316 = tpu.memref_squeeze %dma_wait3A_315 : memref<1x32xf32, #tpu.memory_space<vmem>> -> memref<32xf32, #tpu.memory_space<vmem>>
    %dma_wait3A_317 = tpu.memref_slice %arg13[%dma_wait3A_312, %mul3A_10] : memref<16x512xf32, #tpu.memory_space<vmem_shared>> -> memref<1x32xf32, #tpu.memory_space<vmem_shared>>
    %dma_wait3A_318 = tpu.memref_squeeze %dma_wait3A_317 : memref<1x32xf32, #tpu.memory_space<vmem_shared>> -> memref<32xf32, #tpu.memory_space<vmem_shared>>
    %dma_wait3A_319 = arith.constant 0 : i32
    %dma_wait3A_320 = tpu.memref_slice %arg10[%dma_wait3A_313, %dma_wait3A_319] : memref<16x32xf32, #tpu.memory_space<vmem>> -> memref<1x32xf32, #tpu.memory_space<vmem>>
    %dma_wait3A_321 = tpu.memref_squeeze %dma_wait3A_320 : memref<1x32xf32, #tpu.memory_space<vmem>> -> memref<32xf32, #tpu.memory_space<vmem>>
    %dma_wait3A_322 = tpu.memref_slice %arg13[%dma_wait3A_312, %mul3A_10] : memref<16x512xf32, #tpu.memory_space<vmem_shared>> -> memref<1x32xf32, #tpu.memory_space<vmem_shared>>
    %dma_wait3A_323 = tpu.memref_squeeze %dma_wait3A_322 : memref<1x32xf32, #tpu.memory_space<vmem_shared>> -> memref<32xf32, #tpu.memory_space<vmem_shared>>
    tpu.wait_dma2 semaphore(%arg14 : memref<!tpu.dma_semaphore, #tpu.memory_space<semaphore_mem>>) src(%dma_wait3A_323 : memref<32xf32, #tpu.memory_space<vmem_shared>>) dst(%dma_wait3A_321 : memref<32xf32, #tpu.memory_space<vmem>>)
    %dma_wait3A_324 = arith.constant 7 : i32
    %dma_wait3A_325 = arith.constant 7 : i32
    %dma_wait3A_326 = arith.constant 0 : i32
    %dma_wait3A_327 = tpu.memref_slice %arg10[%dma_wait3A_325, %dma_wait3A_326] : memref<16x32xf32, #tpu.memory_space<vmem>> -> memref<1x32xf32, #tpu.memory_space<vmem>>
    %dma_wait3A_328 = tpu.memref_squeeze %dma_wait3A_327 : memref<1x32xf32, #tpu.memory_space<vmem>> -> memref<32xf32, #tpu.memory_space<vmem>>
    %dma_wait3A_329 = tpu.memref_slice %arg13[%dma_wait3A_324, %mul3A_10] : memref<16x512xf32, #tpu.memory_space<vmem_shared>> -> memref<1x32xf32, #tpu.memory_space<vmem_shared>>
    %dma_wait3A_330 = tpu.memref_squeeze %dma_wait3A_329 : memref<1x32xf32, #tpu.memory_space<vmem_shared>> -> memref<32xf32, #tpu.memory_space<vmem_shared>>
    %dma_wait3A_331 = arith.constant 0 : i32
    %dma_wait3A_332 = tpu.memref_slice %arg10[%dma_wait3A_325, %dma_wait3A_331] : memref<16x32xf32, #tpu.memory_space<vmem>> -> memref<1x32xf32, #tpu.memory_space<vmem>>
    %dma_wait3A_333 = tpu.memref_squeeze %dma_wait3A_332 : memref<1x32xf32, #tpu.memory_space<vmem>> -> memref<32xf32, #tpu.memory_space<vmem>>
    %dma_wait3A_334 = tpu.memref_slice %arg13[%dma_wait3A_324, %mul3A_10] : memref<16x512xf32, #tpu.memory_space<vmem_shared>> -> memref<1x32xf32, #tpu.memory_space<vmem_shared>>
    %dma_wait3A_335 = tpu.memref_squeeze %dma_wait3A_334 : memref<1x32xf32, #tpu.memory_space<vmem_shared>> -> memref<32xf32, #tpu.memory_space<vmem_shared>>
    tpu.wait_dma2 semaphore(%arg14 : memref<!tpu.dma_semaphore, #tpu.memory_space<semaphore_mem>>) src(%dma_wait3A_335 : memref<32xf32, #tpu.memory_space<vmem_shared>>) dst(%dma_wait3A_333 : memref<32xf32, #tpu.memory_space<vmem>>)
    %dma_wait3A_336 = arith.constant 8 : i32
    %dma_wait3A_337 = arith.constant 8 : i32
    %dma_wait3A_338 = arith.constant 0 : i32
    %dma_wait3A_339 = tpu.memref_slice %arg10[%dma_wait3A_337, %dma_wait3A_338] : memref<16x32xf32, #tpu.memory_space<vmem>> -> memref<1x32xf32, #tpu.memory_space<vmem>>
    %dma_wait3A_340 = tpu.memref_squeeze %dma_wait3A_339 : memref<1x32xf32, #tpu.memory_space<vmem>> -> memref<32xf32, #tpu.memory_space<vmem>>
    %dma_wait3A_341 = tpu.memref_slice %arg13[%dma_wait3A_336, %mul3A_10] : memref<16x512xf32, #tpu.memory_space<vmem_shared>> -> memref<1x32xf32, #tpu.memory_space<vmem_shared>>
    %dma_wait3A_342 = tpu.memref_squeeze %dma_wait3A_341 : memref<1x32xf32, #tpu.memory_space<vmem_shared>> -> memref<32xf32, #tpu.memory_space<vmem_shared>>
    %dma_wait3A_343 = arith.constant 0 : i32
    %dma_wait3A_344 = tpu.memref_slice %arg10[%dma_wait3A_337, %dma_wait3A_343] : memref<16x32xf32, #tpu.memory_space<vmem>> -> memref<1x32xf32, #tpu.memory_space<vmem>>
    %dma_wait3A_345 = tpu.memref_squeeze %dma_wait3A_344 : memref<1x32xf32, #tpu.memory_space<vmem>> -> memref<32xf32, #tpu.memory_space<vmem>>
    %dma_wait3A_346 = tpu.memref_slice %arg13[%dma_wait3A_336, %mul3A_10] : memref<16x512xf32, #tpu.memory_space<vmem_shared>> -> memref<1x32xf32, #tpu.memory_space<vmem_shared>>
    %dma_wait3A_347 = tpu.memref_squeeze %dma_wait3A_346 : memref<1x32xf32, #tpu.memory_space<vmem_shared>> -> memref<32xf32, #tpu.memory_space<vmem_shared>>
    tpu.wait_dma2 semaphore(%arg14 : memref<!tpu.dma_semaphore, #tpu.memory_space<semaphore_mem>>) src(%dma_wait3A_347 : memref<32xf32, #tpu.memory_space<vmem_shared>>) dst(%dma_wait3A_345 : memref<32xf32, #tpu.memory_space<vmem>>)
    %dma_wait3A_348 = arith.constant 9 : i32
    %dma_wait3A_349 = arith.constant 9 : i32
    %dma_wait3A_350 = arith.constant 0 : i32
    %dma_wait3A_351 = tpu.memref_slice %arg10[%dma_wait3A_349, %dma_wait3A_350] : memref<16x32xf32, #tpu.memory_space<vmem>> -> memref<1x32xf32, #tpu.memory_space<vmem>>
    %dma_wait3A_352 = tpu.memref_squeeze %dma_wait3A_351 : memref<1x32xf32, #tpu.memory_space<vmem>> -> memref<32xf32, #tpu.memory_space<vmem>>
    %dma_wait3A_353 = tpu.memref_slice %arg13[%dma_wait3A_348, %mul3A_10] : memref<16x512xf32, #tpu.memory_space<vmem_shared>> -> memref<1x32xf32, #tpu.memory_space<vmem_shared>>
    %dma_wait3A_354 = tpu.memref_squeeze %dma_wait3A_353 : memref<1x32xf32, #tpu.memory_space<vmem_shared>> -> memref<32xf32, #tpu.memory_space<vmem_shared>>
    %dma_wait3A_355 = arith.constant 0 : i32
    %dma_wait3A_356 = tpu.memref_slice %arg10[%dma_wait3A_349, %dma_wait3A_355] : memref<16x32xf32, #tpu.memory_space<vmem>> -> memref<1x32xf32, #tpu.memory_space<vmem>>
    %dma_wait3A_357 = tpu.memref_squeeze %dma_wait3A_356 : memref<1x32xf32, #tpu.memory_space<vmem>> -> memref<32xf32, #tpu.memory_space<vmem>>
    %dma_wait3A_358 = tpu.memref_slice %arg13[%dma_wait3A_348, %mul3A_10] : memref<16x512xf32, #tpu.memory_space<vmem_shared>> -> memref<1x32xf32, #tpu.memory_space<vmem_shared>>
    %dma_wait3A_359 = tpu.memref_squeeze %dma_wait3A_358 : memref<1x32xf32, #tpu.memory_space<vmem_shared>> -> memref<32xf32, #tpu.memory_space<vmem_shared>>
    tpu.wait_dma2 semaphore(%arg14 : memref<!tpu.dma_semaphore, #tpu.memory_space<semaphore_mem>>) src(%dma_wait3A_359 : memref<32xf32, #tpu.memory_space<vmem_shared>>) dst(%dma_wait3A_357 : memref<32xf32, #tpu.memory_space<vmem>>)
    %dma_wait3A_360 = arith.constant 10 : i32
    %dma_wait3A_361 = arith.constant 10 : i32
    %dma_wait3A_362 = arith.constant 0 : i32
    %dma_wait3A_363 = tpu.memref_slice %arg10[%dma_wait3A_361, %dma_wait3A_362] : memref<16x32xf32, #tpu.memory_space<vmem>> -> memref<1x32xf32, #tpu.memory_space<vmem>>
    %dma_wait3A_364 = tpu.memref_squeeze %dma_wait3A_363 : memref<1x32xf32, #tpu.memory_space<vmem>> -> memref<32xf32, #tpu.memory_space<vmem>>
    %dma_wait3A_365 = tpu.memref_slice %arg13[%dma_wait3A_360, %mul3A_10] : memref<16x512xf32, #tpu.memory_space<vmem_shared>> -> memref<1x32xf32, #tpu.memory_space<vmem_shared>>
    %dma_wait3A_366 = tpu.memref_squeeze %dma_wait3A_365 : memref<1x32xf32, #tpu.memory_space<vmem_shared>> -> memref<32xf32, #tpu.memory_space<vmem_shared>>
    %dma_wait3A_367 = arith.constant 0 : i32
    %dma_wait3A_368 = tpu.memref_slice %arg10[%dma_wait3A_361, %dma_wait3A_367] : memref<16x32xf32, #tpu.memory_space<vmem>> -> memref<1x32xf32, #tpu.memory_space<vmem>>
    %dma_wait3A_369 = tpu.memref_squeeze %dma_wait3A_368 : memref<1x32xf32, #tpu.memory_space<vmem>> -> memref<32xf32, #tpu.memory_space<vmem>>
    %dma_wait3A_370 = tpu.memref_slice %arg13[%dma_wait3A_360, %mul3A_10] : memref<16x512xf32, #tpu.memory_space<vmem_shared>> -> memref<1x32xf32, #tpu.memory_space<vmem_shared>>
    %dma_wait3A_371 = tpu.memref_squeeze %dma_wait3A_370 : memref<1x32xf32, #tpu.memory_space<vmem_shared>> -> memref<32xf32, #tpu.memory_space<vmem_shared>>
    tpu.wait_dma2 semaphore(%arg14 : memref<!tpu.dma_semaphore, #tpu.memory_space<semaphore_mem>>) src(%dma_wait3A_371 : memref<32xf32, #tpu.memory_space<vmem_shared>>) dst(%dma_wait3A_369 : memref<32xf32, #tpu.memory_space<vmem>>)
    %dma_wait3A_372 = arith.constant 11 : i32
    %dma_wait3A_373 = arith.constant 11 : i32
    %dma_wait3A_374 = arith.constant 0 : i32
    %dma_wait3A_375 = tpu.memref_slice %arg10[%dma_wait3A_373, %dma_wait3A_374] : memref<16x32xf32, #tpu.memory_space<vmem>> -> memref<1x32xf32, #tpu.memory_space<vmem>>
    %dma_wait3A_376 = tpu.memref_squeeze %dma_wait3A_375 : memref<1x32xf32, #tpu.memory_space<vmem>> -> memref<32xf32, #tpu.memory_space<vmem>>
    %dma_wait3A_377 = tpu.memref_slice %arg13[%dma_wait3A_372, %mul3A_10] : memref<16x512xf32, #tpu.memory_space<vmem_shared>> -> memref<1x32xf32, #tpu.memory_space<vmem_shared>>
    %dma_wait3A_378 = tpu.memref_squeeze %dma_wait3A_377 : memref<1x32xf32, #tpu.memory_space<vmem_shared>> -> memref<32xf32, #tpu.memory_space<vmem_shared>>
    %dma_wait3A_379 = arith.constant 0 : i32
    %dma_wait3A_380 = tpu.memref_slice %arg10[%dma_wait3A_373, %dma_wait3A_379] : memref<16x32xf32, #tpu.memory_space<vmem>> -> memref<1x32xf32, #tpu.memory_space<vmem>>
    %dma_wait3A_381 = tpu.memref_squeeze %dma_wait3A_380 : memref<1x32xf32, #tpu.memory_space<vmem>> -> memref<32xf32, #tpu.memory_space<vmem>>
    %dma_wait3A_382 = tpu.memref_slice %arg13[%dma_wait3A_372, %mul3A_10] : memref<16x512xf32, #tpu.memory_space<vmem_shared>> -> memref<1x32xf32, #tpu.memory_space<vmem_shared>>
    %dma_wait3A_383 = tpu.memref_squeeze %dma_wait3A_382 : memref<1x32xf32, #tpu.memory_space<vmem_shared>> -> memref<32xf32, #tpu.memory_space<vmem_shared>>
    tpu.wait_dma2 semaphore(%arg14 : memref<!tpu.dma_semaphore, #tpu.memory_space<semaphore_mem>>) src(%dma_wait3A_383 : memref<32xf32, #tpu.memory_space<vmem_shared>>) dst(%dma_wait3A_381 : memref<32xf32, #tpu.memory_space<vmem>>)
    %dma_wait3A_384 = arith.constant 12 : i32
    %dma_wait3A_385 = arith.constant 12 : i32
    %dma_wait3A_386 = arith.constant 0 : i32
    %dma_wait3A_387 = tpu.memref_slice %arg10[%dma_wait3A_385, %dma_wait3A_386] : memref<16x32xf32, #tpu.memory_space<vmem>> -> memref<1x32xf32, #tpu.memory_space<vmem>>
    %dma_wait3A_388 = tpu.memref_squeeze %dma_wait3A_387 : memref<1x32xf32, #tpu.memory_space<vmem>> -> memref<32xf32, #tpu.memory_space<vmem>>
    %dma_wait3A_389 = tpu.memref_slice %arg13[%dma_wait3A_384, %mul3A_10] : memref<16x512xf32, #tpu.memory_space<vmem_shared>> -> memref<1x32xf32, #tpu.memory_space<vmem_shared>>
    %dma_wait3A_390 = tpu.memref_squeeze %dma_wait3A_389 : memref<1x32xf32, #tpu.memory_space<vmem_shared>> -> memref<32xf32, #tpu.memory_space<vmem_shared>>
    %dma_wait3A_391 = arith.constant 0 : i32
    %dma_wait3A_392 = tpu.memref_slice %arg10[%dma_wait3A_385, %dma_wait3A_391] : memref<16x32xf32, #tpu.memory_space<vmem>> -> memref<1x32xf32, #tpu.memory_space<vmem>>
    %dma_wait3A_393 = tpu.memref_squeeze %dma_wait3A_392 : memref<1x32xf32, #tpu.memory_space<vmem>> -> memref<32xf32, #tpu.memory_space<vmem>>
    %dma_wait3A_394 = tpu.memref_slice %arg13[%dma_wait3A_384, %mul3A_10] : memref<16x512xf32, #tpu.memory_space<vmem_shared>> -> memref<1x32xf32, #tpu.memory_space<vmem_shared>>
    %dma_wait3A_395 = tpu.memref_squeeze %dma_wait3A_394 : memref<1x32xf32, #tpu.memory_space<vmem_shared>> -> memref<32xf32, #tpu.memory_space<vmem_shared>>
    tpu.wait_dma2 semaphore(%arg14 : memref<!tpu.dma_semaphore, #tpu.memory_space<semaphore_mem>>) src(%dma_wait3A_395 : memref<32xf32, #tpu.memory_space<vmem_shared>>) dst(%dma_wait3A_393 : memref<32xf32, #tpu.memory_space<vmem>>)
    %dma_wait3A_396 = arith.constant 13 : i32
    %dma_wait3A_397 = arith.constant 13 : i32
    %dma_wait3A_398 = arith.constant 0 : i32
    %dma_wait3A_399 = tpu.memref_slice %arg10[%dma_wait3A_397, %dma_wait3A_398] : memref<16x32xf32, #tpu.memory_space<vmem>> -> memref<1x32xf32, #tpu.memory_space<vmem>>
    %dma_wait3A_400 = tpu.memref_squeeze %dma_wait3A_399 : memref<1x32xf32, #tpu.memory_space<vmem>> -> memref<32xf32, #tpu.memory_space<vmem>>
    %dma_wait3A_401 = tpu.memref_slice %arg13[%dma_wait3A_396, %mul3A_10] : memref<16x512xf32, #tpu.memory_space<vmem_shared>> -> memref<1x32xf32, #tpu.memory_space<vmem_shared>>
    %dma_wait3A_402 = tpu.memref_squeeze %dma_wait3A_401 : memref<1x32xf32, #tpu.memory_space<vmem_shared>> -> memref<32xf32, #tpu.memory_space<vmem_shared>>
    %dma_wait3A_403 = arith.constant 0 : i32
    %dma_wait3A_404 = tpu.memref_slice %arg10[%dma_wait3A_397, %dma_wait3A_403] : memref<16x32xf32, #tpu.memory_space<vmem>> -> memref<1x32xf32, #tpu.memory_space<vmem>>
    %dma_wait3A_405 = tpu.memref_squeeze %dma_wait3A_404 : memref<1x32xf32, #tpu.memory_space<vmem>> -> memref<32xf32, #tpu.memory_space<vmem>>
    %dma_wait3A_406 = tpu.memref_slice %arg13[%dma_wait3A_396, %mul3A_10] : memref<16x512xf32, #tpu.memory_space<vmem_shared>> -> memref<1x32xf32, #tpu.memory_space<vmem_shared>>
    %dma_wait3A_407 = tpu.memref_squeeze %dma_wait3A_406 : memref<1x32xf32, #tpu.memory_space<vmem_shared>> -> memref<32xf32, #tpu.memory_space<vmem_shared>>
    tpu.wait_dma2 semaphore(%arg14 : memref<!tpu.dma_semaphore, #tpu.memory_space<semaphore_mem>>) src(%dma_wait3A_407 : memref<32xf32, #tpu.memory_space<vmem_shared>>) dst(%dma_wait3A_405 : memref<32xf32, #tpu.memory_space<vmem>>)
    %dma_wait3A_408 = arith.constant 14 : i32
    %dma_wait3A_409 = arith.constant 14 : i32
    %dma_wait3A_410 = arith.constant 0 : i32
    %dma_wait3A_411 = tpu.memref_slice %arg10[%dma_wait3A_409, %dma_wait3A_410] : memref<16x32xf32, #tpu.memory_space<vmem>> -> memref<1x32xf32, #tpu.memory_space<vmem>>
    %dma_wait3A_412 = tpu.memref_squeeze %dma_wait3A_411 : memref<1x32xf32, #tpu.memory_space<vmem>> -> memref<32xf32, #tpu.memory_space<vmem>>
    %dma_wait3A_413 = tpu.memref_slice %arg13[%dma_wait3A_408, %mul3A_10] : memref<16x512xf32, #tpu.memory_space<vmem_shared>> -> memref<1x32xf32, #tpu.memory_space<vmem_shared>>
    %dma_wait3A_414 = tpu.memref_squeeze %dma_wait3A_413 : memref<1x32xf32, #tpu.memory_space<vmem_shared>> -> memref<32xf32, #tpu.memory_space<vmem_shared>>
    %dma_wait3A_415 = arith.constant 0 : i32
    %dma_wait3A_416 = tpu.memref_slice %arg10[%dma_wait3A_409, %dma_wait3A_415] : memref<16x32xf32, #tpu.memory_space<vmem>> -> memref<1x32xf32, #tpu.memory_space<vmem>>
    %dma_wait3A_417 = tpu.memref_squeeze %dma_wait3A_416 : memref<1x32xf32, #tpu.memory_space<vmem>> -> memref<32xf32, #tpu.memory_space<vmem>>
    %dma_wait3A_418 = tpu.memref_slice %arg13[%dma_wait3A_408, %mul3A_10] : memref<16x512xf32, #tpu.memory_space<vmem_shared>> -> memref<1x32xf32, #tpu.memory_space<vmem_shared>>
    %dma_wait3A_419 = tpu.memref_squeeze %dma_wait3A_418 : memref<1x32xf32, #tpu.memory_space<vmem_shared>> -> memref<32xf32, #tpu.memory_space<vmem_shared>>
    tpu.wait_dma2 semaphore(%arg14 : memref<!tpu.dma_semaphore, #tpu.memory_space<semaphore_mem>>) src(%dma_wait3A_419 : memref<32xf32, #tpu.memory_space<vmem_shared>>) dst(%dma_wait3A_417 : memref<32xf32, #tpu.memory_space<vmem>>)
    %dma_wait3A_420 = arith.constant 15 : i32
    %dma_wait3A_421 = arith.constant 15 : i32
    %dma_wait3A_422 = arith.constant 0 : i32
    %dma_wait3A_423 = tpu.memref_slice %arg10[%dma_wait3A_421, %dma_wait3A_422] : memref<16x32xf32, #tpu.memory_space<vmem>> -> memref<1x32xf32, #tpu.memory_space<vmem>>
    %dma_wait3A_424 = tpu.memref_squeeze %dma_wait3A_423 : memref<1x32xf32, #tpu.memory_space<vmem>> -> memref<32xf32, #tpu.memory_space<vmem>>
    %dma_wait3A_425 = tpu.memref_slice %arg13[%dma_wait3A_420, %mul3A_10] : memref<16x512xf32, #tpu.memory_space<vmem_shared>> -> memref<1x32xf32, #tpu.memory_space<vmem_shared>>
    %dma_wait3A_426 = tpu.memref_squeeze %dma_wait3A_425 : memref<1x32xf32, #tpu.memory_space<vmem_shared>> -> memref<32xf32, #tpu.memory_space<vmem_shared>>
    %dma_wait3A_427 = arith.constant 0 : i32
    %dma_wait3A_428 = tpu.memref_slice %arg10[%dma_wait3A_421, %dma_wait3A_427] : memref<16x32xf32, #tpu.memory_space<vmem>> -> memref<1x32xf32, #tpu.memory_space<vmem>>
    %dma_wait3A_429 = tpu.memref_squeeze %dma_wait3A_428 : memref<1x32xf32, #tpu.memory_space<vmem>> -> memref<32xf32, #tpu.memory_space<vmem>>
    %dma_wait3A_430 = tpu.memref_slice %arg13[%dma_wait3A_420, %mul3A_10] : memref<16x512xf32, #tpu.memory_space<vmem_shared>> -> memref<1x32xf32, #tpu.memory_space<vmem_shared>>
    %dma_wait3A_431 = tpu.memref_squeeze %dma_wait3A_430 : memref<1x32xf32, #tpu.memory_space<vmem_shared>> -> memref<32xf32, #tpu.memory_space<vmem_shared>>
    tpu.wait_dma2 semaphore(%arg14 : memref<!tpu.dma_semaphore, #tpu.memory_space<semaphore_mem>>) src(%dma_wait3A_431 : memref<32xf32, #tpu.memory_space<vmem_shared>>) dst(%dma_wait3A_429 : memref<32xf32, #tpu.memory_space<vmem>>)
    %get3A = arith.constant 0 : index
    %get3A_432 = tpu.vector_load %arg12[%get3A] {strides = array<i32>} : memref<32xf32, #tpu.memory_space<vmem>>, vector<16xf32>,
    %get3A_433 = arith.constant 0 : i32
    %get3A_434 = arith.index_cast %get3A_433 : i32 to index
    %get3A_435 = arith.constant 0 : index
    %get3A_436 = tpu.vector_load %arg10[%get3A_434, %get3A_435] {strides = array<i32>} : memref<16x32xf32, #tpu.memory_space<vmem>>, vector<16xf32>,
    %add3A_437 = arith.addf %get3A_432, %get3A_436 : vector<16xf32>
    %get3A_438 = arith.constant 1 : i32
    %get3A_439 = arith.index_cast %get3A_438 : i32 to index
    %get3A_440 = arith.constant 0 : index
    %get3A_441 = tpu.vector_load %arg10[%get3A_439, %get3A_440] {strides = array<i32>} : memref<16x32xf32, #tpu.memory_space<vmem>>, vector<16xf32>,
    %add3A_442 = arith.addf %add3A_437, %get3A_441 : vector<16xf32>
    %get3A_443 = arith.constant 2 : i32
    %get3A_444 = arith.index_cast %get3A_443 : i32 to index
    %get3A_445 = arith.constant 0 : index
    %get3A_446 = tpu.vector_load %arg10[%get3A_444, %get3A_445] {strides = array<i32>} : memref<16x32xf32, #tpu.memory_space<vmem>>, vector<16xf32>,
    %add3A_447 = arith.addf %add3A_442, %get3A_446 : vector<16xf32>
    %get3A_448 = arith.constant 3 : i32
    %get3A_449 = arith.index_cast %get3A_448 : i32 to index
    %get3A_450 = arith.constant 0 : index
    %get3A_451 = tpu.vector_load %arg10[%get3A_449, %get3A_450] {strides = array<i32>} : memref<16x32xf32, #tpu.memory_space<vmem>>, vector<16xf32>,
    %add3A_452 = arith.addf %add3A_447, %get3A_451 : vector<16xf32>
    %get3A_453 = arith.constant 4 : i32
    %get3A_454 = arith.index_cast %get3A_453 : i32 to index
    %get3A_455 = arith.constant 0 : index
    %get3A_456 = tpu.vector_load %arg10[%get3A_454, %get3A_455] {strides = array<i32>} : memref<16x32xf32, #tpu.memory_space<vmem>>, vector<16xf32>,
    %add3A_457 = arith.addf %add3A_452, %get3A_456 : vector<16xf32>
    %get3A_458 = arith.constant 5 : i32
    %get3A_459 = arith.index_cast %get3A_458 : i32 to index
    %get3A_460 = arith.constant 0 : index
    %get3A_461 = tpu.vector_load %arg10[%get3A_459, %get3A_460] {strides = array<i32>} : memref<16x32xf32, #tpu.memory_space<vmem>>, vector<16xf32>,
    %add3A_462 = arith.addf %add3A_457, %get3A_461 : vector<16xf32>
    %get3A_463 = arith.constant 6 : i32
    %get3A_464 = arith.index_cast %get3A_463 : i32 to index
    %get3A_465 = arith.constant 0 : index
    %get3A_466 = tpu.vector_load %arg10[%get3A_464, %get3A_465] {strides = array<i32>} : memref<16x32xf32, #tpu.memory_space<vmem>>, vector<16xf32>,
    %add3A_467 = arith.addf %add3A_462, %get3A_466 : vector<16xf32>
    %get3A_468 = arith.constant 7 : i32
    %get3A_469 = arith.index_cast %get3A_468 : i32 to index
    %get3A_470 = arith.constant 0 : index
    %get3A_471 = tpu.vector_load %arg10[%get3A_469, %get3A_470] {strides = array<i32>} : memref<16x32xf32, #tpu.memory_space<vmem>>, vector<16xf32>,
    %add3A_472 = arith.addf %add3A_467, %get3A_471 : vector<16xf32>
    %get3A_473 = arith.constant 8 : i32
    %get3A_474 = arith.index_cast %get3A_473 : i32 to index
    %get3A_475 = arith.constant 0 : index
    %get3A_476 = tpu.vector_load %arg10[%get3A_474, %get3A_475] {strides = array<i32>} : memref<16x32xf32, #tpu.memory_space<vmem>>, vector<16xf32>,
    %add3A_477 = arith.addf %add3A_472, %get3A_476 : vector<16xf32>
    %get3A_478 = arith.constant 9 : i32
    %get3A_479 = arith.index_cast %get3A_478 : i32 to index
    %get3A_480 = arith.constant 0 : index
    %get3A_481 = tpu.vector_load %arg10[%get3A_479, %get3A_480] {strides = array<i32>} : memref<16x32xf32, #tpu.memory_space<vmem>>, vector<16xf32>,
    %add3A_482 = arith.addf %add3A_477, %get3A_481 : vector<16xf32>
    %get3A_483 = arith.constant 10 : i32
    %get3A_484 = arith.index_cast %get3A_483 : i32 to index
    %get3A_485 = arith.constant 0 : index
    %get3A_486 = tpu.vector_load %arg10[%get3A_484, %get3A_485] {strides = array<i32>} : memref<16x32xf32, #tpu.memory_space<vmem>>, vector<16xf32>,
    %add3A_487 = arith.addf %add3A_482, %get3A_486 : vector<16xf32>
    %get3A_488 = arith.constant 11 : i32
    %get3A_489 = arith.index_cast %get3A_488 : i32 to index
    %get3A_490 = arith.constant 0 : index
    %get3A_491 = tpu.vector_load %arg10[%get3A_489, %get3A_490] {strides = array<i32>} : memref<16x32xf32, #tpu.memory_space<vmem>>, vector<16xf32>,
    %add3A_492 = arith.addf %add3A_487, %get3A_491 : vector<16xf32>
    %get3A_493 = arith.constant 12 : i32
    %get3A_494 = arith.index_cast %get3A_493 : i32 to index
    %get3A_495 = arith.constant 0 : index
    %get3A_496 = tpu.vector_load %arg10[%get3A_494, %get3A_495] {strides = array<i32>} : memref<16x32xf32, #tpu.memory_space<vmem>>, vector<16xf32>,
    %add3A_497 = arith.addf %add3A_492, %get3A_496 : vector<16xf32>
    %get3A_498 = arith.constant 13 : i32
    %get3A_499 = arith.index_cast %get3A_498 : i32 to index
    %get3A_500 = arith.constant 0 : index
    %get3A_501 = tpu.vector_load %arg10[%get3A_499, %get3A_500] {strides = array<i32>} : memref<16x32xf32, #tpu.memory_space<vmem>>, vector<16xf32>,
    %add3A_502 = arith.addf %add3A_497, %get3A_501 : vector<16xf32>
    %get3A_503 = arith.constant 14 : i32
    %get3A_504 = arith.index_cast %get3A_503 : i32 to index
    %get3A_505 = arith.constant 0 : index
    %get3A_506 = tpu.vector_load %arg10[%get3A_504, %get3A_505] {strides = array<i32>} : memref<16x32xf32, #tpu.memory_space<vmem>>, vector<16xf32>,
    %add3A_507 = arith.addf %add3A_502, %get3A_506 : vector<16xf32>
    %get3A_508 = arith.constant 15 : i32
    %get3A_509 = arith.index_cast %get3A_508 : i32 to index
    %get3A_510 = arith.constant 0 : index
    %get3A_511 = tpu.vector_load %arg10[%get3A_509, %get3A_510] {strides = array<i32>} : memref<16x32xf32, #tpu.memory_space<vmem>>, vector<16xf32>,
    %add3A_512 = arith.addf %add3A_507, %get3A_511 : vector<16xf32>
    %swap3A = arith.constant 0 : index
    %swap3A_513 = tpu.vector_load %arg11[%swap3A] {strides = array<i32>} : memref<32xf32, #tpu.memory_space<vmem>>, vector<16xf32>,
    tpu.vector_store %arg11[%swap3A], %add3A_512 {strides = array<i32>} : memref<32xf32, #tpu.memory_space<vmem>>, vector<16xf32>,
    %get3A_514 = arith.constant 16 : index
    %get3A_515 = tpu.vector_load %arg12[%get3A_514] {strides = array<i32>} : memref<32xf32, #tpu.memory_space<vmem>>, vector<16xf32>,
    %get3A_516 = arith.constant 0 : i32
    %get3A_517 = arith.index_cast %get3A_516 : i32 to index
    %get3A_518 = arith.constant 16 : index
    %get3A_519 = tpu.vector_load %arg10[%get3A_517, %get3A_518] {strides = array<i32>} : memref<16x32xf32, #tpu.memory_space<vmem>>, vector<16xf32>,
    %add3A_520 = arith.addf %get3A_515, %get3A_519 : vector<16xf32>
    %get3A_521 = arith.constant 1 : i32
    %get3A_522 = arith.index_cast %get3A_521 : i32 to index
    %get3A_523 = arith.constant 16 : index
    %get3A_524 = tpu.vector_load %arg10[%get3A_522, %get3A_523] {strides = array<i32>} : memref<16x32xf32, #tpu.memory_space<vmem>>, vector<16xf32>,
    %add3A_525 = arith.addf %add3A_520, %get3A_524 : vector<16xf32>
    %get3A_526 = arith.constant 2 : i32
    %get3A_527 = arith.index_cast %get3A_526 : i32 to index
    %get3A_528 = arith.constant 16 : index
    %get3A_529 = tpu.vector_load %arg10[%get3A_527, %get3A_528] {strides = array<i32>} : memref<16x32xf32, #tpu.memory_space<vmem>>, vector<16xf32>,
    %add3A_530 = arith.addf %add3A_525, %get3A_529 : vector<16xf32>
    %get3A_531 = arith.constant 3 : i32
    %get3A_532 = arith.index_cast %get3A_531 : i32 to index
    %get3A_533 = arith.constant 16 : index
    %get3A_534 = tpu.vector_load %arg10[%get3A_532, %get3A_533] {strides = array<i32>} : memref<16x32xf32, #tpu.memory_space<vmem>>, vector<16xf32>,
    %add3A_535 = arith.addf %add3A_530, %get3A_534 : vector<16xf32>
    %get3A_536 = arith.constant 4 : i32
    %get3A_537 = arith.index_cast %get3A_536 : i32 to index
    %get3A_538 = arith.constant 16 : index
    %get3A_539 = tpu.vector_load %arg10[%get3A_537, %get3A_538] {strides = array<i32>} : memref<16x32xf32, #tpu.memory_space<vmem>>, vector<16xf32>,
    %add3A_540 = arith.addf %add3A_535, %get3A_539 : vector<16xf32>
    %get3A_541 = arith.constant 5 : i32
    %get3A_542 = arith.index_cast %get3A_541 : i32 to index
    %get3A_543 = arith.constant 16 : index
    %get3A_544 = tpu.vector_load %arg10[%get3A_542, %get3A_543] {strides = array<i32>} : memref<16x32xf32, #tpu.memory_space<vmem>>, vector<16xf32>,
    %add3A_545 = arith.addf %add3A_540, %get3A_544 : vector<16xf32>
    %get3A_546 = arith.constant 6 : i32
    %get3A_547 = arith.index_cast %get3A_546 : i32 to index
    %get3A_548 = arith.constant 16 : index
    %get3A_549 = tpu.vector_load %arg10[%get3A_547, %get3A_548] {strides = array<i32>} : memref<16x32xf32, #tpu.memory_space<vmem>>, vector<16xf32>,
    %add3A_550 = arith.addf %add3A_545, %get3A_549 : vector<16xf32>
    %get3A_551 = arith.constant 7 : i32
    %get3A_552 = arith.index_cast %get3A_551 : i32 to index
    %get3A_553 = arith.constant 16 : index
    %get3A_554 = tpu.vector_load %arg10[%get3A_552, %get3A_553] {strides = array<i32>} : memref<16x32xf32, #tpu.memory_space<vmem>>, vector<16xf32>,
    %add3A_555 = arith.addf %add3A_550, %get3A_554 : vector<16xf32>
    %get3A_556 = arith.constant 8 : i32
    %get3A_557 = arith.index_cast %get3A_556 : i32 to index
    %get3A_558 = arith.constant 16 : index
    %get3A_559 = tpu.vector_load %arg10[%get3A_557, %get3A_558] {strides = array<i32>} : memref<16x32xf32, #tpu.memory_space<vmem>>, vector<16xf32>,
    %add3A_560 = arith.addf %add3A_555, %get3A_559 : vector<16xf32>
    %get3A_561 = arith.constant 9 : i32
    %get3A_562 = arith.index_cast %get3A_561 : i32 to index
    %get3A_563 = arith.constant 16 : index
    %get3A_564 = tpu.vector_load %arg10[%get3A_562, %get3A_563] {strides = array<i32>} : memref<16x32xf32, #tpu.memory_space<vmem>>, vector<16xf32>,
    %add3A_565 = arith.addf %add3A_560, %get3A_564 : vector<16xf32>
    %get3A_566 = arith.constant 10 : i32
    %get3A_567 = arith.index_cast %get3A_566 : i32 to index
    %get3A_568 = arith.constant 16 : index
    %get3A_569 = tpu.vector_load %arg10[%get3A_567, %get3A_568] {strides = array<i32>} : memref<16x32xf32, #tpu.memory_space<vmem>>, vector<16xf32>,
    %add3A_570 = arith.addf %add3A_565, %get3A_569 : vector<16xf32>
    %get3A_571 = arith.constant 11 : i32
    %get3A_572 = arith.index_cast %get3A_571 : i32 to index
    %get3A_573 = arith.constant 16 : index
    %get3A_574 = tpu.vector_load %arg10[%get3A_572, %get3A_573] {strides = array<i32>} : memref<16x32xf32, #tpu.memory_space<vmem>>, vector<16xf32>,
    %add3A_575 = arith.addf %add3A_570, %get3A_574 : vector<16xf32>
    %get3A_576 = arith.constant 12 : i32
    %get3A_577 = arith.index_cast %get3A_576 : i32 to index
    %get3A_578 = arith.constant 16 : index
    %get3A_579 = tpu.vector_load %arg10[%get3A_577, %get3A_578] {strides = array<i32>} : memref<16x32xf32, #tpu.memory_space<vmem>>, vector<16xf32>,
    %add3A_580 = arith.addf %add3A_575, %get3A_579 : vector<16xf32>
    %get3A_581 = arith.constant 13 : i32
    %get3A_582 = arith.index_cast %get3A_581 : i32 to index
    %get3A_583 = arith.constant 16 : index
    %get3A_584 = tpu.vector_load %arg10[%get3A_582, %get3A_583] {strides = array<i32>} : memref<16x32xf32, #tpu.memory_space<vmem>>, vector<16xf32>,
    %add3A_585 = arith.addf %add3A_580, %get3A_584 : vector<16xf32>
    %get3A_586 = arith.constant 14 : i32
    %get3A_587 = arith.index_cast %get3A_586 : i32 to index
    %get3A_588 = arith.constant 16 : index
    %get3A_589 = tpu.vector_load %arg10[%get3A_587, %get3A_588] {strides = array<i32>} : memref<16x32xf32, #tpu.memory_space<vmem>>, vector<16xf32>,
    %add3A_590 = arith.addf %add3A_585, %get3A_589 : vector<16xf32>
    %get3A_591 = arith.constant 15 : i32
    %get3A_592 = arith.index_cast %get3A_591 : i32 to index
    %get3A_593 = arith.constant 16 : index
    %get3A_594 = tpu.vector_load %arg10[%get3A_592, %get3A_593] {strides = array<i32>} : memref<16x32xf32, #tpu.memory_space<vmem>>, vector<16xf32>,
    %add3A_595 = arith.addf %add3A_590, %get3A_594 : vector<16xf32>
    %swap3A_596 = arith.constant 16 : index
    %swap3A_597 = tpu.vector_load %arg11[%swap3A_596] {strides = array<i32>} : memref<32xf32, #tpu.memory_space<vmem>>, vector<16xf32>,
    tpu.vector_store %arg11[%swap3A_596], %add3A_595 {strides = array<i32>} : memref<32xf32, #tpu.memory_space<vmem>>, vector<16xf32>,
    "tpu.region"() ({
      %run_scoped3A = tpu.sem_alloc : memref<!tpu.dma_semaphore, #tpu.memory_space<semaphore_mem>>
      %dma_start3A_598 = tpu.memref_slice %arg5[%mul3A_10] : memref<512xf32, #tpu.memory_space<hbm>> -> memref<32xf32, #tpu.memory_space<hbm>>
      %dma_start3A_599 = tpu.memref_slice %arg5[%mul3A_10] : memref<512xf32, #tpu.memory_space<hbm>> -> memref<32xf32, #tpu.memory_space<hbm>>
      tpu.enqueue_dma source(%arg11 : memref<32xf32, #tpu.memory_space<vmem>>) target(%dma_start3A_599 : memref<32xf32, #tpu.memory_space<hbm>>) target_semaphore(%run_scoped3A : memref<!tpu.dma_semaphore, #tpu.memory_space<semaphore_mem>>)
      %dma_wait3A_600 = tpu.memref_slice %arg5[%mul3A_10] : memref<512xf32, #tpu.memory_space<hbm>> -> memref<32xf32, #tpu.memory_space<hbm>>
      %dma_wait3A_601 = tpu.memref_slice %arg5[%mul3A_10] : memref<512xf32, #tpu.memory_space<hbm>> -> memref<32xf32, #tpu.memory_space<hbm>>
      tpu.wait_dma2 semaphore(%run_scoped3A : memref<!tpu.dma_semaphore, #tpu.memory_space<semaphore_mem>>) src(%arg11 : memref<32xf32, #tpu.memory_space<vmem>>) dst(%dma_wait3A_601 : memref<32xf32, #tpu.memory_space<hbm>>)
      tpu.yield
    }) : () -> ()
    return
  }
}

#map = affine_map<(d0, d1) -> (0)>
module attributes {stable_mosaic.version = 14 : i64} {
  func.func @_segsum_body(%arg0: i32, %arg1: i32, %arg2: memref<40960xf32, #tpu.memory_space<hbm>>, %arg3: memref<100000xi32, #tpu.memory_space<hbm>>, %arg4: memref<512xf32, #tpu.memory_space<hbm>>, %arg5: memref<512xf32, #tpu.memory_space<hbm>>, %arg6: memref<2560xf32, #tpu.memory_space<vmem>>, %arg7: memref<2560xi32, #tpu.memory_space<vmem>>, %arg8: memref<8192xf32, #tpu.memory_space<vmem>>, %arg9: memref<512xf32, #tpu.memory_space<vmem>>, %arg10: memref<16x32xf32, #tpu.memory_space<vmem>>, %arg11: memref<32xf32, #tpu.memory_space<vmem>>, %arg12: memref<32xf32, #tpu.memory_space<vmem>>, %arg13: memref<16x512xf32, #tpu.memory_space<vmem_shared>>, %arg14: memref<!tpu.dma_semaphore, #tpu.memory_space<semaphore_mem>>, %arg15: memref<!tpu.dma_semaphore, #tpu.memory_space<semaphore_mem>>) attributes {dimension_semantics = [#tpu.dimension_semantics<core_parallel>, #tpu.dimension_semantics<subcore_parallel>], iteration_bounds = array<i64: 1, 16>, scalar_prefetch = 0 : i64, scratch_operands = 10 : i64, tpu.core_type = #tpu.core_type<sc_vector_subcore>, window_params = [{transform_indices = #map}, {transform_indices = #map}, {transform_indices = #map}, {transform_indices = #map}]} {
    %mul3A = arith.constant 2560 : i32
    %mul3A_0 = arith.muli %arg1, %mul3A : i32
    %dma_start3A = tpu.memref_slice %arg2[%mul3A_0] : memref<40960xf32, #tpu.memory_space<hbm>> -> memref<2560xf32, #tpu.memory_space<hbm>>
    %dma_start3A_1 = tpu.memref_slice %arg2[%mul3A_0] : memref<40960xf32, #tpu.memory_space<hbm>> -> memref<2560xf32, #tpu.memory_space<hbm>>
    tpu.enqueue_dma source(%dma_start3A_1 : memref<2560xf32, #tpu.memory_space<hbm>>) target(%arg6 : memref<2560xf32, #tpu.memory_space<vmem>>) target_semaphore(%arg14 : memref<!tpu.dma_semaphore, #tpu.memory_space<semaphore_mem>>)
    %add3A = arith.constant 61440 : i32
    %add3A_2 = arith.addi %add3A, %mul3A_0 : i32
    %dma_start3A_3 = arith.constant 0 : i32
    %dma_start3A_4 = tpu.memref_slice %arg7[%dma_start3A_3] : memref<2560xi32, #tpu.memory_space<vmem>> -> memref<160xi32, #tpu.memory_space<vmem>>
    %dma_start3A_5 = tpu.memref_slice %arg3[%add3A_2] : memref<100000xi32, #tpu.memory_space<hbm>> -> memref<160xi32, #tpu.memory_space<hbm>>
    %dma_start3A_6 = arith.constant 0 : i32
    %dma_start3A_7 = tpu.memref_slice %arg7[%dma_start3A_6] : memref<2560xi32, #tpu.memory_space<vmem>> -> memref<160xi32, #tpu.memory_space<vmem>>
    %dma_start3A_8 = tpu.memref_slice %arg3[%add3A_2] : memref<100000xi32, #tpu.memory_space<hbm>> -> memref<160xi32, #tpu.memory_space<hbm>>
    tpu.enqueue_dma source(%dma_start3A_8 : memref<160xi32, #tpu.memory_space<hbm>>) target(%dma_start3A_7 : memref<160xi32, #tpu.memory_space<vmem>>) target_semaphore(%arg15 : memref<!tpu.dma_semaphore, #tpu.memory_space<semaphore_mem>>)
    %mul3A_9 = arith.constant 32 : i32
    %mul3A_10 = arith.muli %arg1, %mul3A_9 : i32
    %dma_start3A_11 = tpu.memref_slice %arg4[%mul3A_10] : memref<512xf32, #tpu.memory_space<hbm>> -> memref<32xf32, #tpu.memory_space<hbm>>
    %dma_start3A_12 = tpu.memref_slice %arg4[%mul3A_10] : memref<512xf32, #tpu.memory_space<hbm>> -> memref<32xf32, #tpu.memory_space<hbm>>
    tpu.enqueue_dma source(%dma_start3A_12 : memref<32xf32, #tpu.memory_space<hbm>>) target(%arg12 : memref<32xf32, #tpu.memory_space<vmem>>) target_semaphore(%arg15 : memref<!tpu.dma_semaphore, #tpu.memory_space<semaphore_mem>>)
    %lt3A = arith.constant 15 : i32
    %lt3A_13 = arith.cmpi slt, %arg1, %lt3A : i32
    %convert_element_type3A = arith.extui %lt3A_13 : i1 to i32
    %cond3A = arith.constant 0 : i32
    %cond3A_14 = arith.cmpi ne, %convert_element_type3A, %cond3A : i32
    scf.if %cond3A_14 {
      %add3A_601 = arith.constant 61440 : i32
      %add3A_602 = arith.addi %add3A_601, %mul3A_0 : i32
      %add3A_603 = arith.constant 160 : i32
      %add3A_604 = arith.addi %add3A_602, %add3A_603 : i32
      %dma_start3A_605 = arith.constant 160 : i32
      %dma_start3A_606 = tpu.memref_slice %arg7[%dma_start3A_605] : memref<2560xi32, #tpu.memory_space<vmem>> -> memref<2400xi32, #tpu.memory_space<vmem>>
      %dma_start3A_607 = tpu.memref_slice %arg3[%add3A_604] : memref<100000xi32, #tpu.memory_space<hbm>> -> memref<2400xi32, #tpu.memory_space<hbm>>
      %dma_start3A_608 = arith.constant 160 : i32
      %dma_start3A_609 = tpu.memref_slice %arg7[%dma_start3A_608] : memref<2560xi32, #tpu.memory_space<vmem>> -> memref<2400xi32, #tpu.memory_space<vmem>>
      %dma_start3A_610 = tpu.memref_slice %arg3[%add3A_604] : memref<100000xi32, #tpu.memory_space<hbm>> -> memref<2400xi32, #tpu.memory_space<hbm>>
      tpu.enqueue_dma source(%dma_start3A_610 : memref<2400xi32, #tpu.memory_space<hbm>>) target(%dma_start3A_609 : memref<2400xi32, #tpu.memory_space<vmem>>) target_semaphore(%arg15 : memref<!tpu.dma_semaphore, #tpu.memory_space<semaphore_mem>>)
      %dma_wait3A_611 = arith.constant 160 : i32
      %dma_wait3A_612 = tpu.memref_slice %arg7[%dma_wait3A_611] : memref<2560xi32, #tpu.memory_space<vmem>> -> memref<2400xi32, #tpu.memory_space<vmem>>
      %dma_wait3A_613 = tpu.memref_slice %arg3[%add3A_604] : memref<100000xi32, #tpu.memory_space<hbm>> -> memref<2400xi32, #tpu.memory_space<hbm>>
      %dma_wait3A_614 = arith.constant 160 : i32
      %dma_wait3A_615 = tpu.memref_slice %arg7[%dma_wait3A_614] : memref<2560xi32, #tpu.memory_space<vmem>> -> memref<2400xi32, #tpu.memory_space<vmem>>
      %dma_wait3A_616 = tpu.memref_slice %arg3[%add3A_604] : memref<100000xi32, #tpu.memory_space<hbm>> -> memref<2400xi32, #tpu.memory_space<hbm>>
      tpu.wait_dma2 semaphore(%arg15 : memref<!tpu.dma_semaphore, #tpu.memory_space<semaphore_mem>>) src(%dma_wait3A_616 : memref<2400xi32, #tpu.memory_space<hbm>>) dst(%dma_wait3A_615 : memref<2400xi32, #tpu.memory_space<vmem>>)
    } else {
    }
    %broadcast_in_dim3A = arith.constant 0.000000e+00 : f32
    %broadcast_in_dim3A_15 = vector.broadcast %broadcast_in_dim3A : f32 to vector<16xf32>
    %iota3A = tpu.iota {dimensions = array<i32: 0>} : vector<16xi32>
    %mul3A_16 = arith.constant 512 : i32
    %mul3A_17 = vector.broadcast %mul3A_16 : i32 to vector<16xi32>
    %mul3A_18 = arith.muli %iota3A, %mul3A_17 : vector<16xi32>
    %scan3A = arith.constant 0 : i32
    %scan3A_19 = arith.constant 0 : i32
    %scan3A_20 = arith.constant 128 : i32
    %scan3A_21 = arith.addi %scan3A_19, %scan3A_20 : i32
    %scan3A_22 = arith.constant 1 : i32
    scf.for %scan3A_601 = %scan3A_19 to %scan3A_21 step %scan3A_22  : i32 {
      %mul3A_602 = arith.constant 64 : i32
      %mul3A_603 = arith.muli %scan3A_601, %mul3A_602 : i32
      %add3A_604 = arith.constant 0 : i32
      %add3A_605 = arith.addi %mul3A_603, %add3A_604 : i32
      %swap3A_606 = arith.index_cast %add3A_605 : i32 to index
      %swap3A_607 = tpu.vector_load %arg8[%swap3A_606] {strides = array<i32>} : memref<8192xf32, #tpu.memory_space<vmem>>, vector<16xf32>,
      tpu.vector_store %arg8[%swap3A_606], %broadcast_in_dim3A_15 {strides = array<i32>} : memref<8192xf32, #tpu.memory_space<vmem>>, vector<16xf32>,
      %mul3A_608 = arith.constant 64 : i32
      %mul3A_609 = arith.muli %scan3A_601, %mul3A_608 : i32
      %add3A_610 = arith.constant 16 : i32
      %add3A_611 = arith.addi %mul3A_609, %add3A_610 : i32
      %swap3A_612 = arith.index_cast %add3A_611 : i32 to index
      %swap3A_613 = tpu.vector_load %arg8[%swap3A_612] {strides = array<i32>} : memref<8192xf32, #tpu.memory_space<vmem>>, vector<16xf32>,
      tpu.vector_store %arg8[%swap3A_612], %broadcast_in_dim3A_15 {strides = array<i32>} : memref<8192xf32, #tpu.memory_space<vmem>>, vector<16xf32>,
      %mul3A_614 = arith.constant 64 : i32
      %mul3A_615 = arith.muli %scan3A_601, %mul3A_614 : i32
      %add3A_616 = arith.constant 32 : i32
      %add3A_617 = arith.addi %mul3A_615, %add3A_616 : i32
      %swap3A_618 = arith.index_cast %add3A_617 : i32 to index
      %swap3A_619 = tpu.vector_load %arg8[%swap3A_618] {strides = array<i32>} : memref<8192xf32, #tpu.memory_space<vmem>>, vector<16xf32>,
      tpu.vector_store %arg8[%swap3A_618], %broadcast_in_dim3A_15 {strides = array<i32>} : memref<8192xf32, #tpu.memory_space<vmem>>, vector<16xf32>,
      %mul3A_620 = arith.constant 64 : i32
      %mul3A_621 = arith.muli %scan3A_601, %mul3A_620 : i32
      %add3A_622 = arith.constant 48 : i32
      %add3A_623 = arith.addi %mul3A_621, %add3A_622 : i32
      %swap3A_624 = arith.index_cast %add3A_623 : i32 to index
      %swap3A_625 = tpu.vector_load %arg8[%swap3A_624] {strides = array<i32>} : memref<8192xf32, #tpu.memory_space<vmem>>, vector<16xf32>,
      tpu.vector_store %arg8[%swap3A_624], %broadcast_in_dim3A_15 {strides = array<i32>} : memref<8192xf32, #tpu.memory_space<vmem>>, vector<16xf32>,
    }
    %scan3A_23 = arith.constant 128 : i32
    %dma_wait3A = tpu.memref_slice %arg2[%mul3A_0] : memref<40960xf32, #tpu.memory_space<hbm>> -> memref<2560xf32, #tpu.memory_space<hbm>>
    %dma_wait3A_24 = tpu.memref_slice %arg2[%mul3A_0] : memref<40960xf32, #tpu.memory_space<hbm>> -> memref<2560xf32, #tpu.memory_space<hbm>>
    tpu.wait_dma2 semaphore(%arg14 : memref<!tpu.dma_semaphore, #tpu.memory_space<semaphore_mem>>) src(%dma_wait3A_24 : memref<2560xf32, #tpu.memory_space<hbm>>) dst(%arg6 : memref<2560xf32, #tpu.memory_space<vmem>>)
    %dma_wait3A_25 = arith.constant 0 : i32
    %dma_wait3A_26 = tpu.memref_slice %arg7[%dma_wait3A_25] : memref<2560xi32, #tpu.memory_space<vmem>> -> memref<160xi32, #tpu.memory_space<vmem>>
    %dma_wait3A_27 = tpu.memref_slice %arg3[%add3A_2] : memref<100000xi32, #tpu.memory_space<hbm>> -> memref<160xi32, #tpu.memory_space<hbm>>
    %dma_wait3A_28 = arith.constant 0 : i32
    %dma_wait3A_29 = tpu.memref_slice %arg7[%dma_wait3A_28] : memref<2560xi32, #tpu.memory_space<vmem>> -> memref<160xi32, #tpu.memory_space<vmem>>
    %dma_wait3A_30 = tpu.memref_slice %arg3[%add3A_2] : memref<100000xi32, #tpu.memory_space<hbm>> -> memref<160xi32, #tpu.memory_space<hbm>>
    tpu.wait_dma2 semaphore(%arg15 : memref<!tpu.dma_semaphore, #tpu.memory_space<semaphore_mem>>) src(%dma_wait3A_30 : memref<160xi32, #tpu.memory_space<hbm>>) dst(%dma_wait3A_29 : memref<160xi32, #tpu.memory_space<vmem>>)
    %dma_wait3A_31 = tpu.memref_slice %arg4[%mul3A_10] : memref<512xf32, #tpu.memory_space<hbm>> -> memref<32xf32, #tpu.memory_space<hbm>>
    %dma_wait3A_32 = tpu.memref_slice %arg4[%mul3A_10] : memref<512xf32, #tpu.memory_space<hbm>> -> memref<32xf32, #tpu.memory_space<hbm>>
    tpu.wait_dma2 semaphore(%arg15 : memref<!tpu.dma_semaphore, #tpu.memory_space<semaphore_mem>>) src(%dma_wait3A_32 : memref<32xf32, #tpu.memory_space<hbm>>) dst(%arg12 : memref<32xf32, #tpu.memory_space<vmem>>)
    %lt3A_33 = arith.constant 15 : i32
    %lt3A_34 = arith.cmpi slt, %arg1, %lt3A_33 : i32
    %jit3A = arith.constant 80 : i32
    %jit3A_35 = arith.constant 5 : i32
    %select_n3A = arith.select %lt3A_34, %jit3A, %jit3A_35 : i32
    %while3A = arith.constant 0 : i32
    %while3A_36 = arith.constant 0 : i32
    %while3A_37 = arith.subi %select_n3A, %while3A_36 : i32
    %while3A_38 = arith.addi %while3A_36, %while3A_37 : i32
    %while3A_39 = arith.constant 1 : i32
    %while3A_40 = arith.divsi %while3A_37, %while3A_39 : i32
    %while3A_41 = arith.muli %while3A_40, %while3A_39 : i32
    %while3A_42 = arith.addi %while3A_36, %while3A_41 : i32
    %while3A_43 = arith.constant 1 : i32
    scf.for %while3A_601 = %while3A_36 to %while3A_42 step %while3A_43  : i32 {
      %mul3A_602 = arith.constant 2 : i32
      %mul3A_603 = arith.muli %while3A_601, %mul3A_602 : i32
      %add3A_604 = arith.constant 0 : i32
      %add3A_605 = arith.addi %mul3A_603, %add3A_604 : i32
      %mul3A_606 = arith.constant 16 : i32
      %mul3A_607 = arith.muli %add3A_605, %mul3A_606 : i32
      %get3A_608 = arith.index_cast %mul3A_607 : i32 to index
      %get3A_609 = tpu.vector_load %arg7[%get3A_608] {strides = array<i32>} : memref<2560xi32, #tpu.memory_space<vmem>>, vector<16xi32>,
      %add3A_610 = arith.addi %get3A_609, %mul3A_18 : vector<16xi32>
      %mul3A_611 = arith.constant 16 : i32
      %mul3A_612 = arith.muli %add3A_605, %mul3A_611 : i32
      %get3A_613 = arith.index_cast %mul3A_612 : i32 to index
      %get3A_614 = tpu.vector_load %arg6[%get3A_613] {strides = array<i32>} : memref<2560xf32, #tpu.memory_space<vmem>>, vector<16xf32>,
      tpu.vector_store_idx %arg8[%add3A_610], %get3A_614 {add = true} : memref<8192xf32, #tpu.memory_space<vmem>>[vector<16xi32>], vector<16xf32>,
      %mul3A_615 = arith.constant 2 : i32
      %mul3A_616 = arith.muli %while3A_601, %mul3A_615 : i32
      %add3A_617 = arith.constant 1 : i32
      %add3A_618 = arith.addi %mul3A_616, %add3A_617 : i32
      %mul3A_619 = arith.constant 16 : i32
      %mul3A_620 = arith.muli %add3A_618, %mul3A_619 : i32
      %get3A_621 = arith.index_cast %mul3A_620 : i32 to index
      %get3A_622 = tpu.vector_load %arg7[%get3A_621] {strides = array<i32>} : memref<2560xi32, #tpu.memory_space<vmem>>, vector<16xi32>,
      %add3A_623 = arith.addi %get3A_622, %mul3A_18 : vector<16xi32>
      %mul3A_624 = arith.constant 16 : i32
      %mul3A_625 = arith.muli %add3A_618, %mul3A_624 : i32
      %get3A_626 = arith.index_cast %mul3A_625 : i32 to index
      %get3A_627 = tpu.vector_load %arg6[%get3A_626] {strides = array<i32>} : memref<2560xf32, #tpu.memory_space<vmem>>, vector<16xf32>,
      tpu.vector_store_idx %arg8[%add3A_623], %get3A_627 {add = true} : memref<8192xf32, #tpu.memory_space<vmem>>[vector<16xi32>], vector<16xf32>,
    }
    %while3A_44 = arith.constant 1 : i32
    scf.for %while3A_601 = %while3A_42 to %while3A_38 step %while3A_44  : i32 {
      %mul3A_602 = arith.constant 2 : i32
      %mul3A_603 = arith.muli %while3A_601, %mul3A_602 : i32
      %add3A_604 = arith.constant 0 : i32
      %add3A_605 = arith.addi %mul3A_603, %add3A_604 : i32
      %mul3A_606 = arith.constant 16 : i32
      %mul3A_607 = arith.muli %add3A_605, %mul3A_606 : i32
      %get3A_608 = arith.index_cast %mul3A_607 : i32 to index
      %get3A_609 = tpu.vector_load %arg7[%get3A_608] {strides = array<i32>} : memref<2560xi32, #tpu.memory_space<vmem>>, vector<16xi32>,
      %add3A_610 = arith.addi %get3A_609, %mul3A_18 : vector<16xi32>
      %mul3A_611 = arith.constant 16 : i32
      %mul3A_612 = arith.muli %add3A_605, %mul3A_611 : i32
      %get3A_613 = arith.index_cast %mul3A_612 : i32 to index
      %get3A_614 = tpu.vector_load %arg6[%get3A_613] {strides = array<i32>} : memref<2560xf32, #tpu.memory_space<vmem>>, vector<16xf32>,
      tpu.vector_store_idx %arg8[%add3A_610], %get3A_614 {add = true} : memref<8192xf32, #tpu.memory_space<vmem>>[vector<16xi32>], vector<16xf32>,
      %mul3A_615 = arith.constant 2 : i32
      %mul3A_616 = arith.muli %while3A_601, %mul3A_615 : i32
      %add3A_617 = arith.constant 1 : i32
      %add3A_618 = arith.addi %mul3A_616, %add3A_617 : i32
      %mul3A_619 = arith.constant 16 : i32
      %mul3A_620 = arith.muli %add3A_618, %mul3A_619 : i32
      %get3A_621 = arith.index_cast %mul3A_620 : i32 to index
      %get3A_622 = tpu.vector_load %arg7[%get3A_621] {strides = array<i32>} : memref<2560xi32, #tpu.memory_space<vmem>>, vector<16xi32>,
      %add3A_623 = arith.addi %get3A_622, %mul3A_18 : vector<16xi32>
      %mul3A_624 = arith.constant 16 : i32
      %mul3A_625 = arith.muli %add3A_618, %mul3A_624 : i32
      %get3A_626 = arith.index_cast %mul3A_625 : i32 to index
      %get3A_627 = tpu.vector_load %arg6[%get3A_626] {strides = array<i32>} : memref<2560xf32, #tpu.memory_space<vmem>>, vector<16xf32>,
      tpu.vector_store_idx %arg8[%add3A_623], %get3A_627 {add = true} : memref<8192xf32, #tpu.memory_space<vmem>>[vector<16xi32>], vector<16xf32>,
    }
    %scan3A_45 = arith.constant 0 : i32
    %scan3A_46 = arith.constant 0 : i32
    %scan3A_47 = arith.constant 32 : i32
    %scan3A_48 = arith.addi %scan3A_46, %scan3A_47 : i32
    %scan3A_49 = arith.constant 1 : i32
    scf.for %scan3A_601 = %scan3A_46 to %scan3A_48 step %scan3A_49  : i32 {
      %mul3A_602 = arith.constant 16 : i32
      %mul3A_603 = arith.muli %scan3A_601, %mul3A_602 : i32
      %add3A_604 = arith.constant 0 : i32
      %add3A_605 = arith.addi %add3A_604, %mul3A_603 : i32
      %get3A_606 = arith.index_cast %add3A_605 : i32 to index
      %get3A_607 = tpu.vector_load %arg8[%get3A_606] {strides = array<i32>} : memref<8192xf32, #tpu.memory_space<vmem>>, vector<16xf32>,
      %add3A_608 = arith.addf %broadcast_in_dim3A_15, %get3A_607 : vector<16xf32>
      %mul3A_609 = arith.constant 16 : i32
      %mul3A_610 = arith.muli %scan3A_601, %mul3A_609 : i32
      %add3A_611 = arith.constant 512 : i32
      %add3A_612 = arith.addi %add3A_611, %mul3A_610 : i32
      %get3A_613 = arith.index_cast %add3A_612 : i32 to index
      %get3A_614 = tpu.vector_load %arg8[%get3A_613] {strides = array<i32>} : memref<8192xf32, #tpu.memory_space<vmem>>, vector<16xf32>,
      %add3A_615 = arith.addf %add3A_608, %get3A_614 : vector<16xf32>
      %mul3A_616 = arith.constant 16 : i32
      %mul3A_617 = arith.muli %scan3A_601, %mul3A_616 : i32
      %add3A_618 = arith.constant 1024 : i32
      %add3A_619 = arith.addi %add3A_618, %mul3A_617 : i32
      %get3A_620 = arith.index_cast %add3A_619 : i32 to index
      %get3A_621 = tpu.vector_load %arg8[%get3A_620] {strides = array<i32>} : memref<8192xf32, #tpu.memory_space<vmem>>, vector<16xf32>,
      %add3A_622 = arith.addf %add3A_615, %get3A_621 : vector<16xf32>
      %mul3A_623 = arith.constant 16 : i32
      %mul3A_624 = arith.muli %scan3A_601, %mul3A_623 : i32
      %add3A_625 = arith.constant 1536 : i32
      %add3A_626 = arith.addi %add3A_625, %mul3A_624 : i32
      %get3A_627 = arith.index_cast %add3A_626 : i32 to index
      %get3A_628 = tpu.vector_load %arg8[%get3A_627] {strides = array<i32>} : memref<8192xf32, #tpu.memory_space<vmem>>, vector<16xf32>,
      %add3A_629 = arith.addf %add3A_622, %get3A_628 : vector<16xf32>
      %mul3A_630 = arith.constant 16 : i32
      %mul3A_631 = arith.muli %scan3A_601, %mul3A_630 : i32
      %add3A_632 = arith.constant 2048 : i32
      %add3A_633 = arith.addi %add3A_632, %mul3A_631 : i32
      %get3A_634 = arith.index_cast %add3A_633 : i32 to index
      %get3A_635 = tpu.vector_load %arg8[%get3A_634] {strides = array<i32>} : memref<8192xf32, #tpu.memory_space<vmem>>, vector<16xf32>,
      %add3A_636 = arith.addf %add3A_629, %get3A_635 : vector<16xf32>
      %mul3A_637 = arith.constant 16 : i32
      %mul3A_638 = arith.muli %scan3A_601, %mul3A_637 : i32
      %add3A_639 = arith.constant 2560 : i32
      %add3A_640 = arith.addi %add3A_639, %mul3A_638 : i32
      %get3A_641 = arith.index_cast %add3A_640 : i32 to index
      %get3A_642 = tpu.vector_load %arg8[%get3A_641] {strides = array<i32>} : memref<8192xf32, #tpu.memory_space<vmem>>, vector<16xf32>,
      %add3A_643 = arith.addf %add3A_636, %get3A_642 : vector<16xf32>
      %mul3A_644 = arith.constant 16 : i32
      %mul3A_645 = arith.muli %scan3A_601, %mul3A_644 : i32
      %add3A_646 = arith.constant 3072 : i32
      %add3A_647 = arith.addi %add3A_646, %mul3A_645 : i32
      %get3A_648 = arith.index_cast %add3A_647 : i32 to index
      %get3A_649 = tpu.vector_load %arg8[%get3A_648] {strides = array<i32>} : memref<8192xf32, #tpu.memory_space<vmem>>, vector<16xf32>,
      %add3A_650 = arith.addf %add3A_643, %get3A_649 : vector<16xf32>
      %mul3A_651 = arith.constant 16 : i32
      %mul3A_652 = arith.muli %scan3A_601, %mul3A_651 : i32
      %add3A_653 = arith.constant 3584 : i32
      %add3A_654 = arith.addi %add3A_653, %mul3A_652 : i32
      %get3A_655 = arith.index_cast %add3A_654 : i32 to index
      %get3A_656 = tpu.vector_load %arg8[%get3A_655] {strides = array<i32>} : memref<8192xf32, #tpu.memory_space<vmem>>, vector<16xf32>,
      %add3A_657 = arith.addf %add3A_650, %get3A_656 : vector<16xf32>
      %mul3A_658 = arith.constant 16 : i32
      %mul3A_659 = arith.muli %scan3A_601, %mul3A_658 : i32
      %add3A_660 = arith.constant 4096 : i32
      %add3A_661 = arith.addi %add3A_660, %mul3A_659 : i32
      %get3A_662 = arith.index_cast %add3A_661 : i32 to index
      %get3A_663 = tpu.vector_load %arg8[%get3A_662] {strides = array<i32>} : memref<8192xf32, #tpu.memory_space<vmem>>, vector<16xf32>,
      %add3A_664 = arith.addf %add3A_657, %get3A_663 : vector<16xf32>
      %mul3A_665 = arith.constant 16 : i32
      %mul3A_666 = arith.muli %scan3A_601, %mul3A_665 : i32
      %add3A_667 = arith.constant 4608 : i32
      %add3A_668 = arith.addi %add3A_667, %mul3A_666 : i32
      %get3A_669 = arith.index_cast %add3A_668 : i32 to index
      %get3A_670 = tpu.vector_load %arg8[%get3A_669] {strides = array<i32>} : memref<8192xf32, #tpu.memory_space<vmem>>, vector<16xf32>,
      %add3A_671 = arith.addf %add3A_664, %get3A_670 : vector<16xf32>
      %mul3A_672 = arith.constant 16 : i32
      %mul3A_673 = arith.muli %scan3A_601, %mul3A_672 : i32
      %add3A_674 = arith.constant 5120 : i32
      %add3A_675 = arith.addi %add3A_674, %mul3A_673 : i32
      %get3A_676 = arith.index_cast %add3A_675 : i32 to index
      %get3A_677 = tpu.vector_load %arg8[%get3A_676] {strides = array<i32>} : memref<8192xf32, #tpu.memory_space<vmem>>, vector<16xf32>,
      %add3A_678 = arith.addf %add3A_671, %get3A_677 : vector<16xf32>
      %mul3A_679 = arith.constant 16 : i32
      %mul3A_680 = arith.muli %scan3A_601, %mul3A_679 : i32
      %add3A_681 = arith.constant 5632 : i32
      %add3A_682 = arith.addi %add3A_681, %mul3A_680 : i32
      %get3A_683 = arith.index_cast %add3A_682 : i32 to index
      %get3A_684 = tpu.vector_load %arg8[%get3A_683] {strides = array<i32>} : memref<8192xf32, #tpu.memory_space<vmem>>, vector<16xf32>,
      %add3A_685 = arith.addf %add3A_678, %get3A_684 : vector<16xf32>
      %mul3A_686 = arith.constant 16 : i32
      %mul3A_687 = arith.muli %scan3A_601, %mul3A_686 : i32
      %add3A_688 = arith.constant 6144 : i32
      %add3A_689 = arith.addi %add3A_688, %mul3A_687 : i32
      %get3A_690 = arith.index_cast %add3A_689 : i32 to index
      %get3A_691 = tpu.vector_load %arg8[%get3A_690] {strides = array<i32>} : memref<8192xf32, #tpu.memory_space<vmem>>, vector<16xf32>,
      %add3A_692 = arith.addf %add3A_685, %get3A_691 : vector<16xf32>
      %mul3A_693 = arith.constant 16 : i32
      %mul3A_694 = arith.muli %scan3A_601, %mul3A_693 : i32
      %add3A_695 = arith.constant 6656 : i32
      %add3A_696 = arith.addi %add3A_695, %mul3A_694 : i32
      %get3A_697 = arith.index_cast %add3A_696 : i32 to index
      %get3A_698 = tpu.vector_load %arg8[%get3A_697] {strides = array<i32>} : memref<8192xf32, #tpu.memory_space<vmem>>, vector<16xf32>,
      %add3A_699 = arith.addf %add3A_692, %get3A_698 : vector<16xf32>
      %mul3A_700 = arith.constant 16 : i32
      %mul3A_701 = arith.muli %scan3A_601, %mul3A_700 : i32
      %add3A_702 = arith.constant 7168 : i32
      %add3A_703 = arith.addi %add3A_702, %mul3A_701 : i32
      %get3A_704 = arith.index_cast %add3A_703 : i32 to index
      %get3A_705 = tpu.vector_load %arg8[%get3A_704] {strides = array<i32>} : memref<8192xf32, #tpu.memory_space<vmem>>, vector<16xf32>,
      %add3A_706 = arith.addf %add3A_699, %get3A_705 : vector<16xf32>
      %mul3A_707 = arith.constant 16 : i32
      %mul3A_708 = arith.muli %scan3A_601, %mul3A_707 : i32
      %add3A_709 = arith.constant 7680 : i32
      %add3A_710 = arith.addi %add3A_709, %mul3A_708 : i32
      %get3A_711 = arith.index_cast %add3A_710 : i32 to index
      %get3A_712 = tpu.vector_load %arg8[%get3A_711] {strides = array<i32>} : memref<8192xf32, #tpu.memory_space<vmem>>, vector<16xf32>,
      %add3A_713 = arith.addf %add3A_706, %get3A_712 : vector<16xf32>
      %mul3A_714 = arith.constant 16 : i32
      %mul3A_715 = arith.muli %scan3A_601, %mul3A_714 : i32
      %swap3A_716 = arith.index_cast %mul3A_715 : i32 to index
      %swap3A_717 = tpu.vector_load %arg9[%swap3A_716] {strides = array<i32>} : memref<512xf32, #tpu.memory_space<vmem>>, vector<16xf32>,
      tpu.vector_store %arg9[%swap3A_716], %add3A_713 {strides = array<i32>} : memref<512xf32, #tpu.memory_space<vmem>>, vector<16xf32>,
    }
    %scan3A_50 = arith.constant 32 : i32
    "tpu.region"() ({
      %run_scoped3A = tpu.sem_alloc : memref<!tpu.dma_semaphore, #tpu.memory_space<semaphore_mem>>
      %dma_start3A_601 = arith.constant 0 : i32
      %dma_start3A_602 = tpu.memref_slice %arg13[%arg1, %dma_start3A_601] : memref<16x512xf32, #tpu.memory_space<vmem_shared>> -> memref<1x512xf32, #tpu.memory_space<vmem_shared>>
      %dma_start3A_603 = tpu.memref_squeeze %dma_start3A_602 : memref<1x512xf32, #tpu.memory_space<vmem_shared>> -> memref<512xf32, #tpu.memory_space<vmem_shared>>
      %dma_start3A_604 = arith.constant 0 : i32
      %dma_start3A_605 = tpu.memref_slice %arg13[%arg1, %dma_start3A_604] : memref<16x512xf32, #tpu.memory_space<vmem_shared>> -> memref<1x512xf32, #tpu.memory_space<vmem_shared>>
      %dma_start3A_606 = tpu.memref_squeeze %dma_start3A_605 : memref<1x512xf32, #tpu.memory_space<vmem_shared>> -> memref<512xf32, #tpu.memory_space<vmem_shared>>
      tpu.enqueue_dma source(%arg9 : memref<512xf32, #tpu.memory_space<vmem>>) target(%dma_start3A_606 : memref<512xf32, #tpu.memory_space<vmem_shared>>) target_semaphore(%run_scoped3A : memref<!tpu.dma_semaphore, #tpu.memory_space<semaphore_mem>>)
      %dma_wait3A_607 = arith.constant 0 : i32
      %dma_wait3A_608 = tpu.memref_slice %arg13[%arg1, %dma_wait3A_607] : memref<16x512xf32, #tpu.memory_space<vmem_shared>> -> memref<1x512xf32, #tpu.memory_space<vmem_shared>>
      %dma_wait3A_609 = tpu.memref_squeeze %dma_wait3A_608 : memref<1x512xf32, #tpu.memory_space<vmem_shared>> -> memref<512xf32, #tpu.memory_space<vmem_shared>>
      %dma_wait3A_610 = arith.constant 0 : i32
      %dma_wait3A_611 = tpu.memref_slice %arg13[%arg1, %dma_wait3A_610] : memref<16x512xf32, #tpu.memory_space<vmem_shared>> -> memref<1x512xf32, #tpu.memory_space<vmem_shared>>
      %dma_wait3A_612 = tpu.memref_squeeze %dma_wait3A_611 : memref<1x512xf32, #tpu.memory_space<vmem_shared>> -> memref<512xf32, #tpu.memory_space<vmem_shared>>
      tpu.wait_dma2 semaphore(%run_scoped3A : memref<!tpu.dma_semaphore, #tpu.memory_space<semaphore_mem>>) src(%arg9 : memref<512xf32, #tpu.memory_space<vmem>>) dst(%dma_wait3A_612 : memref<512xf32, #tpu.memory_space<vmem_shared>>)
      tpu.yield
    }) : () -> ()
    %barrier3A = arith.constant 0 : index
    tpu.barrier barrier_id(%barrier3A)
    %dma_start3A_51 = arith.constant 0 : i32
    %dma_start3A_52 = arith.constant 0 : i32
    %dma_start3A_53 = arith.constant 0 : i32
    %dma_start3A_54 = tpu.memref_slice %arg10[%dma_start3A_52, %dma_start3A_53] : memref<16x32xf32, #tpu.memory_space<vmem>> -> memref<1x32xf32, #tpu.memory_space<vmem>>
    %dma_start3A_55 = tpu.memref_squeeze %dma_start3A_54 : memref<1x32xf32, #tpu.memory_space<vmem>> -> memref<32xf32, #tpu.memory_space<vmem>>
    %dma_start3A_56 = tpu.memref_slice %arg13[%dma_start3A_51, %mul3A_10] : memref<16x512xf32, #tpu.memory_space<vmem_shared>> -> memref<1x32xf32, #tpu.memory_space<vmem_shared>>
    %dma_start3A_57 = tpu.memref_squeeze %dma_start3A_56 : memref<1x32xf32, #tpu.memory_space<vmem_shared>> -> memref<32xf32, #tpu.memory_space<vmem_shared>>
    %dma_start3A_58 = arith.constant 0 : i32
    %dma_start3A_59 = tpu.memref_slice %arg10[%dma_start3A_52, %dma_start3A_58] : memref<16x32xf32, #tpu.memory_space<vmem>> -> memref<1x32xf32, #tpu.memory_space<vmem>>
    %dma_start3A_60 = tpu.memref_squeeze %dma_start3A_59 : memref<1x32xf32, #tpu.memory_space<vmem>> -> memref<32xf32, #tpu.memory_space<vmem>>
    %dma_start3A_61 = tpu.memref_slice %arg13[%dma_start3A_51, %mul3A_10] : memref<16x512xf32, #tpu.memory_space<vmem_shared>> -> memref<1x32xf32, #tpu.memory_space<vmem_shared>>
    %dma_start3A_62 = tpu.memref_squeeze %dma_start3A_61 : memref<1x32xf32, #tpu.memory_space<vmem_shared>> -> memref<32xf32, #tpu.memory_space<vmem_shared>>
    tpu.enqueue_dma source(%dma_start3A_62 : memref<32xf32, #tpu.memory_space<vmem_shared>>) target(%dma_start3A_60 : memref<32xf32, #tpu.memory_space<vmem>>) target_semaphore(%arg14 : memref<!tpu.dma_semaphore, #tpu.memory_space<semaphore_mem>>)
    %dma_start3A_63 = arith.constant 1 : i32
    %dma_start3A_64 = arith.constant 1 : i32
    %dma_start3A_65 = arith.constant 0 : i32
    %dma_start3A_66 = tpu.memref_slice %arg10[%dma_start3A_64, %dma_start3A_65] : memref<16x32xf32, #tpu.memory_space<vmem>> -> memref<1x32xf32, #tpu.memory_space<vmem>>
    %dma_start3A_67 = tpu.memref_squeeze %dma_start3A_66 : memref<1x32xf32, #tpu.memory_space<vmem>> -> memref<32xf32, #tpu.memory_space<vmem>>
    %dma_start3A_68 = tpu.memref_slice %arg13[%dma_start3A_63, %mul3A_10] : memref<16x512xf32, #tpu.memory_space<vmem_shared>> -> memref<1x32xf32, #tpu.memory_space<vmem_shared>>
    %dma_start3A_69 = tpu.memref_squeeze %dma_start3A_68 : memref<1x32xf32, #tpu.memory_space<vmem_shared>> -> memref<32xf32, #tpu.memory_space<vmem_shared>>
    %dma_start3A_70 = arith.constant 0 : i32
    %dma_start3A_71 = tpu.memref_slice %arg10[%dma_start3A_64, %dma_start3A_70] : memref<16x32xf32, #tpu.memory_space<vmem>> -> memref<1x32xf32, #tpu.memory_space<vmem>>
    %dma_start3A_72 = tpu.memref_squeeze %dma_start3A_71 : memref<1x32xf32, #tpu.memory_space<vmem>> -> memref<32xf32, #tpu.memory_space<vmem>>
    %dma_start3A_73 = tpu.memref_slice %arg13[%dma_start3A_63, %mul3A_10] : memref<16x512xf32, #tpu.memory_space<vmem_shared>> -> memref<1x32xf32, #tpu.memory_space<vmem_shared>>
    %dma_start3A_74 = tpu.memref_squeeze %dma_start3A_73 : memref<1x32xf32, #tpu.memory_space<vmem_shared>> -> memref<32xf32, #tpu.memory_space<vmem_shared>>
    tpu.enqueue_dma source(%dma_start3A_74 : memref<32xf32, #tpu.memory_space<vmem_shared>>) target(%dma_start3A_72 : memref<32xf32, #tpu.memory_space<vmem>>) target_semaphore(%arg14 : memref<!tpu.dma_semaphore, #tpu.memory_space<semaphore_mem>>)
    %dma_start3A_75 = arith.constant 2 : i32
    %dma_start3A_76 = arith.constant 2 : i32
    %dma_start3A_77 = arith.constant 0 : i32
    %dma_start3A_78 = tpu.memref_slice %arg10[%dma_start3A_76, %dma_start3A_77] : memref<16x32xf32, #tpu.memory_space<vmem>> -> memref<1x32xf32, #tpu.memory_space<vmem>>
    %dma_start3A_79 = tpu.memref_squeeze %dma_start3A_78 : memref<1x32xf32, #tpu.memory_space<vmem>> -> memref<32xf32, #tpu.memory_space<vmem>>
    %dma_start3A_80 = tpu.memref_slice %arg13[%dma_start3A_75, %mul3A_10] : memref<16x512xf32, #tpu.memory_space<vmem_shared>> -> memref<1x32xf32, #tpu.memory_space<vmem_shared>>
    %dma_start3A_81 = tpu.memref_squeeze %dma_start3A_80 : memref<1x32xf32, #tpu.memory_space<vmem_shared>> -> memref<32xf32, #tpu.memory_space<vmem_shared>>
    %dma_start3A_82 = arith.constant 0 : i32
    %dma_start3A_83 = tpu.memref_slice %arg10[%dma_start3A_76, %dma_start3A_82] : memref<16x32xf32, #tpu.memory_space<vmem>> -> memref<1x32xf32, #tpu.memory_space<vmem>>
    %dma_start3A_84 = tpu.memref_squeeze %dma_start3A_83 : memref<1x32xf32, #tpu.memory_space<vmem>> -> memref<32xf32, #tpu.memory_space<vmem>>
    %dma_start3A_85 = tpu.memref_slice %arg13[%dma_start3A_75, %mul3A_10] : memref<16x512xf32, #tpu.memory_space<vmem_shared>> -> memref<1x32xf32, #tpu.memory_space<vmem_shared>>
    %dma_start3A_86 = tpu.memref_squeeze %dma_start3A_85 : memref<1x32xf32, #tpu.memory_space<vmem_shared>> -> memref<32xf32, #tpu.memory_space<vmem_shared>>
    tpu.enqueue_dma source(%dma_start3A_86 : memref<32xf32, #tpu.memory_space<vmem_shared>>) target(%dma_start3A_84 : memref<32xf32, #tpu.memory_space<vmem>>) target_semaphore(%arg14 : memref<!tpu.dma_semaphore, #tpu.memory_space<semaphore_mem>>)
    %dma_start3A_87 = arith.constant 3 : i32
    %dma_start3A_88 = arith.constant 3 : i32
    %dma_start3A_89 = arith.constant 0 : i32
    %dma_start3A_90 = tpu.memref_slice %arg10[%dma_start3A_88, %dma_start3A_89] : memref<16x32xf32, #tpu.memory_space<vmem>> -> memref<1x32xf32, #tpu.memory_space<vmem>>
    %dma_start3A_91 = tpu.memref_squeeze %dma_start3A_90 : memref<1x32xf32, #tpu.memory_space<vmem>> -> memref<32xf32, #tpu.memory_space<vmem>>
    %dma_start3A_92 = tpu.memref_slice %arg13[%dma_start3A_87, %mul3A_10] : memref<16x512xf32, #tpu.memory_space<vmem_shared>> -> memref<1x32xf32, #tpu.memory_space<vmem_shared>>
    %dma_start3A_93 = tpu.memref_squeeze %dma_start3A_92 : memref<1x32xf32, #tpu.memory_space<vmem_shared>> -> memref<32xf32, #tpu.memory_space<vmem_shared>>
    %dma_start3A_94 = arith.constant 0 : i32
    %dma_start3A_95 = tpu.memref_slice %arg10[%dma_start3A_88, %dma_start3A_94] : memref<16x32xf32, #tpu.memory_space<vmem>> -> memref<1x32xf32, #tpu.memory_space<vmem>>
    %dma_start3A_96 = tpu.memref_squeeze %dma_start3A_95 : memref<1x32xf32, #tpu.memory_space<vmem>> -> memref<32xf32, #tpu.memory_space<vmem>>
    %dma_start3A_97 = tpu.memref_slice %arg13[%dma_start3A_87, %mul3A_10] : memref<16x512xf32, #tpu.memory_space<vmem_shared>> -> memref<1x32xf32, #tpu.memory_space<vmem_shared>>
    %dma_start3A_98 = tpu.memref_squeeze %dma_start3A_97 : memref<1x32xf32, #tpu.memory_space<vmem_shared>> -> memref<32xf32, #tpu.memory_space<vmem_shared>>
    tpu.enqueue_dma source(%dma_start3A_98 : memref<32xf32, #tpu.memory_space<vmem_shared>>) target(%dma_start3A_96 : memref<32xf32, #tpu.memory_space<vmem>>) target_semaphore(%arg14 : memref<!tpu.dma_semaphore, #tpu.memory_space<semaphore_mem>>)
    %dma_start3A_99 = arith.constant 4 : i32
    %dma_start3A_100 = arith.constant 4 : i32
    %dma_start3A_101 = arith.constant 0 : i32
    %dma_start3A_102 = tpu.memref_slice %arg10[%dma_start3A_100, %dma_start3A_101] : memref<16x32xf32, #tpu.memory_space<vmem>> -> memref<1x32xf32, #tpu.memory_space<vmem>>
    %dma_start3A_103 = tpu.memref_squeeze %dma_start3A_102 : memref<1x32xf32, #tpu.memory_space<vmem>> -> memref<32xf32, #tpu.memory_space<vmem>>
    %dma_start3A_104 = tpu.memref_slice %arg13[%dma_start3A_99, %mul3A_10] : memref<16x512xf32, #tpu.memory_space<vmem_shared>> -> memref<1x32xf32, #tpu.memory_space<vmem_shared>>
    %dma_start3A_105 = tpu.memref_squeeze %dma_start3A_104 : memref<1x32xf32, #tpu.memory_space<vmem_shared>> -> memref<32xf32, #tpu.memory_space<vmem_shared>>
    %dma_start3A_106 = arith.constant 0 : i32
    %dma_start3A_107 = tpu.memref_slice %arg10[%dma_start3A_100, %dma_start3A_106] : memref<16x32xf32, #tpu.memory_space<vmem>> -> memref<1x32xf32, #tpu.memory_space<vmem>>
    %dma_start3A_108 = tpu.memref_squeeze %dma_start3A_107 : memref<1x32xf32, #tpu.memory_space<vmem>> -> memref<32xf32, #tpu.memory_space<vmem>>
    %dma_start3A_109 = tpu.memref_slice %arg13[%dma_start3A_99, %mul3A_10] : memref<16x512xf32, #tpu.memory_space<vmem_shared>> -> memref<1x32xf32, #tpu.memory_space<vmem_shared>>
    %dma_start3A_110 = tpu.memref_squeeze %dma_start3A_109 : memref<1x32xf32, #tpu.memory_space<vmem_shared>> -> memref<32xf32, #tpu.memory_space<vmem_shared>>
    tpu.enqueue_dma source(%dma_start3A_110 : memref<32xf32, #tpu.memory_space<vmem_shared>>) target(%dma_start3A_108 : memref<32xf32, #tpu.memory_space<vmem>>) target_semaphore(%arg14 : memref<!tpu.dma_semaphore, #tpu.memory_space<semaphore_mem>>)
    %dma_start3A_111 = arith.constant 5 : i32
    %dma_start3A_112 = arith.constant 5 : i32
    %dma_start3A_113 = arith.constant 0 : i32
    %dma_start3A_114 = tpu.memref_slice %arg10[%dma_start3A_112, %dma_start3A_113] : memref<16x32xf32, #tpu.memory_space<vmem>> -> memref<1x32xf32, #tpu.memory_space<vmem>>
    %dma_start3A_115 = tpu.memref_squeeze %dma_start3A_114 : memref<1x32xf32, #tpu.memory_space<vmem>> -> memref<32xf32, #tpu.memory_space<vmem>>
    %dma_start3A_116 = tpu.memref_slice %arg13[%dma_start3A_111, %mul3A_10] : memref<16x512xf32, #tpu.memory_space<vmem_shared>> -> memref<1x32xf32, #tpu.memory_space<vmem_shared>>
    %dma_start3A_117 = tpu.memref_squeeze %dma_start3A_116 : memref<1x32xf32, #tpu.memory_space<vmem_shared>> -> memref<32xf32, #tpu.memory_space<vmem_shared>>
    %dma_start3A_118 = arith.constant 0 : i32
    %dma_start3A_119 = tpu.memref_slice %arg10[%dma_start3A_112, %dma_start3A_118] : memref<16x32xf32, #tpu.memory_space<vmem>> -> memref<1x32xf32, #tpu.memory_space<vmem>>
    %dma_start3A_120 = tpu.memref_squeeze %dma_start3A_119 : memref<1x32xf32, #tpu.memory_space<vmem>> -> memref<32xf32, #tpu.memory_space<vmem>>
    %dma_start3A_121 = tpu.memref_slice %arg13[%dma_start3A_111, %mul3A_10] : memref<16x512xf32, #tpu.memory_space<vmem_shared>> -> memref<1x32xf32, #tpu.memory_space<vmem_shared>>
    %dma_start3A_122 = tpu.memref_squeeze %dma_start3A_121 : memref<1x32xf32, #tpu.memory_space<vmem_shared>> -> memref<32xf32, #tpu.memory_space<vmem_shared>>
    tpu.enqueue_dma source(%dma_start3A_122 : memref<32xf32, #tpu.memory_space<vmem_shared>>) target(%dma_start3A_120 : memref<32xf32, #tpu.memory_space<vmem>>) target_semaphore(%arg14 : memref<!tpu.dma_semaphore, #tpu.memory_space<semaphore_mem>>)
    %dma_start3A_123 = arith.constant 6 : i32
    %dma_start3A_124 = arith.constant 6 : i32
    %dma_start3A_125 = arith.constant 0 : i32
    %dma_start3A_126 = tpu.memref_slice %arg10[%dma_start3A_124, %dma_start3A_125] : memref<16x32xf32, #tpu.memory_space<vmem>> -> memref<1x32xf32, #tpu.memory_space<vmem>>
    %dma_start3A_127 = tpu.memref_squeeze %dma_start3A_126 : memref<1x32xf32, #tpu.memory_space<vmem>> -> memref<32xf32, #tpu.memory_space<vmem>>
    %dma_start3A_128 = tpu.memref_slice %arg13[%dma_start3A_123, %mul3A_10] : memref<16x512xf32, #tpu.memory_space<vmem_shared>> -> memref<1x32xf32, #tpu.memory_space<vmem_shared>>
    %dma_start3A_129 = tpu.memref_squeeze %dma_start3A_128 : memref<1x32xf32, #tpu.memory_space<vmem_shared>> -> memref<32xf32, #tpu.memory_space<vmem_shared>>
    %dma_start3A_130 = arith.constant 0 : i32
    %dma_start3A_131 = tpu.memref_slice %arg10[%dma_start3A_124, %dma_start3A_130] : memref<16x32xf32, #tpu.memory_space<vmem>> -> memref<1x32xf32, #tpu.memory_space<vmem>>
    %dma_start3A_132 = tpu.memref_squeeze %dma_start3A_131 : memref<1x32xf32, #tpu.memory_space<vmem>> -> memref<32xf32, #tpu.memory_space<vmem>>
    %dma_start3A_133 = tpu.memref_slice %arg13[%dma_start3A_123, %mul3A_10] : memref<16x512xf32, #tpu.memory_space<vmem_shared>> -> memref<1x32xf32, #tpu.memory_space<vmem_shared>>
    %dma_start3A_134 = tpu.memref_squeeze %dma_start3A_133 : memref<1x32xf32, #tpu.memory_space<vmem_shared>> -> memref<32xf32, #tpu.memory_space<vmem_shared>>
    tpu.enqueue_dma source(%dma_start3A_134 : memref<32xf32, #tpu.memory_space<vmem_shared>>) target(%dma_start3A_132 : memref<32xf32, #tpu.memory_space<vmem>>) target_semaphore(%arg14 : memref<!tpu.dma_semaphore, #tpu.memory_space<semaphore_mem>>)
    %dma_start3A_135 = arith.constant 7 : i32
    %dma_start3A_136 = arith.constant 7 : i32
    %dma_start3A_137 = arith.constant 0 : i32
    %dma_start3A_138 = tpu.memref_slice %arg10[%dma_start3A_136, %dma_start3A_137] : memref<16x32xf32, #tpu.memory_space<vmem>> -> memref<1x32xf32, #tpu.memory_space<vmem>>
    %dma_start3A_139 = tpu.memref_squeeze %dma_start3A_138 : memref<1x32xf32, #tpu.memory_space<vmem>> -> memref<32xf32, #tpu.memory_space<vmem>>
    %dma_start3A_140 = tpu.memref_slice %arg13[%dma_start3A_135, %mul3A_10] : memref<16x512xf32, #tpu.memory_space<vmem_shared>> -> memref<1x32xf32, #tpu.memory_space<vmem_shared>>
    %dma_start3A_141 = tpu.memref_squeeze %dma_start3A_140 : memref<1x32xf32, #tpu.memory_space<vmem_shared>> -> memref<32xf32, #tpu.memory_space<vmem_shared>>
    %dma_start3A_142 = arith.constant 0 : i32
    %dma_start3A_143 = tpu.memref_slice %arg10[%dma_start3A_136, %dma_start3A_142] : memref<16x32xf32, #tpu.memory_space<vmem>> -> memref<1x32xf32, #tpu.memory_space<vmem>>
    %dma_start3A_144 = tpu.memref_squeeze %dma_start3A_143 : memref<1x32xf32, #tpu.memory_space<vmem>> -> memref<32xf32, #tpu.memory_space<vmem>>
    %dma_start3A_145 = tpu.memref_slice %arg13[%dma_start3A_135, %mul3A_10] : memref<16x512xf32, #tpu.memory_space<vmem_shared>> -> memref<1x32xf32, #tpu.memory_space<vmem_shared>>
    %dma_start3A_146 = tpu.memref_squeeze %dma_start3A_145 : memref<1x32xf32, #tpu.memory_space<vmem_shared>> -> memref<32xf32, #tpu.memory_space<vmem_shared>>
    tpu.enqueue_dma source(%dma_start3A_146 : memref<32xf32, #tpu.memory_space<vmem_shared>>) target(%dma_start3A_144 : memref<32xf32, #tpu.memory_space<vmem>>) target_semaphore(%arg14 : memref<!tpu.dma_semaphore, #tpu.memory_space<semaphore_mem>>)
    %dma_start3A_147 = arith.constant 8 : i32
    %dma_start3A_148 = arith.constant 8 : i32
    %dma_start3A_149 = arith.constant 0 : i32
    %dma_start3A_150 = tpu.memref_slice %arg10[%dma_start3A_148, %dma_start3A_149] : memref<16x32xf32, #tpu.memory_space<vmem>> -> memref<1x32xf32, #tpu.memory_space<vmem>>
    %dma_start3A_151 = tpu.memref_squeeze %dma_start3A_150 : memref<1x32xf32, #tpu.memory_space<vmem>> -> memref<32xf32, #tpu.memory_space<vmem>>
    %dma_start3A_152 = tpu.memref_slice %arg13[%dma_start3A_147, %mul3A_10] : memref<16x512xf32, #tpu.memory_space<vmem_shared>> -> memref<1x32xf32, #tpu.memory_space<vmem_shared>>
    %dma_start3A_153 = tpu.memref_squeeze %dma_start3A_152 : memref<1x32xf32, #tpu.memory_space<vmem_shared>> -> memref<32xf32, #tpu.memory_space<vmem_shared>>
    %dma_start3A_154 = arith.constant 0 : i32
    %dma_start3A_155 = tpu.memref_slice %arg10[%dma_start3A_148, %dma_start3A_154] : memref<16x32xf32, #tpu.memory_space<vmem>> -> memref<1x32xf32, #tpu.memory_space<vmem>>
    %dma_start3A_156 = tpu.memref_squeeze %dma_start3A_155 : memref<1x32xf32, #tpu.memory_space<vmem>> -> memref<32xf32, #tpu.memory_space<vmem>>
    %dma_start3A_157 = tpu.memref_slice %arg13[%dma_start3A_147, %mul3A_10] : memref<16x512xf32, #tpu.memory_space<vmem_shared>> -> memref<1x32xf32, #tpu.memory_space<vmem_shared>>
    %dma_start3A_158 = tpu.memref_squeeze %dma_start3A_157 : memref<1x32xf32, #tpu.memory_space<vmem_shared>> -> memref<32xf32, #tpu.memory_space<vmem_shared>>
    tpu.enqueue_dma source(%dma_start3A_158 : memref<32xf32, #tpu.memory_space<vmem_shared>>) target(%dma_start3A_156 : memref<32xf32, #tpu.memory_space<vmem>>) target_semaphore(%arg14 : memref<!tpu.dma_semaphore, #tpu.memory_space<semaphore_mem>>)
    %dma_start3A_159 = arith.constant 9 : i32
    %dma_start3A_160 = arith.constant 9 : i32
    %dma_start3A_161 = arith.constant 0 : i32
    %dma_start3A_162 = tpu.memref_slice %arg10[%dma_start3A_160, %dma_start3A_161] : memref<16x32xf32, #tpu.memory_space<vmem>> -> memref<1x32xf32, #tpu.memory_space<vmem>>
    %dma_start3A_163 = tpu.memref_squeeze %dma_start3A_162 : memref<1x32xf32, #tpu.memory_space<vmem>> -> memref<32xf32, #tpu.memory_space<vmem>>
    %dma_start3A_164 = tpu.memref_slice %arg13[%dma_start3A_159, %mul3A_10] : memref<16x512xf32, #tpu.memory_space<vmem_shared>> -> memref<1x32xf32, #tpu.memory_space<vmem_shared>>
    %dma_start3A_165 = tpu.memref_squeeze %dma_start3A_164 : memref<1x32xf32, #tpu.memory_space<vmem_shared>> -> memref<32xf32, #tpu.memory_space<vmem_shared>>
    %dma_start3A_166 = arith.constant 0 : i32
    %dma_start3A_167 = tpu.memref_slice %arg10[%dma_start3A_160, %dma_start3A_166] : memref<16x32xf32, #tpu.memory_space<vmem>> -> memref<1x32xf32, #tpu.memory_space<vmem>>
    %dma_start3A_168 = tpu.memref_squeeze %dma_start3A_167 : memref<1x32xf32, #tpu.memory_space<vmem>> -> memref<32xf32, #tpu.memory_space<vmem>>
    %dma_start3A_169 = tpu.memref_slice %arg13[%dma_start3A_159, %mul3A_10] : memref<16x512xf32, #tpu.memory_space<vmem_shared>> -> memref<1x32xf32, #tpu.memory_space<vmem_shared>>
    %dma_start3A_170 = tpu.memref_squeeze %dma_start3A_169 : memref<1x32xf32, #tpu.memory_space<vmem_shared>> -> memref<32xf32, #tpu.memory_space<vmem_shared>>
    tpu.enqueue_dma source(%dma_start3A_170 : memref<32xf32, #tpu.memory_space<vmem_shared>>) target(%dma_start3A_168 : memref<32xf32, #tpu.memory_space<vmem>>) target_semaphore(%arg14 : memref<!tpu.dma_semaphore, #tpu.memory_space<semaphore_mem>>)
    %dma_start3A_171 = arith.constant 10 : i32
    %dma_start3A_172 = arith.constant 10 : i32
    %dma_start3A_173 = arith.constant 0 : i32
    %dma_start3A_174 = tpu.memref_slice %arg10[%dma_start3A_172, %dma_start3A_173] : memref<16x32xf32, #tpu.memory_space<vmem>> -> memref<1x32xf32, #tpu.memory_space<vmem>>
    %dma_start3A_175 = tpu.memref_squeeze %dma_start3A_174 : memref<1x32xf32, #tpu.memory_space<vmem>> -> memref<32xf32, #tpu.memory_space<vmem>>
    %dma_start3A_176 = tpu.memref_slice %arg13[%dma_start3A_171, %mul3A_10] : memref<16x512xf32, #tpu.memory_space<vmem_shared>> -> memref<1x32xf32, #tpu.memory_space<vmem_shared>>
    %dma_start3A_177 = tpu.memref_squeeze %dma_start3A_176 : memref<1x32xf32, #tpu.memory_space<vmem_shared>> -> memref<32xf32, #tpu.memory_space<vmem_shared>>
    %dma_start3A_178 = arith.constant 0 : i32
    %dma_start3A_179 = tpu.memref_slice %arg10[%dma_start3A_172, %dma_start3A_178] : memref<16x32xf32, #tpu.memory_space<vmem>> -> memref<1x32xf32, #tpu.memory_space<vmem>>
    %dma_start3A_180 = tpu.memref_squeeze %dma_start3A_179 : memref<1x32xf32, #tpu.memory_space<vmem>> -> memref<32xf32, #tpu.memory_space<vmem>>
    %dma_start3A_181 = tpu.memref_slice %arg13[%dma_start3A_171, %mul3A_10] : memref<16x512xf32, #tpu.memory_space<vmem_shared>> -> memref<1x32xf32, #tpu.memory_space<vmem_shared>>
    %dma_start3A_182 = tpu.memref_squeeze %dma_start3A_181 : memref<1x32xf32, #tpu.memory_space<vmem_shared>> -> memref<32xf32, #tpu.memory_space<vmem_shared>>
    tpu.enqueue_dma source(%dma_start3A_182 : memref<32xf32, #tpu.memory_space<vmem_shared>>) target(%dma_start3A_180 : memref<32xf32, #tpu.memory_space<vmem>>) target_semaphore(%arg14 : memref<!tpu.dma_semaphore, #tpu.memory_space<semaphore_mem>>)
    %dma_start3A_183 = arith.constant 11 : i32
    %dma_start3A_184 = arith.constant 11 : i32
    %dma_start3A_185 = arith.constant 0 : i32
    %dma_start3A_186 = tpu.memref_slice %arg10[%dma_start3A_184, %dma_start3A_185] : memref<16x32xf32, #tpu.memory_space<vmem>> -> memref<1x32xf32, #tpu.memory_space<vmem>>
    %dma_start3A_187 = tpu.memref_squeeze %dma_start3A_186 : memref<1x32xf32, #tpu.memory_space<vmem>> -> memref<32xf32, #tpu.memory_space<vmem>>
    %dma_start3A_188 = tpu.memref_slice %arg13[%dma_start3A_183, %mul3A_10] : memref<16x512xf32, #tpu.memory_space<vmem_shared>> -> memref<1x32xf32, #tpu.memory_space<vmem_shared>>
    %dma_start3A_189 = tpu.memref_squeeze %dma_start3A_188 : memref<1x32xf32, #tpu.memory_space<vmem_shared>> -> memref<32xf32, #tpu.memory_space<vmem_shared>>
    %dma_start3A_190 = arith.constant 0 : i32
    %dma_start3A_191 = tpu.memref_slice %arg10[%dma_start3A_184, %dma_start3A_190] : memref<16x32xf32, #tpu.memory_space<vmem>> -> memref<1x32xf32, #tpu.memory_space<vmem>>
    %dma_start3A_192 = tpu.memref_squeeze %dma_start3A_191 : memref<1x32xf32, #tpu.memory_space<vmem>> -> memref<32xf32, #tpu.memory_space<vmem>>
    %dma_start3A_193 = tpu.memref_slice %arg13[%dma_start3A_183, %mul3A_10] : memref<16x512xf32, #tpu.memory_space<vmem_shared>> -> memref<1x32xf32, #tpu.memory_space<vmem_shared>>
    %dma_start3A_194 = tpu.memref_squeeze %dma_start3A_193 : memref<1x32xf32, #tpu.memory_space<vmem_shared>> -> memref<32xf32, #tpu.memory_space<vmem_shared>>
    tpu.enqueue_dma source(%dma_start3A_194 : memref<32xf32, #tpu.memory_space<vmem_shared>>) target(%dma_start3A_192 : memref<32xf32, #tpu.memory_space<vmem>>) target_semaphore(%arg14 : memref<!tpu.dma_semaphore, #tpu.memory_space<semaphore_mem>>)
    %dma_start3A_195 = arith.constant 12 : i32
    %dma_start3A_196 = arith.constant 12 : i32
    %dma_start3A_197 = arith.constant 0 : i32
    %dma_start3A_198 = tpu.memref_slice %arg10[%dma_start3A_196, %dma_start3A_197] : memref<16x32xf32, #tpu.memory_space<vmem>> -> memref<1x32xf32, #tpu.memory_space<vmem>>
    %dma_start3A_199 = tpu.memref_squeeze %dma_start3A_198 : memref<1x32xf32, #tpu.memory_space<vmem>> -> memref<32xf32, #tpu.memory_space<vmem>>
    %dma_start3A_200 = tpu.memref_slice %arg13[%dma_start3A_195, %mul3A_10] : memref<16x512xf32, #tpu.memory_space<vmem_shared>> -> memref<1x32xf32, #tpu.memory_space<vmem_shared>>
    %dma_start3A_201 = tpu.memref_squeeze %dma_start3A_200 : memref<1x32xf32, #tpu.memory_space<vmem_shared>> -> memref<32xf32, #tpu.memory_space<vmem_shared>>
    %dma_start3A_202 = arith.constant 0 : i32
    %dma_start3A_203 = tpu.memref_slice %arg10[%dma_start3A_196, %dma_start3A_202] : memref<16x32xf32, #tpu.memory_space<vmem>> -> memref<1x32xf32, #tpu.memory_space<vmem>>
    %dma_start3A_204 = tpu.memref_squeeze %dma_start3A_203 : memref<1x32xf32, #tpu.memory_space<vmem>> -> memref<32xf32, #tpu.memory_space<vmem>>
    %dma_start3A_205 = tpu.memref_slice %arg13[%dma_start3A_195, %mul3A_10] : memref<16x512xf32, #tpu.memory_space<vmem_shared>> -> memref<1x32xf32, #tpu.memory_space<vmem_shared>>
    %dma_start3A_206 = tpu.memref_squeeze %dma_start3A_205 : memref<1x32xf32, #tpu.memory_space<vmem_shared>> -> memref<32xf32, #tpu.memory_space<vmem_shared>>
    tpu.enqueue_dma source(%dma_start3A_206 : memref<32xf32, #tpu.memory_space<vmem_shared>>) target(%dma_start3A_204 : memref<32xf32, #tpu.memory_space<vmem>>) target_semaphore(%arg14 : memref<!tpu.dma_semaphore, #tpu.memory_space<semaphore_mem>>)
    %dma_start3A_207 = arith.constant 13 : i32
    %dma_start3A_208 = arith.constant 13 : i32
    %dma_start3A_209 = arith.constant 0 : i32
    %dma_start3A_210 = tpu.memref_slice %arg10[%dma_start3A_208, %dma_start3A_209] : memref<16x32xf32, #tpu.memory_space<vmem>> -> memref<1x32xf32, #tpu.memory_space<vmem>>
    %dma_start3A_211 = tpu.memref_squeeze %dma_start3A_210 : memref<1x32xf32, #tpu.memory_space<vmem>> -> memref<32xf32, #tpu.memory_space<vmem>>
    %dma_start3A_212 = tpu.memref_slice %arg13[%dma_start3A_207, %mul3A_10] : memref<16x512xf32, #tpu.memory_space<vmem_shared>> -> memref<1x32xf32, #tpu.memory_space<vmem_shared>>
    %dma_start3A_213 = tpu.memref_squeeze %dma_start3A_212 : memref<1x32xf32, #tpu.memory_space<vmem_shared>> -> memref<32xf32, #tpu.memory_space<vmem_shared>>
    %dma_start3A_214 = arith.constant 0 : i32
    %dma_start3A_215 = tpu.memref_slice %arg10[%dma_start3A_208, %dma_start3A_214] : memref<16x32xf32, #tpu.memory_space<vmem>> -> memref<1x32xf32, #tpu.memory_space<vmem>>
    %dma_start3A_216 = tpu.memref_squeeze %dma_start3A_215 : memref<1x32xf32, #tpu.memory_space<vmem>> -> memref<32xf32, #tpu.memory_space<vmem>>
    %dma_start3A_217 = tpu.memref_slice %arg13[%dma_start3A_207, %mul3A_10] : memref<16x512xf32, #tpu.memory_space<vmem_shared>> -> memref<1x32xf32, #tpu.memory_space<vmem_shared>>
    %dma_start3A_218 = tpu.memref_squeeze %dma_start3A_217 : memref<1x32xf32, #tpu.memory_space<vmem_shared>> -> memref<32xf32, #tpu.memory_space<vmem_shared>>
    tpu.enqueue_dma source(%dma_start3A_218 : memref<32xf32, #tpu.memory_space<vmem_shared>>) target(%dma_start3A_216 : memref<32xf32, #tpu.memory_space<vmem>>) target_semaphore(%arg14 : memref<!tpu.dma_semaphore, #tpu.memory_space<semaphore_mem>>)
    %dma_start3A_219 = arith.constant 14 : i32
    %dma_start3A_220 = arith.constant 14 : i32
    %dma_start3A_221 = arith.constant 0 : i32
    %dma_start3A_222 = tpu.memref_slice %arg10[%dma_start3A_220, %dma_start3A_221] : memref<16x32xf32, #tpu.memory_space<vmem>> -> memref<1x32xf32, #tpu.memory_space<vmem>>
    %dma_start3A_223 = tpu.memref_squeeze %dma_start3A_222 : memref<1x32xf32, #tpu.memory_space<vmem>> -> memref<32xf32, #tpu.memory_space<vmem>>
    %dma_start3A_224 = tpu.memref_slice %arg13[%dma_start3A_219, %mul3A_10] : memref<16x512xf32, #tpu.memory_space<vmem_shared>> -> memref<1x32xf32, #tpu.memory_space<vmem_shared>>
    %dma_start3A_225 = tpu.memref_squeeze %dma_start3A_224 : memref<1x32xf32, #tpu.memory_space<vmem_shared>> -> memref<32xf32, #tpu.memory_space<vmem_shared>>
    %dma_start3A_226 = arith.constant 0 : i32
    %dma_start3A_227 = tpu.memref_slice %arg10[%dma_start3A_220, %dma_start3A_226] : memref<16x32xf32, #tpu.memory_space<vmem>> -> memref<1x32xf32, #tpu.memory_space<vmem>>
    %dma_start3A_228 = tpu.memref_squeeze %dma_start3A_227 : memref<1x32xf32, #tpu.memory_space<vmem>> -> memref<32xf32, #tpu.memory_space<vmem>>
    %dma_start3A_229 = tpu.memref_slice %arg13[%dma_start3A_219, %mul3A_10] : memref<16x512xf32, #tpu.memory_space<vmem_shared>> -> memref<1x32xf32, #tpu.memory_space<vmem_shared>>
    %dma_start3A_230 = tpu.memref_squeeze %dma_start3A_229 : memref<1x32xf32, #tpu.memory_space<vmem_shared>> -> memref<32xf32, #tpu.memory_space<vmem_shared>>
    tpu.enqueue_dma source(%dma_start3A_230 : memref<32xf32, #tpu.memory_space<vmem_shared>>) target(%dma_start3A_228 : memref<32xf32, #tpu.memory_space<vmem>>) target_semaphore(%arg14 : memref<!tpu.dma_semaphore, #tpu.memory_space<semaphore_mem>>)
    %dma_start3A_231 = arith.constant 15 : i32
    %dma_start3A_232 = arith.constant 15 : i32
    %dma_start3A_233 = arith.constant 0 : i32
    %dma_start3A_234 = tpu.memref_slice %arg10[%dma_start3A_232, %dma_start3A_233] : memref<16x32xf32, #tpu.memory_space<vmem>> -> memref<1x32xf32, #tpu.memory_space<vmem>>
    %dma_start3A_235 = tpu.memref_squeeze %dma_start3A_234 : memref<1x32xf32, #tpu.memory_space<vmem>> -> memref<32xf32, #tpu.memory_space<vmem>>
    %dma_start3A_236 = tpu.memref_slice %arg13[%dma_start3A_231, %mul3A_10] : memref<16x512xf32, #tpu.memory_space<vmem_shared>> -> memref<1x32xf32, #tpu.memory_space<vmem_shared>>
    %dma_start3A_237 = tpu.memref_squeeze %dma_start3A_236 : memref<1x32xf32, #tpu.memory_space<vmem_shared>> -> memref<32xf32, #tpu.memory_space<vmem_shared>>
    %dma_start3A_238 = arith.constant 0 : i32
    %dma_start3A_239 = tpu.memref_slice %arg10[%dma_start3A_232, %dma_start3A_238] : memref<16x32xf32, #tpu.memory_space<vmem>> -> memref<1x32xf32, #tpu.memory_space<vmem>>
    %dma_start3A_240 = tpu.memref_squeeze %dma_start3A_239 : memref<1x32xf32, #tpu.memory_space<vmem>> -> memref<32xf32, #tpu.memory_space<vmem>>
    %dma_start3A_241 = tpu.memref_slice %arg13[%dma_start3A_231, %mul3A_10] : memref<16x512xf32, #tpu.memory_space<vmem_shared>> -> memref<1x32xf32, #tpu.memory_space<vmem_shared>>
    %dma_start3A_242 = tpu.memref_squeeze %dma_start3A_241 : memref<1x32xf32, #tpu.memory_space<vmem_shared>> -> memref<32xf32, #tpu.memory_space<vmem_shared>>
    tpu.enqueue_dma source(%dma_start3A_242 : memref<32xf32, #tpu.memory_space<vmem_shared>>) target(%dma_start3A_240 : memref<32xf32, #tpu.memory_space<vmem>>) target_semaphore(%arg14 : memref<!tpu.dma_semaphore, #tpu.memory_space<semaphore_mem>>)
    %dma_wait3A_243 = arith.constant 0 : i32
    %dma_wait3A_244 = arith.constant 0 : i32
    %dma_wait3A_245 = arith.constant 0 : i32
    %dma_wait3A_246 = tpu.memref_slice %arg10[%dma_wait3A_244, %dma_wait3A_245] : memref<16x32xf32, #tpu.memory_space<vmem>> -> memref<1x32xf32, #tpu.memory_space<vmem>>
    %dma_wait3A_247 = tpu.memref_squeeze %dma_wait3A_246 : memref<1x32xf32, #tpu.memory_space<vmem>> -> memref<32xf32, #tpu.memory_space<vmem>>
    %dma_wait3A_248 = tpu.memref_slice %arg13[%dma_wait3A_243, %mul3A_10] : memref<16x512xf32, #tpu.memory_space<vmem_shared>> -> memref<1x32xf32, #tpu.memory_space<vmem_shared>>
    %dma_wait3A_249 = tpu.memref_squeeze %dma_wait3A_248 : memref<1x32xf32, #tpu.memory_space<vmem_shared>> -> memref<32xf32, #tpu.memory_space<vmem_shared>>
    %dma_wait3A_250 = arith.constant 0 : i32
    %dma_wait3A_251 = tpu.memref_slice %arg10[%dma_wait3A_244, %dma_wait3A_250] : memref<16x32xf32, #tpu.memory_space<vmem>> -> memref<1x32xf32, #tpu.memory_space<vmem>>
    %dma_wait3A_252 = tpu.memref_squeeze %dma_wait3A_251 : memref<1x32xf32, #tpu.memory_space<vmem>> -> memref<32xf32, #tpu.memory_space<vmem>>
    %dma_wait3A_253 = tpu.memref_slice %arg13[%dma_wait3A_243, %mul3A_10] : memref<16x512xf32, #tpu.memory_space<vmem_shared>> -> memref<1x32xf32, #tpu.memory_space<vmem_shared>>
    %dma_wait3A_254 = tpu.memref_squeeze %dma_wait3A_253 : memref<1x32xf32, #tpu.memory_space<vmem_shared>> -> memref<32xf32, #tpu.memory_space<vmem_shared>>
    tpu.wait_dma2 semaphore(%arg14 : memref<!tpu.dma_semaphore, #tpu.memory_space<semaphore_mem>>) src(%dma_wait3A_254 : memref<32xf32, #tpu.memory_space<vmem_shared>>) dst(%dma_wait3A_252 : memref<32xf32, #tpu.memory_space<vmem>>)
    %dma_wait3A_255 = arith.constant 1 : i32
    %dma_wait3A_256 = arith.constant 1 : i32
    %dma_wait3A_257 = arith.constant 0 : i32
    %dma_wait3A_258 = tpu.memref_slice %arg10[%dma_wait3A_256, %dma_wait3A_257] : memref<16x32xf32, #tpu.memory_space<vmem>> -> memref<1x32xf32, #tpu.memory_space<vmem>>
    %dma_wait3A_259 = tpu.memref_squeeze %dma_wait3A_258 : memref<1x32xf32, #tpu.memory_space<vmem>> -> memref<32xf32, #tpu.memory_space<vmem>>
    %dma_wait3A_260 = tpu.memref_slice %arg13[%dma_wait3A_255, %mul3A_10] : memref<16x512xf32, #tpu.memory_space<vmem_shared>> -> memref<1x32xf32, #tpu.memory_space<vmem_shared>>
    %dma_wait3A_261 = tpu.memref_squeeze %dma_wait3A_260 : memref<1x32xf32, #tpu.memory_space<vmem_shared>> -> memref<32xf32, #tpu.memory_space<vmem_shared>>
    %dma_wait3A_262 = arith.constant 0 : i32
    %dma_wait3A_263 = tpu.memref_slice %arg10[%dma_wait3A_256, %dma_wait3A_262] : memref<16x32xf32, #tpu.memory_space<vmem>> -> memref<1x32xf32, #tpu.memory_space<vmem>>
    %dma_wait3A_264 = tpu.memref_squeeze %dma_wait3A_263 : memref<1x32xf32, #tpu.memory_space<vmem>> -> memref<32xf32, #tpu.memory_space<vmem>>
    %dma_wait3A_265 = tpu.memref_slice %arg13[%dma_wait3A_255, %mul3A_10] : memref<16x512xf32, #tpu.memory_space<vmem_shared>> -> memref<1x32xf32, #tpu.memory_space<vmem_shared>>
    %dma_wait3A_266 = tpu.memref_squeeze %dma_wait3A_265 : memref<1x32xf32, #tpu.memory_space<vmem_shared>> -> memref<32xf32, #tpu.memory_space<vmem_shared>>
    tpu.wait_dma2 semaphore(%arg14 : memref<!tpu.dma_semaphore, #tpu.memory_space<semaphore_mem>>) src(%dma_wait3A_266 : memref<32xf32, #tpu.memory_space<vmem_shared>>) dst(%dma_wait3A_264 : memref<32xf32, #tpu.memory_space<vmem>>)
    %dma_wait3A_267 = arith.constant 2 : i32
    %dma_wait3A_268 = arith.constant 2 : i32
    %dma_wait3A_269 = arith.constant 0 : i32
    %dma_wait3A_270 = tpu.memref_slice %arg10[%dma_wait3A_268, %dma_wait3A_269] : memref<16x32xf32, #tpu.memory_space<vmem>> -> memref<1x32xf32, #tpu.memory_space<vmem>>
    %dma_wait3A_271 = tpu.memref_squeeze %dma_wait3A_270 : memref<1x32xf32, #tpu.memory_space<vmem>> -> memref<32xf32, #tpu.memory_space<vmem>>
    %dma_wait3A_272 = tpu.memref_slice %arg13[%dma_wait3A_267, %mul3A_10] : memref<16x512xf32, #tpu.memory_space<vmem_shared>> -> memref<1x32xf32, #tpu.memory_space<vmem_shared>>
    %dma_wait3A_273 = tpu.memref_squeeze %dma_wait3A_272 : memref<1x32xf32, #tpu.memory_space<vmem_shared>> -> memref<32xf32, #tpu.memory_space<vmem_shared>>
    %dma_wait3A_274 = arith.constant 0 : i32
    %dma_wait3A_275 = tpu.memref_slice %arg10[%dma_wait3A_268, %dma_wait3A_274] : memref<16x32xf32, #tpu.memory_space<vmem>> -> memref<1x32xf32, #tpu.memory_space<vmem>>
    %dma_wait3A_276 = tpu.memref_squeeze %dma_wait3A_275 : memref<1x32xf32, #tpu.memory_space<vmem>> -> memref<32xf32, #tpu.memory_space<vmem>>
    %dma_wait3A_277 = tpu.memref_slice %arg13[%dma_wait3A_267, %mul3A_10] : memref<16x512xf32, #tpu.memory_space<vmem_shared>> -> memref<1x32xf32, #tpu.memory_space<vmem_shared>>
    %dma_wait3A_278 = tpu.memref_squeeze %dma_wait3A_277 : memref<1x32xf32, #tpu.memory_space<vmem_shared>> -> memref<32xf32, #tpu.memory_space<vmem_shared>>
    tpu.wait_dma2 semaphore(%arg14 : memref<!tpu.dma_semaphore, #tpu.memory_space<semaphore_mem>>) src(%dma_wait3A_278 : memref<32xf32, #tpu.memory_space<vmem_shared>>) dst(%dma_wait3A_276 : memref<32xf32, #tpu.memory_space<vmem>>)
    %dma_wait3A_279 = arith.constant 3 : i32
    %dma_wait3A_280 = arith.constant 3 : i32
    %dma_wait3A_281 = arith.constant 0 : i32
    %dma_wait3A_282 = tpu.memref_slice %arg10[%dma_wait3A_280, %dma_wait3A_281] : memref<16x32xf32, #tpu.memory_space<vmem>> -> memref<1x32xf32, #tpu.memory_space<vmem>>
    %dma_wait3A_283 = tpu.memref_squeeze %dma_wait3A_282 : memref<1x32xf32, #tpu.memory_space<vmem>> -> memref<32xf32, #tpu.memory_space<vmem>>
    %dma_wait3A_284 = tpu.memref_slice %arg13[%dma_wait3A_279, %mul3A_10] : memref<16x512xf32, #tpu.memory_space<vmem_shared>> -> memref<1x32xf32, #tpu.memory_space<vmem_shared>>
    %dma_wait3A_285 = tpu.memref_squeeze %dma_wait3A_284 : memref<1x32xf32, #tpu.memory_space<vmem_shared>> -> memref<32xf32, #tpu.memory_space<vmem_shared>>
    %dma_wait3A_286 = arith.constant 0 : i32
    %dma_wait3A_287 = tpu.memref_slice %arg10[%dma_wait3A_280, %dma_wait3A_286] : memref<16x32xf32, #tpu.memory_space<vmem>> -> memref<1x32xf32, #tpu.memory_space<vmem>>
    %dma_wait3A_288 = tpu.memref_squeeze %dma_wait3A_287 : memref<1x32xf32, #tpu.memory_space<vmem>> -> memref<32xf32, #tpu.memory_space<vmem>>
    %dma_wait3A_289 = tpu.memref_slice %arg13[%dma_wait3A_279, %mul3A_10] : memref<16x512xf32, #tpu.memory_space<vmem_shared>> -> memref<1x32xf32, #tpu.memory_space<vmem_shared>>
    %dma_wait3A_290 = tpu.memref_squeeze %dma_wait3A_289 : memref<1x32xf32, #tpu.memory_space<vmem_shared>> -> memref<32xf32, #tpu.memory_space<vmem_shared>>
    tpu.wait_dma2 semaphore(%arg14 : memref<!tpu.dma_semaphore, #tpu.memory_space<semaphore_mem>>) src(%dma_wait3A_290 : memref<32xf32, #tpu.memory_space<vmem_shared>>) dst(%dma_wait3A_288 : memref<32xf32, #tpu.memory_space<vmem>>)
    %dma_wait3A_291 = arith.constant 4 : i32
    %dma_wait3A_292 = arith.constant 4 : i32
    %dma_wait3A_293 = arith.constant 0 : i32
    %dma_wait3A_294 = tpu.memref_slice %arg10[%dma_wait3A_292, %dma_wait3A_293] : memref<16x32xf32, #tpu.memory_space<vmem>> -> memref<1x32xf32, #tpu.memory_space<vmem>>
    %dma_wait3A_295 = tpu.memref_squeeze %dma_wait3A_294 : memref<1x32xf32, #tpu.memory_space<vmem>> -> memref<32xf32, #tpu.memory_space<vmem>>
    %dma_wait3A_296 = tpu.memref_slice %arg13[%dma_wait3A_291, %mul3A_10] : memref<16x512xf32, #tpu.memory_space<vmem_shared>> -> memref<1x32xf32, #tpu.memory_space<vmem_shared>>
    %dma_wait3A_297 = tpu.memref_squeeze %dma_wait3A_296 : memref<1x32xf32, #tpu.memory_space<vmem_shared>> -> memref<32xf32, #tpu.memory_space<vmem_shared>>
    %dma_wait3A_298 = arith.constant 0 : i32
    %dma_wait3A_299 = tpu.memref_slice %arg10[%dma_wait3A_292, %dma_wait3A_298] : memref<16x32xf32, #tpu.memory_space<vmem>> -> memref<1x32xf32, #tpu.memory_space<vmem>>
    %dma_wait3A_300 = tpu.memref_squeeze %dma_wait3A_299 : memref<1x32xf32, #tpu.memory_space<vmem>> -> memref<32xf32, #tpu.memory_space<vmem>>
    %dma_wait3A_301 = tpu.memref_slice %arg13[%dma_wait3A_291, %mul3A_10] : memref<16x512xf32, #tpu.memory_space<vmem_shared>> -> memref<1x32xf32, #tpu.memory_space<vmem_shared>>
    %dma_wait3A_302 = tpu.memref_squeeze %dma_wait3A_301 : memref<1x32xf32, #tpu.memory_space<vmem_shared>> -> memref<32xf32, #tpu.memory_space<vmem_shared>>
    tpu.wait_dma2 semaphore(%arg14 : memref<!tpu.dma_semaphore, #tpu.memory_space<semaphore_mem>>) src(%dma_wait3A_302 : memref<32xf32, #tpu.memory_space<vmem_shared>>) dst(%dma_wait3A_300 : memref<32xf32, #tpu.memory_space<vmem>>)
    %dma_wait3A_303 = arith.constant 5 : i32
    %dma_wait3A_304 = arith.constant 5 : i32
    %dma_wait3A_305 = arith.constant 0 : i32
    %dma_wait3A_306 = tpu.memref_slice %arg10[%dma_wait3A_304, %dma_wait3A_305] : memref<16x32xf32, #tpu.memory_space<vmem>> -> memref<1x32xf32, #tpu.memory_space<vmem>>
    %dma_wait3A_307 = tpu.memref_squeeze %dma_wait3A_306 : memref<1x32xf32, #tpu.memory_space<vmem>> -> memref<32xf32, #tpu.memory_space<vmem>>
    %dma_wait3A_308 = tpu.memref_slice %arg13[%dma_wait3A_303, %mul3A_10] : memref<16x512xf32, #tpu.memory_space<vmem_shared>> -> memref<1x32xf32, #tpu.memory_space<vmem_shared>>
    %dma_wait3A_309 = tpu.memref_squeeze %dma_wait3A_308 : memref<1x32xf32, #tpu.memory_space<vmem_shared>> -> memref<32xf32, #tpu.memory_space<vmem_shared>>
    %dma_wait3A_310 = arith.constant 0 : i32
    %dma_wait3A_311 = tpu.memref_slice %arg10[%dma_wait3A_304, %dma_wait3A_310] : memref<16x32xf32, #tpu.memory_space<vmem>> -> memref<1x32xf32, #tpu.memory_space<vmem>>
    %dma_wait3A_312 = tpu.memref_squeeze %dma_wait3A_311 : memref<1x32xf32, #tpu.memory_space<vmem>> -> memref<32xf32, #tpu.memory_space<vmem>>
    %dma_wait3A_313 = tpu.memref_slice %arg13[%dma_wait3A_303, %mul3A_10] : memref<16x512xf32, #tpu.memory_space<vmem_shared>> -> memref<1x32xf32, #tpu.memory_space<vmem_shared>>
    %dma_wait3A_314 = tpu.memref_squeeze %dma_wait3A_313 : memref<1x32xf32, #tpu.memory_space<vmem_shared>> -> memref<32xf32, #tpu.memory_space<vmem_shared>>
    tpu.wait_dma2 semaphore(%arg14 : memref<!tpu.dma_semaphore, #tpu.memory_space<semaphore_mem>>) src(%dma_wait3A_314 : memref<32xf32, #tpu.memory_space<vmem_shared>>) dst(%dma_wait3A_312 : memref<32xf32, #tpu.memory_space<vmem>>)
    %dma_wait3A_315 = arith.constant 6 : i32
    %dma_wait3A_316 = arith.constant 6 : i32
    %dma_wait3A_317 = arith.constant 0 : i32
    %dma_wait3A_318 = tpu.memref_slice %arg10[%dma_wait3A_316, %dma_wait3A_317] : memref<16x32xf32, #tpu.memory_space<vmem>> -> memref<1x32xf32, #tpu.memory_space<vmem>>
    %dma_wait3A_319 = tpu.memref_squeeze %dma_wait3A_318 : memref<1x32xf32, #tpu.memory_space<vmem>> -> memref<32xf32, #tpu.memory_space<vmem>>
    %dma_wait3A_320 = tpu.memref_slice %arg13[%dma_wait3A_315, %mul3A_10] : memref<16x512xf32, #tpu.memory_space<vmem_shared>> -> memref<1x32xf32, #tpu.memory_space<vmem_shared>>
    %dma_wait3A_321 = tpu.memref_squeeze %dma_wait3A_320 : memref<1x32xf32, #tpu.memory_space<vmem_shared>> -> memref<32xf32, #tpu.memory_space<vmem_shared>>
    %dma_wait3A_322 = arith.constant 0 : i32
    %dma_wait3A_323 = tpu.memref_slice %arg10[%dma_wait3A_316, %dma_wait3A_322] : memref<16x32xf32, #tpu.memory_space<vmem>> -> memref<1x32xf32, #tpu.memory_space<vmem>>
    %dma_wait3A_324 = tpu.memref_squeeze %dma_wait3A_323 : memref<1x32xf32, #tpu.memory_space<vmem>> -> memref<32xf32, #tpu.memory_space<vmem>>
    %dma_wait3A_325 = tpu.memref_slice %arg13[%dma_wait3A_315, %mul3A_10] : memref<16x512xf32, #tpu.memory_space<vmem_shared>> -> memref<1x32xf32, #tpu.memory_space<vmem_shared>>
    %dma_wait3A_326 = tpu.memref_squeeze %dma_wait3A_325 : memref<1x32xf32, #tpu.memory_space<vmem_shared>> -> memref<32xf32, #tpu.memory_space<vmem_shared>>
    tpu.wait_dma2 semaphore(%arg14 : memref<!tpu.dma_semaphore, #tpu.memory_space<semaphore_mem>>) src(%dma_wait3A_326 : memref<32xf32, #tpu.memory_space<vmem_shared>>) dst(%dma_wait3A_324 : memref<32xf32, #tpu.memory_space<vmem>>)
    %dma_wait3A_327 = arith.constant 7 : i32
    %dma_wait3A_328 = arith.constant 7 : i32
    %dma_wait3A_329 = arith.constant 0 : i32
    %dma_wait3A_330 = tpu.memref_slice %arg10[%dma_wait3A_328, %dma_wait3A_329] : memref<16x32xf32, #tpu.memory_space<vmem>> -> memref<1x32xf32, #tpu.memory_space<vmem>>
    %dma_wait3A_331 = tpu.memref_squeeze %dma_wait3A_330 : memref<1x32xf32, #tpu.memory_space<vmem>> -> memref<32xf32, #tpu.memory_space<vmem>>
    %dma_wait3A_332 = tpu.memref_slice %arg13[%dma_wait3A_327, %mul3A_10] : memref<16x512xf32, #tpu.memory_space<vmem_shared>> -> memref<1x32xf32, #tpu.memory_space<vmem_shared>>
    %dma_wait3A_333 = tpu.memref_squeeze %dma_wait3A_332 : memref<1x32xf32, #tpu.memory_space<vmem_shared>> -> memref<32xf32, #tpu.memory_space<vmem_shared>>
    %dma_wait3A_334 = arith.constant 0 : i32
    %dma_wait3A_335 = tpu.memref_slice %arg10[%dma_wait3A_328, %dma_wait3A_334] : memref<16x32xf32, #tpu.memory_space<vmem>> -> memref<1x32xf32, #tpu.memory_space<vmem>>
    %dma_wait3A_336 = tpu.memref_squeeze %dma_wait3A_335 : memref<1x32xf32, #tpu.memory_space<vmem>> -> memref<32xf32, #tpu.memory_space<vmem>>
    %dma_wait3A_337 = tpu.memref_slice %arg13[%dma_wait3A_327, %mul3A_10] : memref<16x512xf32, #tpu.memory_space<vmem_shared>> -> memref<1x32xf32, #tpu.memory_space<vmem_shared>>
    %dma_wait3A_338 = tpu.memref_squeeze %dma_wait3A_337 : memref<1x32xf32, #tpu.memory_space<vmem_shared>> -> memref<32xf32, #tpu.memory_space<vmem_shared>>
    tpu.wait_dma2 semaphore(%arg14 : memref<!tpu.dma_semaphore, #tpu.memory_space<semaphore_mem>>) src(%dma_wait3A_338 : memref<32xf32, #tpu.memory_space<vmem_shared>>) dst(%dma_wait3A_336 : memref<32xf32, #tpu.memory_space<vmem>>)
    %dma_wait3A_339 = arith.constant 8 : i32
    %dma_wait3A_340 = arith.constant 8 : i32
    %dma_wait3A_341 = arith.constant 0 : i32
    %dma_wait3A_342 = tpu.memref_slice %arg10[%dma_wait3A_340, %dma_wait3A_341] : memref<16x32xf32, #tpu.memory_space<vmem>> -> memref<1x32xf32, #tpu.memory_space<vmem>>
    %dma_wait3A_343 = tpu.memref_squeeze %dma_wait3A_342 : memref<1x32xf32, #tpu.memory_space<vmem>> -> memref<32xf32, #tpu.memory_space<vmem>>
    %dma_wait3A_344 = tpu.memref_slice %arg13[%dma_wait3A_339, %mul3A_10] : memref<16x512xf32, #tpu.memory_space<vmem_shared>> -> memref<1x32xf32, #tpu.memory_space<vmem_shared>>
    %dma_wait3A_345 = tpu.memref_squeeze %dma_wait3A_344 : memref<1x32xf32, #tpu.memory_space<vmem_shared>> -> memref<32xf32, #tpu.memory_space<vmem_shared>>
    %dma_wait3A_346 = arith.constant 0 : i32
    %dma_wait3A_347 = tpu.memref_slice %arg10[%dma_wait3A_340, %dma_wait3A_346] : memref<16x32xf32, #tpu.memory_space<vmem>> -> memref<1x32xf32, #tpu.memory_space<vmem>>
    %dma_wait3A_348 = tpu.memref_squeeze %dma_wait3A_347 : memref<1x32xf32, #tpu.memory_space<vmem>> -> memref<32xf32, #tpu.memory_space<vmem>>
    %dma_wait3A_349 = tpu.memref_slice %arg13[%dma_wait3A_339, %mul3A_10] : memref<16x512xf32, #tpu.memory_space<vmem_shared>> -> memref<1x32xf32, #tpu.memory_space<vmem_shared>>
    %dma_wait3A_350 = tpu.memref_squeeze %dma_wait3A_349 : memref<1x32xf32, #tpu.memory_space<vmem_shared>> -> memref<32xf32, #tpu.memory_space<vmem_shared>>
    tpu.wait_dma2 semaphore(%arg14 : memref<!tpu.dma_semaphore, #tpu.memory_space<semaphore_mem>>) src(%dma_wait3A_350 : memref<32xf32, #tpu.memory_space<vmem_shared>>) dst(%dma_wait3A_348 : memref<32xf32, #tpu.memory_space<vmem>>)
    %dma_wait3A_351 = arith.constant 9 : i32
    %dma_wait3A_352 = arith.constant 9 : i32
    %dma_wait3A_353 = arith.constant 0 : i32
    %dma_wait3A_354 = tpu.memref_slice %arg10[%dma_wait3A_352, %dma_wait3A_353] : memref<16x32xf32, #tpu.memory_space<vmem>> -> memref<1x32xf32, #tpu.memory_space<vmem>>
    %dma_wait3A_355 = tpu.memref_squeeze %dma_wait3A_354 : memref<1x32xf32, #tpu.memory_space<vmem>> -> memref<32xf32, #tpu.memory_space<vmem>>
    %dma_wait3A_356 = tpu.memref_slice %arg13[%dma_wait3A_351, %mul3A_10] : memref<16x512xf32, #tpu.memory_space<vmem_shared>> -> memref<1x32xf32, #tpu.memory_space<vmem_shared>>
    %dma_wait3A_357 = tpu.memref_squeeze %dma_wait3A_356 : memref<1x32xf32, #tpu.memory_space<vmem_shared>> -> memref<32xf32, #tpu.memory_space<vmem_shared>>
    %dma_wait3A_358 = arith.constant 0 : i32
    %dma_wait3A_359 = tpu.memref_slice %arg10[%dma_wait3A_352, %dma_wait3A_358] : memref<16x32xf32, #tpu.memory_space<vmem>> -> memref<1x32xf32, #tpu.memory_space<vmem>>
    %dma_wait3A_360 = tpu.memref_squeeze %dma_wait3A_359 : memref<1x32xf32, #tpu.memory_space<vmem>> -> memref<32xf32, #tpu.memory_space<vmem>>
    %dma_wait3A_361 = tpu.memref_slice %arg13[%dma_wait3A_351, %mul3A_10] : memref<16x512xf32, #tpu.memory_space<vmem_shared>> -> memref<1x32xf32, #tpu.memory_space<vmem_shared>>
    %dma_wait3A_362 = tpu.memref_squeeze %dma_wait3A_361 : memref<1x32xf32, #tpu.memory_space<vmem_shared>> -> memref<32xf32, #tpu.memory_space<vmem_shared>>
    tpu.wait_dma2 semaphore(%arg14 : memref<!tpu.dma_semaphore, #tpu.memory_space<semaphore_mem>>) src(%dma_wait3A_362 : memref<32xf32, #tpu.memory_space<vmem_shared>>) dst(%dma_wait3A_360 : memref<32xf32, #tpu.memory_space<vmem>>)
    %dma_wait3A_363 = arith.constant 10 : i32
    %dma_wait3A_364 = arith.constant 10 : i32
    %dma_wait3A_365 = arith.constant 0 : i32
    %dma_wait3A_366 = tpu.memref_slice %arg10[%dma_wait3A_364, %dma_wait3A_365] : memref<16x32xf32, #tpu.memory_space<vmem>> -> memref<1x32xf32, #tpu.memory_space<vmem>>
    %dma_wait3A_367 = tpu.memref_squeeze %dma_wait3A_366 : memref<1x32xf32, #tpu.memory_space<vmem>> -> memref<32xf32, #tpu.memory_space<vmem>>
    %dma_wait3A_368 = tpu.memref_slice %arg13[%dma_wait3A_363, %mul3A_10] : memref<16x512xf32, #tpu.memory_space<vmem_shared>> -> memref<1x32xf32, #tpu.memory_space<vmem_shared>>
    %dma_wait3A_369 = tpu.memref_squeeze %dma_wait3A_368 : memref<1x32xf32, #tpu.memory_space<vmem_shared>> -> memref<32xf32, #tpu.memory_space<vmem_shared>>
    %dma_wait3A_370 = arith.constant 0 : i32
    %dma_wait3A_371 = tpu.memref_slice %arg10[%dma_wait3A_364, %dma_wait3A_370] : memref<16x32xf32, #tpu.memory_space<vmem>> -> memref<1x32xf32, #tpu.memory_space<vmem>>
    %dma_wait3A_372 = tpu.memref_squeeze %dma_wait3A_371 : memref<1x32xf32, #tpu.memory_space<vmem>> -> memref<32xf32, #tpu.memory_space<vmem>>
    %dma_wait3A_373 = tpu.memref_slice %arg13[%dma_wait3A_363, %mul3A_10] : memref<16x512xf32, #tpu.memory_space<vmem_shared>> -> memref<1x32xf32, #tpu.memory_space<vmem_shared>>
    %dma_wait3A_374 = tpu.memref_squeeze %dma_wait3A_373 : memref<1x32xf32, #tpu.memory_space<vmem_shared>> -> memref<32xf32, #tpu.memory_space<vmem_shared>>
    tpu.wait_dma2 semaphore(%arg14 : memref<!tpu.dma_semaphore, #tpu.memory_space<semaphore_mem>>) src(%dma_wait3A_374 : memref<32xf32, #tpu.memory_space<vmem_shared>>) dst(%dma_wait3A_372 : memref<32xf32, #tpu.memory_space<vmem>>)
    %dma_wait3A_375 = arith.constant 11 : i32
    %dma_wait3A_376 = arith.constant 11 : i32
    %dma_wait3A_377 = arith.constant 0 : i32
    %dma_wait3A_378 = tpu.memref_slice %arg10[%dma_wait3A_376, %dma_wait3A_377] : memref<16x32xf32, #tpu.memory_space<vmem>> -> memref<1x32xf32, #tpu.memory_space<vmem>>
    %dma_wait3A_379 = tpu.memref_squeeze %dma_wait3A_378 : memref<1x32xf32, #tpu.memory_space<vmem>> -> memref<32xf32, #tpu.memory_space<vmem>>
    %dma_wait3A_380 = tpu.memref_slice %arg13[%dma_wait3A_375, %mul3A_10] : memref<16x512xf32, #tpu.memory_space<vmem_shared>> -> memref<1x32xf32, #tpu.memory_space<vmem_shared>>
    %dma_wait3A_381 = tpu.memref_squeeze %dma_wait3A_380 : memref<1x32xf32, #tpu.memory_space<vmem_shared>> -> memref<32xf32, #tpu.memory_space<vmem_shared>>
    %dma_wait3A_382 = arith.constant 0 : i32
    %dma_wait3A_383 = tpu.memref_slice %arg10[%dma_wait3A_376, %dma_wait3A_382] : memref<16x32xf32, #tpu.memory_space<vmem>> -> memref<1x32xf32, #tpu.memory_space<vmem>>
    %dma_wait3A_384 = tpu.memref_squeeze %dma_wait3A_383 : memref<1x32xf32, #tpu.memory_space<vmem>> -> memref<32xf32, #tpu.memory_space<vmem>>
    %dma_wait3A_385 = tpu.memref_slice %arg13[%dma_wait3A_375, %mul3A_10] : memref<16x512xf32, #tpu.memory_space<vmem_shared>> -> memref<1x32xf32, #tpu.memory_space<vmem_shared>>
    %dma_wait3A_386 = tpu.memref_squeeze %dma_wait3A_385 : memref<1x32xf32, #tpu.memory_space<vmem_shared>> -> memref<32xf32, #tpu.memory_space<vmem_shared>>
    tpu.wait_dma2 semaphore(%arg14 : memref<!tpu.dma_semaphore, #tpu.memory_space<semaphore_mem>>) src(%dma_wait3A_386 : memref<32xf32, #tpu.memory_space<vmem_shared>>) dst(%dma_wait3A_384 : memref<32xf32, #tpu.memory_space<vmem>>)
    %dma_wait3A_387 = arith.constant 12 : i32
    %dma_wait3A_388 = arith.constant 12 : i32
    %dma_wait3A_389 = arith.constant 0 : i32
    %dma_wait3A_390 = tpu.memref_slice %arg10[%dma_wait3A_388, %dma_wait3A_389] : memref<16x32xf32, #tpu.memory_space<vmem>> -> memref<1x32xf32, #tpu.memory_space<vmem>>
    %dma_wait3A_391 = tpu.memref_squeeze %dma_wait3A_390 : memref<1x32xf32, #tpu.memory_space<vmem>> -> memref<32xf32, #tpu.memory_space<vmem>>
    %dma_wait3A_392 = tpu.memref_slice %arg13[%dma_wait3A_387, %mul3A_10] : memref<16x512xf32, #tpu.memory_space<vmem_shared>> -> memref<1x32xf32, #tpu.memory_space<vmem_shared>>
    %dma_wait3A_393 = tpu.memref_squeeze %dma_wait3A_392 : memref<1x32xf32, #tpu.memory_space<vmem_shared>> -> memref<32xf32, #tpu.memory_space<vmem_shared>>
    %dma_wait3A_394 = arith.constant 0 : i32
    %dma_wait3A_395 = tpu.memref_slice %arg10[%dma_wait3A_388, %dma_wait3A_394] : memref<16x32xf32, #tpu.memory_space<vmem>> -> memref<1x32xf32, #tpu.memory_space<vmem>>
    %dma_wait3A_396 = tpu.memref_squeeze %dma_wait3A_395 : memref<1x32xf32, #tpu.memory_space<vmem>> -> memref<32xf32, #tpu.memory_space<vmem>>
    %dma_wait3A_397 = tpu.memref_slice %arg13[%dma_wait3A_387, %mul3A_10] : memref<16x512xf32, #tpu.memory_space<vmem_shared>> -> memref<1x32xf32, #tpu.memory_space<vmem_shared>>
    %dma_wait3A_398 = tpu.memref_squeeze %dma_wait3A_397 : memref<1x32xf32, #tpu.memory_space<vmem_shared>> -> memref<32xf32, #tpu.memory_space<vmem_shared>>
    tpu.wait_dma2 semaphore(%arg14 : memref<!tpu.dma_semaphore, #tpu.memory_space<semaphore_mem>>) src(%dma_wait3A_398 : memref<32xf32, #tpu.memory_space<vmem_shared>>) dst(%dma_wait3A_396 : memref<32xf32, #tpu.memory_space<vmem>>)
    %dma_wait3A_399 = arith.constant 13 : i32
    %dma_wait3A_400 = arith.constant 13 : i32
    %dma_wait3A_401 = arith.constant 0 : i32
    %dma_wait3A_402 = tpu.memref_slice %arg10[%dma_wait3A_400, %dma_wait3A_401] : memref<16x32xf32, #tpu.memory_space<vmem>> -> memref<1x32xf32, #tpu.memory_space<vmem>>
    %dma_wait3A_403 = tpu.memref_squeeze %dma_wait3A_402 : memref<1x32xf32, #tpu.memory_space<vmem>> -> memref<32xf32, #tpu.memory_space<vmem>>
    %dma_wait3A_404 = tpu.memref_slice %arg13[%dma_wait3A_399, %mul3A_10] : memref<16x512xf32, #tpu.memory_space<vmem_shared>> -> memref<1x32xf32, #tpu.memory_space<vmem_shared>>
    %dma_wait3A_405 = tpu.memref_squeeze %dma_wait3A_404 : memref<1x32xf32, #tpu.memory_space<vmem_shared>> -> memref<32xf32, #tpu.memory_space<vmem_shared>>
    %dma_wait3A_406 = arith.constant 0 : i32
    %dma_wait3A_407 = tpu.memref_slice %arg10[%dma_wait3A_400, %dma_wait3A_406] : memref<16x32xf32, #tpu.memory_space<vmem>> -> memref<1x32xf32, #tpu.memory_space<vmem>>
    %dma_wait3A_408 = tpu.memref_squeeze %dma_wait3A_407 : memref<1x32xf32, #tpu.memory_space<vmem>> -> memref<32xf32, #tpu.memory_space<vmem>>
    %dma_wait3A_409 = tpu.memref_slice %arg13[%dma_wait3A_399, %mul3A_10] : memref<16x512xf32, #tpu.memory_space<vmem_shared>> -> memref<1x32xf32, #tpu.memory_space<vmem_shared>>
    %dma_wait3A_410 = tpu.memref_squeeze %dma_wait3A_409 : memref<1x32xf32, #tpu.memory_space<vmem_shared>> -> memref<32xf32, #tpu.memory_space<vmem_shared>>
    tpu.wait_dma2 semaphore(%arg14 : memref<!tpu.dma_semaphore, #tpu.memory_space<semaphore_mem>>) src(%dma_wait3A_410 : memref<32xf32, #tpu.memory_space<vmem_shared>>) dst(%dma_wait3A_408 : memref<32xf32, #tpu.memory_space<vmem>>)
    %dma_wait3A_411 = arith.constant 14 : i32
    %dma_wait3A_412 = arith.constant 14 : i32
    %dma_wait3A_413 = arith.constant 0 : i32
    %dma_wait3A_414 = tpu.memref_slice %arg10[%dma_wait3A_412, %dma_wait3A_413] : memref<16x32xf32, #tpu.memory_space<vmem>> -> memref<1x32xf32, #tpu.memory_space<vmem>>
    %dma_wait3A_415 = tpu.memref_squeeze %dma_wait3A_414 : memref<1x32xf32, #tpu.memory_space<vmem>> -> memref<32xf32, #tpu.memory_space<vmem>>
    %dma_wait3A_416 = tpu.memref_slice %arg13[%dma_wait3A_411, %mul3A_10] : memref<16x512xf32, #tpu.memory_space<vmem_shared>> -> memref<1x32xf32, #tpu.memory_space<vmem_shared>>
    %dma_wait3A_417 = tpu.memref_squeeze %dma_wait3A_416 : memref<1x32xf32, #tpu.memory_space<vmem_shared>> -> memref<32xf32, #tpu.memory_space<vmem_shared>>
    %dma_wait3A_418 = arith.constant 0 : i32
    %dma_wait3A_419 = tpu.memref_slice %arg10[%dma_wait3A_412, %dma_wait3A_418] : memref<16x32xf32, #tpu.memory_space<vmem>> -> memref<1x32xf32, #tpu.memory_space<vmem>>
    %dma_wait3A_420 = tpu.memref_squeeze %dma_wait3A_419 : memref<1x32xf32, #tpu.memory_space<vmem>> -> memref<32xf32, #tpu.memory_space<vmem>>
    %dma_wait3A_421 = tpu.memref_slice %arg13[%dma_wait3A_411, %mul3A_10] : memref<16x512xf32, #tpu.memory_space<vmem_shared>> -> memref<1x32xf32, #tpu.memory_space<vmem_shared>>
    %dma_wait3A_422 = tpu.memref_squeeze %dma_wait3A_421 : memref<1x32xf32, #tpu.memory_space<vmem_shared>> -> memref<32xf32, #tpu.memory_space<vmem_shared>>
    tpu.wait_dma2 semaphore(%arg14 : memref<!tpu.dma_semaphore, #tpu.memory_space<semaphore_mem>>) src(%dma_wait3A_422 : memref<32xf32, #tpu.memory_space<vmem_shared>>) dst(%dma_wait3A_420 : memref<32xf32, #tpu.memory_space<vmem>>)
    %dma_wait3A_423 = arith.constant 15 : i32
    %dma_wait3A_424 = arith.constant 15 : i32
    %dma_wait3A_425 = arith.constant 0 : i32
    %dma_wait3A_426 = tpu.memref_slice %arg10[%dma_wait3A_424, %dma_wait3A_425] : memref<16x32xf32, #tpu.memory_space<vmem>> -> memref<1x32xf32, #tpu.memory_space<vmem>>
    %dma_wait3A_427 = tpu.memref_squeeze %dma_wait3A_426 : memref<1x32xf32, #tpu.memory_space<vmem>> -> memref<32xf32, #tpu.memory_space<vmem>>
    %dma_wait3A_428 = tpu.memref_slice %arg13[%dma_wait3A_423, %mul3A_10] : memref<16x512xf32, #tpu.memory_space<vmem_shared>> -> memref<1x32xf32, #tpu.memory_space<vmem_shared>>
    %dma_wait3A_429 = tpu.memref_squeeze %dma_wait3A_428 : memref<1x32xf32, #tpu.memory_space<vmem_shared>> -> memref<32xf32, #tpu.memory_space<vmem_shared>>
    %dma_wait3A_430 = arith.constant 0 : i32
    %dma_wait3A_431 = tpu.memref_slice %arg10[%dma_wait3A_424, %dma_wait3A_430] : memref<16x32xf32, #tpu.memory_space<vmem>> -> memref<1x32xf32, #tpu.memory_space<vmem>>
    %dma_wait3A_432 = tpu.memref_squeeze %dma_wait3A_431 : memref<1x32xf32, #tpu.memory_space<vmem>> -> memref<32xf32, #tpu.memory_space<vmem>>
    %dma_wait3A_433 = tpu.memref_slice %arg13[%dma_wait3A_423, %mul3A_10] : memref<16x512xf32, #tpu.memory_space<vmem_shared>> -> memref<1x32xf32, #tpu.memory_space<vmem_shared>>
    %dma_wait3A_434 = tpu.memref_squeeze %dma_wait3A_433 : memref<1x32xf32, #tpu.memory_space<vmem_shared>> -> memref<32xf32, #tpu.memory_space<vmem_shared>>
    tpu.wait_dma2 semaphore(%arg14 : memref<!tpu.dma_semaphore, #tpu.memory_space<semaphore_mem>>) src(%dma_wait3A_434 : memref<32xf32, #tpu.memory_space<vmem_shared>>) dst(%dma_wait3A_432 : memref<32xf32, #tpu.memory_space<vmem>>)
    %get3A = arith.constant 0 : index
    %get3A_435 = tpu.vector_load %arg12[%get3A] {strides = array<i32>} : memref<32xf32, #tpu.memory_space<vmem>>, vector<16xf32>,
    %get3A_436 = arith.constant 0 : i32
    %get3A_437 = arith.index_cast %get3A_436 : i32 to index
    %get3A_438 = arith.constant 0 : index
    %get3A_439 = tpu.vector_load %arg10[%get3A_437, %get3A_438] {strides = array<i32>} : memref<16x32xf32, #tpu.memory_space<vmem>>, vector<16xf32>,
    %add3A_440 = arith.addf %get3A_435, %get3A_439 : vector<16xf32>
    %get3A_441 = arith.constant 1 : i32
    %get3A_442 = arith.index_cast %get3A_441 : i32 to index
    %get3A_443 = arith.constant 0 : index
    %get3A_444 = tpu.vector_load %arg10[%get3A_442, %get3A_443] {strides = array<i32>} : memref<16x32xf32, #tpu.memory_space<vmem>>, vector<16xf32>,
    %add3A_445 = arith.addf %add3A_440, %get3A_444 : vector<16xf32>
    %get3A_446 = arith.constant 2 : i32
    %get3A_447 = arith.index_cast %get3A_446 : i32 to index
    %get3A_448 = arith.constant 0 : index
    %get3A_449 = tpu.vector_load %arg10[%get3A_447, %get3A_448] {strides = array<i32>} : memref<16x32xf32, #tpu.memory_space<vmem>>, vector<16xf32>,
    %add3A_450 = arith.addf %add3A_445, %get3A_449 : vector<16xf32>
    %get3A_451 = arith.constant 3 : i32
    %get3A_452 = arith.index_cast %get3A_451 : i32 to index
    %get3A_453 = arith.constant 0 : index
    %get3A_454 = tpu.vector_load %arg10[%get3A_452, %get3A_453] {strides = array<i32>} : memref<16x32xf32, #tpu.memory_space<vmem>>, vector<16xf32>,
    %add3A_455 = arith.addf %add3A_450, %get3A_454 : vector<16xf32>
    %get3A_456 = arith.constant 4 : i32
    %get3A_457 = arith.index_cast %get3A_456 : i32 to index
    %get3A_458 = arith.constant 0 : index
    %get3A_459 = tpu.vector_load %arg10[%get3A_457, %get3A_458] {strides = array<i32>} : memref<16x32xf32, #tpu.memory_space<vmem>>, vector<16xf32>,
    %add3A_460 = arith.addf %add3A_455, %get3A_459 : vector<16xf32>
    %get3A_461 = arith.constant 5 : i32
    %get3A_462 = arith.index_cast %get3A_461 : i32 to index
    %get3A_463 = arith.constant 0 : index
    %get3A_464 = tpu.vector_load %arg10[%get3A_462, %get3A_463] {strides = array<i32>} : memref<16x32xf32, #tpu.memory_space<vmem>>, vector<16xf32>,
    %add3A_465 = arith.addf %add3A_460, %get3A_464 : vector<16xf32>
    %get3A_466 = arith.constant 6 : i32
    %get3A_467 = arith.index_cast %get3A_466 : i32 to index
    %get3A_468 = arith.constant 0 : index
    %get3A_469 = tpu.vector_load %arg10[%get3A_467, %get3A_468] {strides = array<i32>} : memref<16x32xf32, #tpu.memory_space<vmem>>, vector<16xf32>,
    %add3A_470 = arith.addf %add3A_465, %get3A_469 : vector<16xf32>
    %get3A_471 = arith.constant 7 : i32
    %get3A_472 = arith.index_cast %get3A_471 : i32 to index
    %get3A_473 = arith.constant 0 : index
    %get3A_474 = tpu.vector_load %arg10[%get3A_472, %get3A_473] {strides = array<i32>} : memref<16x32xf32, #tpu.memory_space<vmem>>, vector<16xf32>,
    %add3A_475 = arith.addf %add3A_470, %get3A_474 : vector<16xf32>
    %get3A_476 = arith.constant 8 : i32
    %get3A_477 = arith.index_cast %get3A_476 : i32 to index
    %get3A_478 = arith.constant 0 : index
    %get3A_479 = tpu.vector_load %arg10[%get3A_477, %get3A_478] {strides = array<i32>} : memref<16x32xf32, #tpu.memory_space<vmem>>, vector<16xf32>,
    %add3A_480 = arith.addf %add3A_475, %get3A_479 : vector<16xf32>
    %get3A_481 = arith.constant 9 : i32
    %get3A_482 = arith.index_cast %get3A_481 : i32 to index
    %get3A_483 = arith.constant 0 : index
    %get3A_484 = tpu.vector_load %arg10[%get3A_482, %get3A_483] {strides = array<i32>} : memref<16x32xf32, #tpu.memory_space<vmem>>, vector<16xf32>,
    %add3A_485 = arith.addf %add3A_480, %get3A_484 : vector<16xf32>
    %get3A_486 = arith.constant 10 : i32
    %get3A_487 = arith.index_cast %get3A_486 : i32 to index
    %get3A_488 = arith.constant 0 : index
    %get3A_489 = tpu.vector_load %arg10[%get3A_487, %get3A_488] {strides = array<i32>} : memref<16x32xf32, #tpu.memory_space<vmem>>, vector<16xf32>,
    %add3A_490 = arith.addf %add3A_485, %get3A_489 : vector<16xf32>
    %get3A_491 = arith.constant 11 : i32
    %get3A_492 = arith.index_cast %get3A_491 : i32 to index
    %get3A_493 = arith.constant 0 : index
    %get3A_494 = tpu.vector_load %arg10[%get3A_492, %get3A_493] {strides = array<i32>} : memref<16x32xf32, #tpu.memory_space<vmem>>, vector<16xf32>,
    %add3A_495 = arith.addf %add3A_490, %get3A_494 : vector<16xf32>
    %get3A_496 = arith.constant 12 : i32
    %get3A_497 = arith.index_cast %get3A_496 : i32 to index
    %get3A_498 = arith.constant 0 : index
    %get3A_499 = tpu.vector_load %arg10[%get3A_497, %get3A_498] {strides = array<i32>} : memref<16x32xf32, #tpu.memory_space<vmem>>, vector<16xf32>,
    %add3A_500 = arith.addf %add3A_495, %get3A_499 : vector<16xf32>
    %get3A_501 = arith.constant 13 : i32
    %get3A_502 = arith.index_cast %get3A_501 : i32 to index
    %get3A_503 = arith.constant 0 : index
    %get3A_504 = tpu.vector_load %arg10[%get3A_502, %get3A_503] {strides = array<i32>} : memref<16x32xf32, #tpu.memory_space<vmem>>, vector<16xf32>,
    %add3A_505 = arith.addf %add3A_500, %get3A_504 : vector<16xf32>
    %get3A_506 = arith.constant 14 : i32
    %get3A_507 = arith.index_cast %get3A_506 : i32 to index
    %get3A_508 = arith.constant 0 : index
    %get3A_509 = tpu.vector_load %arg10[%get3A_507, %get3A_508] {strides = array<i32>} : memref<16x32xf32, #tpu.memory_space<vmem>>, vector<16xf32>,
    %add3A_510 = arith.addf %add3A_505, %get3A_509 : vector<16xf32>
    %get3A_511 = arith.constant 15 : i32
    %get3A_512 = arith.index_cast %get3A_511 : i32 to index
    %get3A_513 = arith.constant 0 : index
    %get3A_514 = tpu.vector_load %arg10[%get3A_512, %get3A_513] {strides = array<i32>} : memref<16x32xf32, #tpu.memory_space<vmem>>, vector<16xf32>,
    %add3A_515 = arith.addf %add3A_510, %get3A_514 : vector<16xf32>
    %swap3A = arith.constant 0 : index
    %swap3A_516 = tpu.vector_load %arg11[%swap3A] {strides = array<i32>} : memref<32xf32, #tpu.memory_space<vmem>>, vector<16xf32>,
    tpu.vector_store %arg11[%swap3A], %add3A_515 {strides = array<i32>} : memref<32xf32, #tpu.memory_space<vmem>>, vector<16xf32>,
    %get3A_517 = arith.constant 16 : index
    %get3A_518 = tpu.vector_load %arg12[%get3A_517] {strides = array<i32>} : memref<32xf32, #tpu.memory_space<vmem>>, vector<16xf32>,
    %get3A_519 = arith.constant 0 : i32
    %get3A_520 = arith.index_cast %get3A_519 : i32 to index
    %get3A_521 = arith.constant 16 : index
    %get3A_522 = tpu.vector_load %arg10[%get3A_520, %get3A_521] {strides = array<i32>} : memref<16x32xf32, #tpu.memory_space<vmem>>, vector<16xf32>,
    %add3A_523 = arith.addf %get3A_518, %get3A_522 : vector<16xf32>
    %get3A_524 = arith.constant 1 : i32
    %get3A_525 = arith.index_cast %get3A_524 : i32 to index
    %get3A_526 = arith.constant 16 : index
    %get3A_527 = tpu.vector_load %arg10[%get3A_525, %get3A_526] {strides = array<i32>} : memref<16x32xf32, #tpu.memory_space<vmem>>, vector<16xf32>,
    %add3A_528 = arith.addf %add3A_523, %get3A_527 : vector<16xf32>
    %get3A_529 = arith.constant 2 : i32
    %get3A_530 = arith.index_cast %get3A_529 : i32 to index
    %get3A_531 = arith.constant 16 : index
    %get3A_532 = tpu.vector_load %arg10[%get3A_530, %get3A_531] {strides = array<i32>} : memref<16x32xf32, #tpu.memory_space<vmem>>, vector<16xf32>,
    %add3A_533 = arith.addf %add3A_528, %get3A_532 : vector<16xf32>
    %get3A_534 = arith.constant 3 : i32
    %get3A_535 = arith.index_cast %get3A_534 : i32 to index
    %get3A_536 = arith.constant 16 : index
    %get3A_537 = tpu.vector_load %arg10[%get3A_535, %get3A_536] {strides = array<i32>} : memref<16x32xf32, #tpu.memory_space<vmem>>, vector<16xf32>,
    %add3A_538 = arith.addf %add3A_533, %get3A_537 : vector<16xf32>
    %get3A_539 = arith.constant 4 : i32
    %get3A_540 = arith.index_cast %get3A_539 : i32 to index
    %get3A_541 = arith.constant 16 : index
    %get3A_542 = tpu.vector_load %arg10[%get3A_540, %get3A_541] {strides = array<i32>} : memref<16x32xf32, #tpu.memory_space<vmem>>, vector<16xf32>,
    %add3A_543 = arith.addf %add3A_538, %get3A_542 : vector<16xf32>
    %get3A_544 = arith.constant 5 : i32
    %get3A_545 = arith.index_cast %get3A_544 : i32 to index
    %get3A_546 = arith.constant 16 : index
    %get3A_547 = tpu.vector_load %arg10[%get3A_545, %get3A_546] {strides = array<i32>} : memref<16x32xf32, #tpu.memory_space<vmem>>, vector<16xf32>,
    %add3A_548 = arith.addf %add3A_543, %get3A_547 : vector<16xf32>
    %get3A_549 = arith.constant 6 : i32
    %get3A_550 = arith.index_cast %get3A_549 : i32 to index
    %get3A_551 = arith.constant 16 : index
    %get3A_552 = tpu.vector_load %arg10[%get3A_550, %get3A_551] {strides = array<i32>} : memref<16x32xf32, #tpu.memory_space<vmem>>, vector<16xf32>,
    %add3A_553 = arith.addf %add3A_548, %get3A_552 : vector<16xf32>
    %get3A_554 = arith.constant 7 : i32
    %get3A_555 = arith.index_cast %get3A_554 : i32 to index
    %get3A_556 = arith.constant 16 : index
    %get3A_557 = tpu.vector_load %arg10[%get3A_555, %get3A_556] {strides = array<i32>} : memref<16x32xf32, #tpu.memory_space<vmem>>, vector<16xf32>,
    %add3A_558 = arith.addf %add3A_553, %get3A_557 : vector<16xf32>
    %get3A_559 = arith.constant 8 : i32
    %get3A_560 = arith.index_cast %get3A_559 : i32 to index
    %get3A_561 = arith.constant 16 : index
    %get3A_562 = tpu.vector_load %arg10[%get3A_560, %get3A_561] {strides = array<i32>} : memref<16x32xf32, #tpu.memory_space<vmem>>, vector<16xf32>,
    %add3A_563 = arith.addf %add3A_558, %get3A_562 : vector<16xf32>
    %get3A_564 = arith.constant 9 : i32
    %get3A_565 = arith.index_cast %get3A_564 : i32 to index
    %get3A_566 = arith.constant 16 : index
    %get3A_567 = tpu.vector_load %arg10[%get3A_565, %get3A_566] {strides = array<i32>} : memref<16x32xf32, #tpu.memory_space<vmem>>, vector<16xf32>,
    %add3A_568 = arith.addf %add3A_563, %get3A_567 : vector<16xf32>
    %get3A_569 = arith.constant 10 : i32
    %get3A_570 = arith.index_cast %get3A_569 : i32 to index
    %get3A_571 = arith.constant 16 : index
    %get3A_572 = tpu.vector_load %arg10[%get3A_570, %get3A_571] {strides = array<i32>} : memref<16x32xf32, #tpu.memory_space<vmem>>, vector<16xf32>,
    %add3A_573 = arith.addf %add3A_568, %get3A_572 : vector<16xf32>
    %get3A_574 = arith.constant 11 : i32
    %get3A_575 = arith.index_cast %get3A_574 : i32 to index
    %get3A_576 = arith.constant 16 : index
    %get3A_577 = tpu.vector_load %arg10[%get3A_575, %get3A_576] {strides = array<i32>} : memref<16x32xf32, #tpu.memory_space<vmem>>, vector<16xf32>,
    %add3A_578 = arith.addf %add3A_573, %get3A_577 : vector<16xf32>
    %get3A_579 = arith.constant 12 : i32
    %get3A_580 = arith.index_cast %get3A_579 : i32 to index
    %get3A_581 = arith.constant 16 : index
    %get3A_582 = tpu.vector_load %arg10[%get3A_580, %get3A_581] {strides = array<i32>} : memref<16x32xf32, #tpu.memory_space<vmem>>, vector<16xf32>,
    %add3A_583 = arith.addf %add3A_578, %get3A_582 : vector<16xf32>
    %get3A_584 = arith.constant 13 : i32
    %get3A_585 = arith.index_cast %get3A_584 : i32 to index
    %get3A_586 = arith.constant 16 : index
    %get3A_587 = tpu.vector_load %arg10[%get3A_585, %get3A_586] {strides = array<i32>} : memref<16x32xf32, #tpu.memory_space<vmem>>, vector<16xf32>,
    %add3A_588 = arith.addf %add3A_583, %get3A_587 : vector<16xf32>
    %get3A_589 = arith.constant 14 : i32
    %get3A_590 = arith.index_cast %get3A_589 : i32 to index
    %get3A_591 = arith.constant 16 : index
    %get3A_592 = tpu.vector_load %arg10[%get3A_590, %get3A_591] {strides = array<i32>} : memref<16x32xf32, #tpu.memory_space<vmem>>, vector<16xf32>,
    %add3A_593 = arith.addf %add3A_588, %get3A_592 : vector<16xf32>
    %get3A_594 = arith.constant 15 : i32
    %get3A_595 = arith.index_cast %get3A_594 : i32 to index
    %get3A_596 = arith.constant 16 : index
    %get3A_597 = tpu.vector_load %arg10[%get3A_595, %get3A_596] {strides = array<i32>} : memref<16x32xf32, #tpu.memory_space<vmem>>, vector<16xf32>,
    %add3A_598 = arith.addf %add3A_593, %get3A_597 : vector<16xf32>
    %swap3A_599 = arith.constant 16 : index
    %swap3A_600 = tpu.vector_load %arg11[%swap3A_599] {strides = array<i32>} : memref<32xf32, #tpu.memory_space<vmem>>, vector<16xf32>,
    tpu.vector_store %arg11[%swap3A_599], %add3A_598 {strides = array<i32>} : memref<32xf32, #tpu.memory_space<vmem>>, vector<16xf32>,
    "tpu.region"() ({
      %run_scoped3A = tpu.sem_alloc : memref<!tpu.dma_semaphore, #tpu.memory_space<semaphore_mem>>
      %dma_start3A_601 = tpu.memref_slice %arg5[%mul3A_10] : memref<512xf32, #tpu.memory_space<hbm>> -> memref<32xf32, #tpu.memory_space<hbm>>
      %dma_start3A_602 = tpu.memref_slice %arg5[%mul3A_10] : memref<512xf32, #tpu.memory_space<hbm>> -> memref<32xf32, #tpu.memory_space<hbm>>
      tpu.enqueue_dma source(%arg11 : memref<32xf32, #tpu.memory_space<vmem>>) target(%dma_start3A_602 : memref<32xf32, #tpu.memory_space<hbm>>) target_semaphore(%run_scoped3A : memref<!tpu.dma_semaphore, #tpu.memory_space<semaphore_mem>>)
      %dma_wait3A_603 = tpu.memref_slice %arg5[%mul3A_10] : memref<512xf32, #tpu.memory_space<hbm>> -> memref<32xf32, #tpu.memory_space<hbm>>
      %dma_wait3A_604 = tpu.memref_slice %arg5[%mul3A_10] : memref<512xf32, #tpu.memory_space<hbm>> -> memref<32xf32, #tpu.memory_space<hbm>>
      tpu.wait_dma2 semaphore(%run_scoped3A : memref<!tpu.dma_semaphore, #tpu.memory_space<semaphore_mem>>) src(%arg11 : memref<32xf32, #tpu.memory_space<vmem>>) dst(%dma_wait3A_604 : memref<32xf32, #tpu.memory_space<hbm>>)
      tpu.yield
    }) : () -> ()
    return
  }
}

module attributes {stable_mosaic.version = 14 : i64} {
  func.func @_mlp_body(%arg0: i32, %arg1: memref<4096x128xf32, #tpu.memory_space<vmem>>, %arg2: memref<64x131xf32, #tpu.memory_space<vmem>>, %arg3: memref<4096xf32, #tpu.memory_space<vmem>>) attributes {dimension_semantics = [#tpu.dimension_semantics<arbitrary>], iteration_bounds = array<i64: 15>, scalar_prefetch = 0 : i64, scratch_operands = 0 : i64, tpu.core_type = #tpu.core_type<tc>, window_params = [{transform_indices = @transform_0, window_bounds = array<i64: 4096, 128>}, {pipeline_mode = #tpu.pipeline_mode<synchronous>, transform_indices = @transform_1, window_bounds = array<i64: 64, 131>}, {transform_indices = @transform_2, window_bounds = array<i64: 4096>}]} {
    %add3A = arith.constant 0 : i32
    %add3A_0 = arith.addi %add3A, %arg0 : i32
    %get3A = arith.constant 0 : index
    %get3A_1 = arith.constant 0 : index
    %get3A_2 = vector.load %arg1[%get3A, %get3A_1] : memref<4096x128xf32, #tpu.memory_space<vmem>>, vector<4096x128xf32>
    %get3A_3 = arith.constant 0 : index
    %get3A_4 = arith.constant 0 : index
    %get3A_5 = vector.load %arg2[%get3A_3, %get3A_4] : memref<64x131xf32, #tpu.memory_space<vmem>>, vector<64x128xf32>
    %get3A_6 = arith.constant 0 : index
    %get3A_7 = arith.constant 128 : index
    %get3A_8 = vector.load %arg2[%get3A_6, %get3A_7] : memref<64x131xf32, #tpu.memory_space<vmem>>, vector<64x1xf32>
    %get3A_9 = arith.constant 0 : index
    %get3A_10 = arith.constant 129 : index
    %get3A_11 = vector.load %arg2[%get3A_9, %get3A_10] : memref<64x131xf32, #tpu.memory_space<vmem>>, vector<64x1xf32>
    %get3A_12 = arith.constant 0 : index
    %get3A_13 = arith.constant 130 : index
    %get3A_14 = vector.load %arg2[%get3A_12, %get3A_13] : memref<64x131xf32, #tpu.memory_space<vmem>>, vector<1x1xf32>
    %get3A_15 = vector.extract %get3A_14[0, 0] : f32 from vector<1x1xf32>
    %dot_general3A = arith.constant dense<0.000000e+00> : vector<64x4096xf32>
    %dot_general3A_16 = tpu.matmul %get3A_5, %get3A_2, %dot_general3A {dimension_numbers = #tpu.dot_dimension_numbers<[1], [1], [0], [0], [0, 0, 1, 0], [], []>, transpose_lhs_hint = false} : vector<64x128xf32>, vector<4096x128xf32>, vector<64x4096xf32> -> vector<64x4096xf32>
    %add3A_17 = vector.broadcast %get3A_8 : vector<64x1xf32> to vector<64x4096xf32>
    %add3A_18 = arith.addf %dot_general3A_16, %add3A_17 : vector<64x4096xf32>
    %logistic3A = arith.negf %add3A_18 : vector<64x4096xf32>
    %logistic3A_19 = math.exp %logistic3A : vector<64x4096xf32>
    %logistic3A_20 = arith.constant 1.000000e+00 : f32
    %logistic3A_21 = vector.broadcast %logistic3A_20 : f32 to vector<64x4096xf32>
    %logistic3A_22 = arith.addf %logistic3A_21, %logistic3A_19 : vector<64x4096xf32>
    %logistic3A_23 = arith.divf %logistic3A_21, %logistic3A_22 : vector<64x4096xf32>
    %mul3A = arith.mulf %add3A_18, %logistic3A_23 : vector<64x4096xf32>
    %dot_general3A_24 = arith.constant dense<0.000000e+00> : vector<1x4096xf32>
    %dot_general3A_25 = tpu.matmul %get3A_11, %mul3A, %dot_general3A_24 {dimension_numbers = #tpu.dot_dimension_numbers<[0], [0], [1], [1], [0, 1, 1, 1], [], []>, transpose_lhs_hint = false} : vector<64x1xf32>, vector<64x4096xf32>, vector<1x4096xf32> -> vector<1x4096xf32>
    %add3A_26 = vector.broadcast %get3A_15 : f32 to vector<1x4096xf32>
    %add3A_27 = arith.addf %dot_general3A_25, %add3A_26 : vector<1x4096xf32>
    %mul3A_28 = arith.constant 4096 : i32
    %mul3A_29 = arith.muli %add3A_0, %mul3A_28 : i32
    %iota3A = tpu.iota {dimensions = array<i32: 1>} : vector<1x4096xi32>
    %add3A_30 = vector.broadcast %mul3A_29 : i32 to vector<1x4096xi32>
    %add3A_31 = arith.addi %add3A_30, %iota3A : vector<1x4096xi32>
    %lt3A = arith.constant 100000 : i32
    %lt3A_32 = vector.broadcast %lt3A : i32 to vector<1x4096xi32>
    %lt3A_33 = arith.cmpi slt, %add3A_31, %lt3A_32 : vector<1x4096xi32>
    %jit3A = arith.constant 0.000000e+00 : f32
    %broadcast_in_dim3A = vector.broadcast %jit3A : f32 to vector<1x4096xf32>
    %select_n3A = arith.select %lt3A_33, %add3A_27, %broadcast_in_dim3A : vector<1x4096xi1>, vector<1x4096xf32>
    %reshape3A = vector.shape_cast %select_n3A : vector<1x4096xf32> to vector<4096xf32>
    %swap3A = arith.constant 0 : index
    %swap3A_34 = vector.load %arg3[%swap3A] : memref<4096xf32, #tpu.memory_space<vmem>>, vector<4096xf32>
    tpu.vector_store %arg3[%swap3A], %reshape3A {strides = array<i32>} : memref<4096xf32, #tpu.memory_space<vmem>>, vector<4096xf32>,
    return
  }
  func.func @transform_0(%arg0: i32) -> (i32, i32) {
    %add3A = arith.constant 0 : i32
    %add3A_0 = arith.addi %arg0, %add3A : i32
    %c0_i32 = arith.constant 0 : i32
    %c0_i32_1 = arith.constant 0 : i32
    return %add3A_0, %c0_i32 : i32, i32
  }
  func.func @transform_1(%arg0: i32) -> (i32, i32) {
    %c0_i32 = arith.constant 0 : i32
    %c0_i32_0 = arith.constant 0 : i32
    %c0_i32_1 = arith.constant 0 : i32
    return %c0_i32, %c0_i32_0 : i32, i32
  }
  func.func @transform_2(%arg0: i32) -> i32 {
    %c0_i32 = arith.constant 0 : i32
    return %arg0 : i32
  }
}

module attributes {stable_mosaic.version = 14 : i64} {
  func.func @_mlp_body(%arg0: i32, %arg1: memref<4096x128xf32, #tpu.memory_space<vmem>>, %arg2: memref<64x131xf32, #tpu.memory_space<vmem>>, %arg3: memref<4096xf32, #tpu.memory_space<vmem>>) attributes {dimension_semantics = [#tpu.dimension_semantics<arbitrary>], iteration_bounds = array<i64: 10>, scalar_prefetch = 0 : i64, scratch_operands = 0 : i64, tpu.core_type = #tpu.core_type<tc>, window_params = [{transform_indices = @transform_0, window_bounds = array<i64: 4096, 128>}, {pipeline_mode = #tpu.pipeline_mode<synchronous>, transform_indices = @transform_1, window_bounds = array<i64: 64, 131>}, {transform_indices = @transform_2, window_bounds = array<i64: 4096>}]} {
    %add3A = arith.constant 15 : i32
    %add3A_0 = arith.addi %add3A, %arg0 : i32
    %get3A = arith.constant 0 : index
    %get3A_1 = arith.constant 0 : index
    %get3A_2 = vector.load %arg1[%get3A, %get3A_1] : memref<4096x128xf32, #tpu.memory_space<vmem>>, vector<4096x128xf32>
    %get3A_3 = arith.constant 0 : index
    %get3A_4 = arith.constant 0 : index
    %get3A_5 = vector.load %arg2[%get3A_3, %get3A_4] : memref<64x131xf32, #tpu.memory_space<vmem>>, vector<64x128xf32>
    %get3A_6 = arith.constant 0 : index
    %get3A_7 = arith.constant 128 : index
    %get3A_8 = vector.load %arg2[%get3A_6, %get3A_7] : memref<64x131xf32, #tpu.memory_space<vmem>>, vector<64x1xf32>
    %get3A_9 = arith.constant 0 : index
    %get3A_10 = arith.constant 129 : index
    %get3A_11 = vector.load %arg2[%get3A_9, %get3A_10] : memref<64x131xf32, #tpu.memory_space<vmem>>, vector<64x1xf32>
    %get3A_12 = arith.constant 0 : index
    %get3A_13 = arith.constant 130 : index
    %get3A_14 = vector.load %arg2[%get3A_12, %get3A_13] : memref<64x131xf32, #tpu.memory_space<vmem>>, vector<1x1xf32>
    %get3A_15 = vector.extract %get3A_14[0, 0] : f32 from vector<1x1xf32>
    %dot_general3A = arith.constant dense<0.000000e+00> : vector<64x4096xf32>
    %dot_general3A_16 = tpu.matmul %get3A_5, %get3A_2, %dot_general3A {dimension_numbers = #tpu.dot_dimension_numbers<[1], [1], [0], [0], [0, 0, 1, 0], [], []>, transpose_lhs_hint = false} : vector<64x128xf32>, vector<4096x128xf32>, vector<64x4096xf32> -> vector<64x4096xf32>
    %add3A_17 = vector.broadcast %get3A_8 : vector<64x1xf32> to vector<64x4096xf32>
    %add3A_18 = arith.addf %dot_general3A_16, %add3A_17 : vector<64x4096xf32>
    %logistic3A = arith.negf %add3A_18 : vector<64x4096xf32>
    %logistic3A_19 = math.exp %logistic3A : vector<64x4096xf32>
    %logistic3A_20 = arith.constant 1.000000e+00 : f32
    %logistic3A_21 = vector.broadcast %logistic3A_20 : f32 to vector<64x4096xf32>
    %logistic3A_22 = arith.addf %logistic3A_21, %logistic3A_19 : vector<64x4096xf32>
    %logistic3A_23 = arith.divf %logistic3A_21, %logistic3A_22 : vector<64x4096xf32>
    %mul3A = arith.mulf %add3A_18, %logistic3A_23 : vector<64x4096xf32>
    %dot_general3A_24 = arith.constant dense<0.000000e+00> : vector<1x4096xf32>
    %dot_general3A_25 = tpu.matmul %get3A_11, %mul3A, %dot_general3A_24 {dimension_numbers = #tpu.dot_dimension_numbers<[0], [0], [1], [1], [0, 1, 1, 1], [], []>, transpose_lhs_hint = false} : vector<64x1xf32>, vector<64x4096xf32>, vector<1x4096xf32> -> vector<1x4096xf32>
    %add3A_26 = vector.broadcast %get3A_15 : f32 to vector<1x4096xf32>
    %add3A_27 = arith.addf %dot_general3A_25, %add3A_26 : vector<1x4096xf32>
    %mul3A_28 = arith.constant 4096 : i32
    %mul3A_29 = arith.muli %add3A_0, %mul3A_28 : i32
    %iota3A = tpu.iota {dimensions = array<i32: 1>} : vector<1x4096xi32>
    %add3A_30 = vector.broadcast %mul3A_29 : i32 to vector<1x4096xi32>
    %add3A_31 = arith.addi %add3A_30, %iota3A : vector<1x4096xi32>
    %lt3A = arith.constant 100000 : i32
    %lt3A_32 = vector.broadcast %lt3A : i32 to vector<1x4096xi32>
    %lt3A_33 = arith.cmpi slt, %add3A_31, %lt3A_32 : vector<1x4096xi32>
    %jit3A = arith.constant 0.000000e+00 : f32
    %broadcast_in_dim3A = vector.broadcast %jit3A : f32 to vector<1x4096xf32>
    %select_n3A = arith.select %lt3A_33, %add3A_27, %broadcast_in_dim3A : vector<1x4096xi1>, vector<1x4096xf32>
    %reshape3A = vector.shape_cast %select_n3A : vector<1x4096xf32> to vector<4096xf32>
    %swap3A = arith.constant 0 : index
    %swap3A_34 = vector.load %arg3[%swap3A] : memref<4096xf32, #tpu.memory_space<vmem>>, vector<4096xf32>
    tpu.vector_store %arg3[%swap3A], %reshape3A {strides = array<i32>} : memref<4096xf32, #tpu.memory_space<vmem>>, vector<4096xf32>,
    return
  }
  func.func @transform_0(%arg0: i32) -> (i32, i32) {
    %add3A = arith.constant 15 : i32
    %add3A_0 = arith.addi %arg0, %add3A : i32
    %c0_i32 = arith.constant 0 : i32
    %c0_i32_1 = arith.constant 0 : i32
    return %add3A_0, %c0_i32 : i32, i32
  }
  func.func @transform_1(%arg0: i32) -> (i32, i32) {
    %c0_i32 = arith.constant 0 : i32
    %c0_i32_0 = arith.constant 0 : i32
    %c0_i32_1 = arith.constant 0 : i32
    return %c0_i32, %c0_i32_0 : i32, i32
  }
  func.func @transform_2(%arg0: i32) -> i32 {
    %c0_i32 = arith.constant 0 : i32
    return %arg0 : i32
  }
}

</mosaic_0001>

<sc_bundles>
// kernel: kernel.6.cloned.1.call-start
scs
__scs_entry_jumppad:
0x0: {  	(pc) =	sbr.rel $0x88, $3  }
0x1: {  	(tag) =	ssettag $0x0;
	lr =	simm.s32 $0x1  }
0x2: {  	[smem:$0x3F9B] =	sst lr;
	_ =	strace $0xD0000000  }
0x3: {  	_ = 	snop  }
0x4: {  	_ = 	snop  }
0x5: {  	_ = 	snop  }
0x6: {  	_ = 	snop  }
0x7: {  	_ = 	snop  }
__scs_overlays_trampoline_lowered:
0x8: {  	[smem:$0x3FAA] =	sst s0  }
0x9: {  	[smem:$0x3FAB] =	sst s1  }
0xa: {  	[smem:$0x3FAC] =	sst s2  }
0xb: {  	[smem:$0x3FAD] =	sst s3  }
0xc: {  	[smem:$0x3FAE] =	sst s4  }
0xd: {  	[smem:$0x3FAF] =	sst s5  }
0xe: {  	[smem:$0x3FB0] =	sst s6  }
0xf: {  	[smem:$0x3FB1] =	sst s7  }
0x10: {  	[smem:$0x3FB2] =	sst s8  }
0x11: {  	[smem:$0x3FB3] =	sst s9;
	s0 =	simm.s32 @!p0 $0x0  }
0x12: {  	s1 =	sld [smem:$0x3F99];
	s0 =	simm.s32 @p0 $0x1  }
0x13: {  	[smem:$0x3FB4] =	sst s0;
	s0 =	simm.s32 @!p1 $0x0  }
0x14: {  	s2 =	sld [smem:$0x3F98];
	s0 =	simm.s32 @p1 $0x1  }
0x15: {  	[smem:$0x3FB5] =	sst s0;
	s0 =	simm.s32 @!p2 $0x0  }
0x16: {  	s3 =	sld [smem:$0x3FDB];
	s0 =	simm.s32 @p2 $0x1  }
0x17: {  	s4 =	simm.s32 $0x1BF5;
	[smem:$0x3FB7] =	sst s0  }
0x18: {  	s0 =	sld [smem:$0x3F9A];
	_ =	swait.ge [sflag:s4], $0x0  }
0x19: {  	s7 =	sld [smem:$0x3F9B]  }
0x1a: {  	s8 =	sadd.s32 $0xFFFFE003, lr  }
0x1b: {  	s9 =	sadd.s32 $0xFFFFFEF7, lr;
	s5 =	simm.s32 $0xFFFFFFFF;
	p2 =	slt.u32 s8, $0xFFFFF086  }
0x1c: {  	p1 =	slt.u32 s9, $0xF7A;
	s5 =	simm.s32 @!p2 $0x0  }
0x1d: {  	s5 =	simm.s32 @p1 $0x1;
	p0 =	seq.s32 s7, s2  }
0x1e: {  	s7 =	smul.u32 @!p0 $0xF7A, s2;
	p2 =	seq.s32 @!p0 s5, $0x0  }
0x1f: {  	s9 =	smul.u32 $0xF7A, s1;
	s8 =	simm.s32 @!p0 $0x1BF5;
	p2 =	por !p2, p0  }
0x20: {  	[sflag:s8] =	ssyncset.s32 @!p0 $0xFFFFF086;
	s6 =	sadd.s32 @!p0 s3, s7;
	s7 =	simm.s32 @!p0 $0x108  }
0x21: {  	s3 =	sadd.s32 s3, s9;
	s6 =	sadd.s32 @!p0 $0x88, s6;
	s7 =	simm.s32 @p2 $0x1082  }
0x22: {  	[simem:s7], [sflag:s8] =	dma.local @!p0 [hbm:s6], $0xF7A  }
0x23: {  	s9 =	sor.u32 $0xD0000000, s2;
	s6 =	simm.s32 $0x108;
	_ =	swait.ge @!p0 [sflag:s8], $0x0  }
0x24: {  	s3 =	sadd.s32 $0x88, s3;
	s6 =	simm.s32 @!p1 $0x1082;
	[sflag:s4] =	ssyncset.s32 $0xFFFFF086  }
0x25: {  	[simem:s6], [sflag:s4] =	dma.local [hbm:s3], $0xF7A  }
0x26: {  	[smem:$0x3F9B] =	sst s1;
	(tag) =	ssettag s2;
	_ =	strace s9  }
0x27: {  	s1 =	sld [smem:$0x3FAB]  }
0x28: {  	s2 =	sld [smem:$0x3FAC]  }
0x29: {  	s4 =	sld [smem:$0x3FAE]  }
0x2a: {  	p0 =	seq.s32 s5, $0x0;
	s5 =	sld [smem:$0x3FAF]  }
0x2b: {  	s6 =	sld [smem:$0x3FB0]  }
0x2c: {  	s7 =	sld [smem:$0x3FB1]  }
0x2d: {  	s3 =	simm.s32 $0x108;
	s8 =	sld [smem:$0x3FB2]  }
0x2e: {  	s3 =	simm.s32 @!p0 $0x1082;
	s9 =	sld [smem:$0x3FB3]  }
0x2f: {  	lr =	sadd.s32 s0, s3;
	s0 =	sld [smem:$0x3FAA]  }
0x30: {  	s3 =	sld [smem:$0x3FAD]  }
0x31: {  	[smem:$0x3FB6] =	sst s10  }
0x32: {  	s10 =	sld [smem:$0x3FB4];
	_ =	sdelay $0x3  }
0x33: {  	p0 =	seq.s32 s10, $0x1;
	s10 =	sld [smem:$0x3FB6];
	_ =	sdelay $0x3  }
0x34: {  	[smem:$0x3FB6] =	sst s10  }
0x35: {  	s10 =	sld [smem:$0x3FB5];
	_ =	sdelay $0x3  }
0x36: {  	p1 =	seq.s32 s10, $0x1;
	s10 =	sld [smem:$0x3FB6];
	_ =	sdelay $0x3  }
0x37: {  	[smem:$0x3FB6] =	sst s10  }
0x38: {  	s10 =	sld [smem:$0x3FB7]  }
0x39: {  	_ = 	snop;
	(pc) =	sbr.ind lr, $3  }
0x3a: {  	_ = 	snop  }
0x3b: {  	_ = 	snop  }
0x3c: {  	p2 =	seq.s32 s10, $0x1;
	s10 =	sld [smem:$0x3FB6]  }
0x3d: {  	_ =	shalt  }
0x3e: {  	_ =	shalt  }
0x3f: {  	_ =	shalt  }
0x40: {  	_ =	shalt  }
0x41: {  	_ =	shalt  }
0x42: {  	_ =	shalt  }
0x43: {  	_ =	shalt  }
0x44: {  	_ =	shalt  }
0x45: {  	_ =	shalt  }
0x46: {  	_ =	shalt  }
0x47: {  	_ =	shalt  }
0x48: {  	_ =	shalt  }
0x49: {  	_ =	shalt  }
0x4a: {  	_ =	shalt  }
0x4b: {  	_ =	shalt  }
0x4c: {  	_ =	shalt  }
0x4d: {  	_ =	shalt  }
0x4e: {  	_ =	shalt  }
0x4f: {  	_ =	shalt  }
0x50: {  	_ =	shalt  }
0x51: {  	_ =	shalt  }
0x52: {  	_ =	shalt  }
0x53: {  	_ =	shalt  }
0x54: {  	_ =	shalt  }
0x55: {  	_ =	shalt  }
0x56: {  	_ =	shalt  }
0x57: {  	_ =	shalt  }
0x58: {  	_ =	shalt  }
0x59: {  	_ =	shalt  }
0x5a: {  	_ =	shalt  }
0x5b: {  	_ =	shalt  }
0x5c: {  	_ =	shalt  }
0x5d: {  	_ =	shalt  }
0x5e: {  	_ =	shalt  }
0x5f: {  	_ =	shalt  }
0x60: {  	_ =	shalt  }
0x61: {  	_ =	shalt  }
0x62: {  	_ =	shalt  }
0x63: {  	_ =	shalt  }
0x64: {  	_ =	shalt  }
0x65: {  	_ =	shalt  }
0x66: {  	_ =	shalt  }
0x67: {  	_ =	shalt  }
0x68: {  	_ =	shalt  }
0x69: {  	_ =	shalt  }
0x6a: {  	_ =	shalt  }
0x6b: {  	_ =	shalt  }
0x6c: {  	_ =	shalt  }
0x6d: {  	_ =	shalt  }
0x6e: {  	_ =	shalt  }
0x6f: {  	_ =	shalt  }
0x70: {  	_ =	shalt  }
0x71: {  	_ =	shalt  }
0x72: {  	_ =	shalt  }
0x73: {  	_ =	shalt  }
0x74: {  	_ =	shalt  }
0x75: {  	_ =	shalt  }
0x76: {  	_ =	shalt  }
0x77: {  	_ =	shalt  }
0x78: {  	_ =	shalt  }
0x79: {  	_ =	shalt  }
0x7a: {  	_ =	shalt  }
0x7b: {  	_ =	shalt  }
0x7c: {  	_ =	shalt  }
0x7d: {  	_ =	shalt  }
0x7e: {  	_ =	shalt  }
0x7f: {  	_ =	shalt  }
0x80: {  	_ =	shalt  }
0x81: {  	_ =	shalt  }
0x82: {  	_ =	shalt  }
0x83: {  	_ =	shalt  }
0x84: {  	_ =	shalt  }
0x85: {  	_ =	shalt  }
0x86: {  	_ =	shalt  }
0x87: {  	_ =	shalt  }
.Lfunc_end0:
.L_simem_size_0:
called_computation_lowered:
.L_overlay_start_0:
0x88: {  	s0 =	sld [smem:$0x3FD9]  }
0x89: {  	s1 =	sld [smem:$0x3FFE];
	_ =	sdelay $0x3  }
0x8a: {  	s0 =	sadd.s32 s1, s0  }
0x8b: {  	[smem:$0x3FC2] =	sst s0  }
0x8c: {  	_ = 	snop  }
0x8d: {  	s0 =	sld [smem:$0x3FD0];
	_ =	sdelay $0x2  }
0x8e: {  	s2 =	simm.s32 $0xA;
	s3 =	simm.s32 $0x10;
	s13 =	sld [smem:$0x3FC8]  }
0x8f: {  	[smem:s3], [sflag:s2] =	dma.local [hbm:s0], $0x1  }
0x90: {  	_ =	swait.eq [sflag:s2], $0x1  }
0x91: {  	[sflag:s2] =	ssyncset.done $0x0  }
0x92: {  	s14 =	sld [smem:$0x10];
	[sflag:s2] =	ssyncadd.s32 $0xFFFFFFFF  }
0x93: {  	s15 =	sld [smem:$0x11];
	(tm) =	ssettm $0x1  }
0x94: {  	s16 =	sld [smem:$0x3FFB];
	_ =	sdelay $0x3  }
0x95: {  	_ =	strace s16  }
0x96: {  	s3 =	sld [smem:$0x3FFC];
	_ =	sdelay $0x3  }
0x97: {  	_ =	strace s3  }
0x98: {  	s3 =	sld [smem:$0x3FFD];
	_ =	sdelay $0x3  }
0x99: {  	_ =	strace s3  }
0x9a: {  	_ =	strace $0x8FFFFFFF  }
0x9b: {  	s17 =	sld [smem:$0x3FDB];
	_ =	sdelay $0x1  }
0x9c: {  	s4 =	simm.s32 $_scs_section_size  }
0x9d: {  	s5 =	simm.s32 $_size__tile_overlayer_lowered;
	s6 =	simm.s32 $_tile_overlayer_lowered  }
0x9e: {  	s20 =	simm.s32 $0x1BFF;
	s19 =	sshll.u32 s6, $0x1;
	s3 =	sadd.s32 s4, s17  }
0x9f: {  	s7 =	simm.s32 $0x0;
	s18 =	sshll.u32 s5, $0x1;
	s5 =	sadd.s32 s19, s3  }
0xa0: {  	[timem:s7], [sflag:s20] =	dma.local [hbm:s5], s18  }
0xa1: {  	_ =	swait.ge [sflag:s20], s18  }
0xa2: {  	s4 =	ssub.s32 $0x0, s18;
	[sflag:s20] =	ssyncset.done $0x0  }
0xa3: {  	[sflag:s20] =	ssyncadd.s32 s4;
	_ =	sdelay $0x1  }
0xa4: {  	s21 =	simm.s32 $0x1B8B  }
0xa5: {  	_ =	swait.ge [sflag:s21], $0x1  }
0xa6: {  	[sflag:s21] =	ssyncset.done $0x0  }
0xa7: {  	s23 =	simm.s32 $0x1B8E;
	s22 =	sld [smem:$0x3FFE];
	[sflag:s21] =	ssyncadd.s32 $0xFFFFFFFF  }
0xa8: {  	s24 =	simm.s32 $execute0_lowered;
	[smem:$0x3FD2] =	sst s23  }
0xa9: {  	s5 =	sshll.u32 s24, $0x1;
	_ =	strace $0x80000046;
	[dreg:$0x1] =	wrdreg $0xFFFFFFFF  }
0xaa: {  	s25 =	simm.s32 $_size_execute0_lowered;
	s3 =	sadd.s32 s3, s5;
	[dreg:$0x0] =	wrdreg $0x0  }
0xab: {  	s5 =	sshll.u32 s25, $0x1;
	[dreg:$0x2] =	wrdreg s3  }
0xac: {  	[dreg:$0x3] =	wrdreg s5  }
0xad: {  	[dreg:$0x4] =	wrdreg $0xC0  }
0xae: {  	_ =	task [dreg:s7], $0x5FFFF  }
0xaf: {  	[dreg:$0x1] =	wrdreg $0xFFFFFFFF  }
0xb0: {  	[dreg:$0x0] =	wrdreg $0x60  }
0xb1: {  	[dreg:$0x2] =	wrdreg s15  }
0xb2: {  	[dreg:$0x3] =	wrdreg s13  }
0xb3: {  	[dreg:$0x4] =	wrdreg s14  }
0xb4: {  	[dreg:$0x5] =	wrdreg s22  }
0xb5: {  	[dreg:$0x6] =	wrdreg $0x49000  }
0xb6: {  	[dreg:$0x7] =	wrdreg $0x9  }
0xb7: {  	_ =	task.clear_ibuf [dreg:s7], $0x8FFFF;
	_ =	strace $0x90000046  }
0xb8: {  	s26 =	simm.s32 $0x9;
	_ =	strace $0x80000048  }
0xb9: {  	_ =	swait.ge [sflag:s26], $0x1  }
0xba: {  	[sflag:s26] =	ssyncadd.s32 $0xFFFFFFFF  }
0xbb: {  	_ =	strace $0x90000048  }
0xbc: {  	_ =	sfence  }
0xbd: {  	s28 =	sld [smem:$0x0];
	_ =	sdelay $0x1  }
0xbe: {  	s29 =	srdreg.scid  }
0xbf: {  	s30 =	sshll.u32 s29, $0xD;
	s31 =	sshrl.u32 s29, $0x2  }
0xc0: {  	s1 =	sand.u32 $0x1, s29;
	s2 =	sand.u32 $0x4000, s30;
	s0 =	sadd.s32 s31, s28  }
0xc1: {  	s1 =	sor.u32 s2, s1;
	s0 =	sshll.u32 s0, $0x11  }
0xc2: {  	s0 =	sor.u32 s0, s1  }
0xc3: {  	s0 =	sadd.s32 $0x8F2B, s0  }
0xc4: {  	[sflag:s0] =	ssyncadd.remote.s32 $0x1  }
0xc5: {  	_ =	sfence.sel $0xFFFF  }
0xc6: {  	[dreg:$0x0] =	wrdreg $0xFFFFFFFF;
	(pc) =	sbr.abs _section_cstart, $3  }
0xc7: {  	[dreg:$0x1] =	wrdreg $0xFFFFFFFF  }
0xc8: {  	_ =	task.clear_ibuf [dreg:s7], $0x2FFFF;
	_ =	strace $0x9FFFFFFF  }
0xc9: {  	(tm) =	ssettm $0x7FFFFFFF  }
tec
execute0_lowered:
.L_overlay_start_1:
0x0: {  	(tag) =	ssettag $0x1  }
0x1: {  	s2 =	rddreg [dreg:$0x0]  }
0x2: {  	s3 =	rddreg [dreg:$0x1]  }
0x3: {  	s5 =	rddreg [dreg:$0x2]  }
0x4: {  	s6 =	rddreg [dreg:$0x3];
	s1 =	stileid.u32  }
0x5: {  	s4 =	rddreg [dreg:$0x4];
	s7 =	simm.s32 $0x0;
	s8 =	smul.u32 $0x1E0, s1  }
0x6: {  	[smem:$0x7FF] =	sst s7  }
0x7: {  	s0 =	rddreg [dreg:$0x5];
	_ =	strace $0x80000047;
	s2 =	sadd.s32 s2, s8  }
0x8: {  	[tilespmem:s7], [sflag:$0x1] =	stream.linear.gather [hbm4b:s2+s7], $0xF00, $0x38;
	[tilespmem:$0x4B00] =	vst v63  }
0x9: {  	s29 =	simm.s32 $0xF00;
	s2 =	sshll.u32 s1, $0x2  }
0xa: {  	s31 =	simm.s32 $0x4880;
	s3 =	sadd.s32 s3, s8;
	s30 =	sadd.s32 s5, s2  }
0xb: {  	[tilespmem:s29], [sflag:$0x2] =	stream.linear.gather [hbm4b:s3+s7], $0xF00, $0x38;
	[tilespmem:$0x4B00] =	vst v63  }
0xc: {  	s5 =	simm.s32 $0x0;
	s3 =	sadd.s32 $0xE00, s6;
	s6 =	simm.s32 $0x100  }
0xd: {  	v0 =	vimm.f32 $0.0e+00;
	[tilespmem:s31], [sflag:$0x2] =	stream.linear.gather [hbm4b:s30+s7], $0x20, $0x38;
	[tilespmem:$0x4B00] =	vst v63  }
.LBB2_1:
0xe: {  	p0 =	sne.s32 s6, $0x7F00;
	[tilespmem:s5+$0x1E30] =	vst v0;
	s7 =	smov.u32 s6;
	s6 =	sadd.s32 $0x100, s6  }
.Ltmp0:
0xf: {  	[tilespmem:s5+$0x1E20] =	vst v0;
	(pc) =	sbr.rel @p0 .LBB2_1-.Ltmp0, $3  }
0x10: {  	[tilespmem:s5+$0x1E00] =	vst v0  }
0x11: {  	[tilespmem:s5+$0x1E10] =	vst v0;
	_ =	sdelay $0x1  }
0x12: {  	s5 =	sshra.s32 s7, $0x2  }
0x13: {  	[tilespmem:s5+$0x1E30] =	vst v0  }
0x14: {  	[tilespmem:s5+$0x1E20] =	vst v0  }
0x15: {  	[tilespmem:s5+$0x1E00] =	vst v0  }
0x16: {  	[tilespmem:s5+$0x1E10] =	vst v0;
	s30 =	simm.s32 $0x1  }
0x17: {  	_ =	swait.ge [sflag:s30], $0xF00  }
0x18: {  	[sflag:s30] =	ssyncset.done $0x0  }
0x19: {  	s31 =	simm.s32 $0x2;
	[sflag:s30] =	ssyncadd.s32 $0xFFFFF100  }
0x1a: {  	_ =	swait.ge [sflag:s31], $0xF00  }
0x1b: {  	[sflag:s31] =	ssyncset.done $0x0  }
0x1c: {  	[sflag:s31] =	ssyncadd.s32 $0xFFFFF100  }
0x1d: {  	_ =	swait.ge [sflag:s31], $0x20  }
0x1e: {  	v0 =	vlaneseq.u32;
	s5 =	simm.s32 $0x0;
	[sflag:s31] =	ssyncset.done $0x0  }
0x1f: {  	s6 =	simm.s32 $0x0;
	s7 =	simm.s32 $0x1E00;
	v0 =	vmul.u32 $0x200, v0;
	[sflag:s31] =	ssyncadd.s32 $0xFFFFFFE0  }
.LBB2_3:
0x20: {  	s8 =	sshra.s32 s6, $0x2  }
0x21: {  	v1 =	vld [tilespmem:s8+$0xF00];
	_ =	sdelay $0x4  }
0x22: {  	v2 =	vld [tilespmem:s8+$0x0];
	v1 =	vadd.s32 v0, v1;
	_ =	sdelay $0x4  }
0x23: {  	[tilespmem:v1+s7+$0x0] =	vst.idx.add.f32.msk $0xffff, v2  }
0x24: {  	v1 =	vld [tilespmem:s8+$0xF10];
	_ =	sdelay $0x4  }
0x25: {  	p0 =	sne.s32 s6, $0x3B80;
	v2 =	vld [tilespmem:s8+$0x10];
	v1 =	vadd.s32 v0, v1  }
.Ltmp1:
0x26: {  	_ = 	snop;
	(pc) =	sbr.rel @p0 .LBB2_3-.Ltmp1, $2  }
0x27: {  	_ =	sdelay $0x2  }
0x28: {  	s6 =	sadd.s32 $0x80, s6;
	[tilespmem:v1+s7+$0x0] =	vst.idx.add.f32.msk $0xffff, v2  }
0x29: {  	v0 =	vld [tilespmem:s7+$0x0]  }
0x2a: {  	s5 =	sand.u32 $0x1F0, s5  }
0x2b: {  	v1 =	vld [tilespmem:s5+$0x2000];
	_ =	sdelay $0x1  }
0x2c: {  	v2 =	vld [tilespmem:s5+$0x2200]  }
0x2d: {  	v0 =	vadd.f32 $0.0e+00, v0  }
0x2e: {  	v3 =	vld [tilespmem:s5+$0x2400]  }
0x2f: {  	v0 =	vadd.f32 v1, v0  }
0x30: {  	v1 =	vld [tilespmem:s5+$0x2600]  }
0x31: {  	v0 =	vadd.f32 v2, v0  }
0x32: {  	v2 =	vld [tilespmem:s5+$0x2800]  }
0x33: {  	v0 =	vadd.f32 v3, v0  }
0x34: {  	v3 =	vld [tilespmem:s5+$0x2A00]  }
0x35: {  	v0 =	vadd.f32 v1, v0  }
0x36: {  	v1 =	vld [tilespmem:s5+$0x2C00]  }
0x37: {  	v0 =	vadd.f32 v2, v0  }
0x38: {  	v2 =	vld [tilespmem:s5+$0x2E00]  }
0x39: {  	v0 =	vadd.f32 v3, v0  }
0x3a: {  	v3 =	vld [tilespmem:s5+$0x3000]  }
0x3b: {  	v0 =	vadd.f32 v1, v0  }
0x3c: {  	v1 =	vld [tilespmem:s5+$0x3200]  }
0x3d: {  	v0 =	vadd.f32 v2, v0  }
0x3e: {  	v2 =	vld [tilespmem:s5+$0x3400]  }
0x3f: {  	v0 =	vadd.f32 v3, v0  }
0x40: {  	v3 =	vld [tilespmem:s5+$0x3600]  }
0x41: {  	v0 =	vadd.f32 v1, v0  }
0x42: {  	v1 =	vld [tilespmem:s5+$0x3800]  }
0x43: {  	v0 =	vadd.f32 v2, v0  }
0x44: {  	v2 =	vld [tilespmem:s5+$0x3A00]  }
0x45: {  	v0 =	vadd.f32 v3, v0  }
0x46: {  	v3 =	vld [tilespmem:s5+$0x3C00]  }
0x47: {  	v0 =	vadd.f32 v1, v0;
	_ =	sdelay $0x1  }
0x48: {  	v0 =	vadd.f32 v2, v0;
	_ =	sdelay $0x1  }
0x49: {  	v0 =	vadd.f32 v3, v0  }
0x4a: {  	s5 =	simm.s32 $0x3E00  }
0x4b: {  	s6 =	simm.s32 $0x1E10;
	[tilespmem:s5+$0x0] =	vst v0  }
0x4c: {  	s7 =	simm.s32 $0x10;
	s8 =	simm.s32 $0x20;
	v0 =	vld [tilespmem:s6+$0x0]  }
.LBB2_5:
0x4d: {  	p0 =	sne.s32 s8, $0x1F0;
	s9 =	sand.u32 $0x1F0, s7;
	s7 =	smov.u32 s8  }
0x4e: {  	v1 =	vld [tilespmem:s9+$0x2000];
	_ =	sdelay $0x1  }
0x4f: {  	v2 =	vld [tilespmem:s9+$0x2200]  }
0x50: {  	v0 =	vadd.f32 $0.0e+00, v0  }
0x51: {  	v3 =	vld [tilespmem:s9+$0x2400]  }
0x52: {  	v0 =	vadd.f32 v1, v0  }
0x53: {  	v1 =	vld [tilespmem:s9+$0x2600]  }
0x54: {  	v0 =	vadd.f32 v2, v0  }
0x55: {  	v2 =	vld [tilespmem:s9+$0x2800]  }
0x56: {  	v0 =	vadd.f32 v3, v0  }
0x57: {  	v3 =	vld [tilespmem:s9+$0x2A00]  }
0x58: {  	v0 =	vadd.f32 v1, v0  }
0x59: {  	v1 =	vld [tilespmem:s9+$0x2C00]  }
0x5a: {  	v0 =	vadd.f32 v2, v0  }
0x5b: {  	v2 =	vld [tilespmem:s9+$0x2E00]  }
0x5c: {  	v0 =	vadd.f32 v3, v0  }
0x5d: {  	v3 =	vld [tilespmem:s9+$0x3000]  }
0x5e: {  	v0 =	vadd.f32 v1, v0  }
0x5f: {  	v1 =	vld [tilespmem:s9+$0x3200]  }
0x60: {  	v0 =	vadd.f32 v2, v0  }
0x61: {  	v2 =	vld [tilespmem:s9+$0x3400]  }
0x62: {  	v0 =	vadd.f32 v3, v0  }
0x63: {  	v3 =	vld [tilespmem:s9+$0x3600]  }
0x64: {  	v0 =	vadd.f32 v1, v0  }
0x65: {  	v1 =	vld [tilespmem:s9+$0x3800]  }
0x66: {  	v0 =	vadd.f32 v2, v0  }
0x67: {  	v2 =	vld [tilespmem:s9+$0x3A00]  }
0x68: {  	v0 =	vadd.f32 v3, v0  }
0x69: {  	v3 =	vld [tilespmem:s9+$0x3C00]  }
0x6a: {  	v0 =	vadd.f32 v1, v0;
	_ =	sdelay $0x1  }
0x6b: {  	v0 =	vadd.f32 v2, v0  }
.Ltmp2:
0x6c: {  	(pc) =	sbr.rel @p0 .LBB2_5-.Ltmp2, $4  }
0x6d: {  	v0 =	vadd.f32 v3, v0  }
0x6e: {  	s5 =	sadd.s32 $0x10, s5  }
0x6f: {  	s6 =	sadd.s32 $0x10, s6;
	[tilespmem:s5+$0x0] =	vst v0  }
0x70: {  	s8 =	sadd.s32 $0x10, s8;
	v0 =	vld [tilespmem:s6+$0x0]  }
0x71: {  	s6 =	sand.u32 $0x1F0, s7  }
0x72: {  	v1 =	vld [tilespmem:s6+$0x2000];
	_ =	sdelay $0x1  }
0x73: {  	v2 =	vld [tilespmem:s6+$0x2200]  }
0x74: {  	v0 =	vadd.f32 $0.0e+00, v0  }
0x75: {  	v3 =	vld [tilespmem:s6+$0x2400]  }
0x76: {  	v0 =	vadd.f32 v1, v0  }
0x77: {  	v21 =	vld [tilespmem:s6+$0x2600]  }
0x78: {  	v0 =	vadd.f32 v2, v0  }
0x79: {  	v22 =	vld [tilespmem:s6+$0x2800]  }
0x7a: {  	v0 =	vadd.f32 v3, v0  }
0x7b: {  	v23 =	vld [tilespmem:s6+$0x2A00]  }
0x7c: {  	v0 =	vadd.f32 v21, v0  }
0x7d: {  	v24 =	vld [tilespmem:s6+$0x2C00]  }
0x7e: {  	v0 =	vadd.f32 v22, v0  }
0x7f: {  	v25 =	vld [tilespmem:s6+$0x2E00]  }
0x80: {  	v0 =	vadd.f32 v23, v0  }
0x81: {  	v26 =	vld [tilespmem:s6+$0x3000]  }
0x82: {  	v0 =	vadd.f32 v24, v0  }
0x83: {  	v27 =	vld [tilespmem:s6+$0x3200]  }
0x84: {  	v0 =	vadd.f32 v25, v0  }
0x85: {  	v28 =	vld [tilespmem:s6+$0x3400]  }
0x86: {  	v0 =	vadd.f32 v26, v0  }
0x87: {  	v29 =	vld [tilespmem:s6+$0x3600]  }
0x88: {  	v0 =	vadd.f32 v27, v0  }
0x89: {  	v30 =	vld [tilespmem:s6+$0x3800]  }
0x8a: {  	v0 =	vadd.f32 v28, v0  }
0x8b: {  	v31 =	vld [tilespmem:s6+$0x3A00]  }
0x8c: {  	v0 =	vadd.f32 v29, v0  }
0x8d: {  	v32 =	vld [tilespmem:s6+$0x3C00]  }
0x8e: {  	v0 =	vadd.f32 v30, v0;
	_ =	sdelay $0x1  }
0x8f: {  	v0 =	vadd.f32 v31, v0  }
0x90: {  	s12 =	sshll.u32 s1, $0x9;
	s13 =	sshll.u32 s1, $0x7  }
0x91: {  	s5 =	sadd.s32 $0x10, s5;
	s14 =	simm.s32 $0x80;
	s6 =	sand.u32 $0x1000, s12;
	v0 =	vadd.f32 v32, v0  }
0x92: {  	s15 =	simm.s32 $0x400;
	s7 =	sand.u32 $0x380, s13;
	s6 =	sadd.s32 s6, s4  }
0x93: {  	s8 =	simm.s32 $0x3E00;
	s6 =	sadd.s32 s7, s6;
	[tilespmem:s5+$0x0] =	vst v0;
	s5 =	simm.s32 $0x3  }
0x94: {  	[spmem:s6] =	stream.strided.scatter [tilespmem:s8], [sflag:$0x3], $0x200, s15, s14, $0x38;
	[tilespmem:$0x4B00] =	vst v63  }
0x95: {  	s16 =	sshll.u32 s1, $0x8;
	_ =	swait.ge [sflag:s5], $0x200  }
0x96: {  	s17 =	sshll.u32 s1, $0x5;
	s18 =	sand.u32 $0xC00, s16;
	[sflag:s5] =	ssyncset.done $0x0  }
0x97: {  	s7 =	sand.u32 $0x60, s17;
	s8 =	sadd.s32 s18, s4;
	[sflag:s5] =	ssyncadd.s32 $0xFFFFFE00  }
0x98: {  	s9 =	simm.s32 $0x4000;
	s8 =	sadd.s32 s7, s8;
	[bflag:$0x0] =	sbarrier.arrive $0xFFFF  }
0x99: {  	[tilespmem:s9], [sflag:$0x1] =	stream.linear.gather [spmem:s8], $0x20, $0x38;
	[tilespmem:$0x4B00] =	vst v63  }
0x9a: {  	s10 =	simm.s32 $0x4080;
	s19 =	sadd.s32 $0x80, s8  }
0x9b: {  	[tilespmem:s10], [sflag:$0x1] =	stream.linear.gather [spmem:s19], $0x20, $0x38;
	[tilespmem:$0x4B00] =	vst v63  }
0x9c: {  	s21 =	simm.s32 $0x4100;
	s20 =	sadd.s32 $0x100, s8  }
0x9d: {  	[tilespmem:s21], [sflag:$0x1] =	stream.linear.gather [spmem:s20], $0x20, $0x38;
	[tilespmem:$0x4B00] =	vst v63  }
0x9e: {  	s23 =	simm.s32 $0x4180;
	s22 =	sadd.s32 $0x180, s8  }
0x9f: {  	[tilespmem:s23], [sflag:$0x1] =	stream.linear.gather [spmem:s22], $0x20, $0x38;
	[tilespmem:$0x4B00] =	vst v63  }
0xa0: {  	s25 =	simm.s32 $0x4200;
	s6 =	sor.u32 s16, s7;
	s24 =	sadd.s32 $0x200, s8  }
0xa1: {  	[tilespmem:s25], [sflag:$0x1] =	stream.linear.gather [spmem:s24], $0x20, $0x38;
	[tilespmem:$0x4B00] =	vst v63  }
0xa2: {  	s29 =	simm.s32 $0x4280;
	s28 =	sor.u32 $0x300, s6;
	s26 =	sadd.s32 $0x280, s8  }
0xa3: {  	[tilespmem:s29], [sflag:$0x1] =	stream.linear.gather [spmem:s26], $0x20, $0x38;
	[tilespmem:$0x4B00] =	vst v63  }
0xa4: {  	s31 =	simm.s32 $0x4300;
	s6 =	sor.u32 $0x380, s6;
	s30 =	sadd.s32 s28, s4  }
0xa5: {  	[tilespmem:s31], [sflag:$0x1] =	stream.linear.gather [spmem:s30], $0x20, $0x38;
	[tilespmem:$0x4B00] =	vst v63  }
0xa6: {  	s11 =	simm.s32 $0x4380;
	s10 =	sadd.s32 s6, s4  }
0xa7: {  	[tilespmem:s11], [sflag:$0x1] =	stream.linear.gather [spmem:s10], $0x20, $0x38;
	[tilespmem:$0x4B00] =	vst v63  }
0xa8: {  	s13 =	simm.s32 $0x4400;
	s12 =	sadd.s32 $0x1000, s8  }
0xa9: {  	[tilespmem:s13], [sflag:$0x1] =	stream.linear.gather [spmem:s12], $0x20, $0x38;
	[tilespmem:$0x4B00] =	vst v63  }
0xaa: {  	s15 =	simm.s32 $0x4480;
	s14 =	sadd.s32 $0x1080, s8  }
0xab: {  	[tilespmem:s15], [sflag:$0x1] =	stream.linear.gather [spmem:s14], $0x20, $0x38;
	[tilespmem:$0x4B00] =	vst v63  }
0xac: {  	s17 =	simm.s32 $0x4500;
	s16 =	sadd.s32 $0x1100, s8  }
0xad: {  	[tilespmem:s17], [sflag:$0x1] =	stream.linear.gather [spmem:s16], $0x20, $0x38;
	[tilespmem:$0x4B00] =	vst v63  }
0xae: {  	s18 =	sadd.s32 $0x1180, s8;
	s19 =	simm.s32 $0x4580  }
0xaf: {  	[tilespmem:s19], [sflag:$0x1] =	stream.linear.gather [spmem:s18], $0x20, $0x38;
	[tilespmem:$0x4B00] =	vst v63  }
0xb0: {  	s20 =	sadd.s32 $0x1200, s8;
	s21 =	simm.s32 $0x4600  }
0xb1: {  	[tilespmem:s21], [sflag:$0x1] =	stream.linear.gather [spmem:s20], $0x20, $0x38;
	[tilespmem:$0x4B00] =	vst v63  }
0xb2: {  	s22 =	sadd.s32 $0x1280, s8;
	s23 =	simm.s32 $0x4680  }
0xb3: {  	[tilespmem:s23], [sflag:$0x1] =	stream.linear.gather [spmem:s22], $0x20, $0x38;
	[tilespmem:$0x4B00] =	vst v63  }
0xb4: {  	s24 =	sadd.s32 $0x1300, s8;
	s25 =	simm.s32 $0x4700  }
0xb5: {  	[tilespmem:s25], [sflag:$0x1] =	stream.linear.gather [spmem:s24], $0x20, $0x38;
	[tilespmem:$0x4B00] =	vst v63  }
0xb6: {  	s28 =	simm.s32 $0x4780;
	s26 =	sadd.s32 $0x1380, s8;
	s29 =	simm.s32 $0x1  }
0xb7: {  	[tilespmem:s28], [sflag:$0x1] =	stream.linear.gather [spmem:s26], $0x20, $0x38;
	[tilespmem:$0x4B00] =	vst v63  }
0xb8: {  	_ =	swait.ge [sflag:s29], $0x20  }
0xb9: {  	[sflag:s29] =	ssyncset.done $0x0  }
0xba: {  	[sflag:s29] =	ssyncadd.s32 $0xFFFFFFE0  }
0xbb: {  	_ =	swait.ge [sflag:s29], $0x20  }
0xbc: {  	[sflag:s29] =	ssyncset.done $0x0  }
0xbd: {  	[sflag:s29] =	ssyncadd.s32 $0xFFFFFFE0  }
0xbe: {  	_ =	swait.ge [sflag:s29], $0x20  }
0xbf: {  	[sflag:s29] =	ssyncset.done $0x0  }
0xc0: {  	[sflag:s29] =	ssyncadd.s32 $0xFFFFFFE0  }
0xc1: {  	_ =	swait.ge [sflag:s29], $0x20  }
0xc2: {  	[sflag:s29] =	ssyncset.done $0x0  }
0xc3: {  	[sflag:s29] =	ssyncadd.s32 $0xFFFFFFE0  }
0xc4: {  	_ =	swait.ge [sflag:s29], $0x20  }
0xc5: {  	[sflag:s29] =	ssyncset.done $0x0  }
0xc6: {  	[sflag:s29] =	ssyncadd.s32 $0xFFFFFFE0  }
0xc7: {  	_ =	swait.ge [sflag:s29], $0x20  }
0xc8: {  	[sflag:s29] =	ssyncset.done $0x0  }
0xc9: {  	[sflag:s29] =	ssyncadd.s32 $0xFFFFFFE0  }
0xca: {  	_ =	swait.ge [sflag:s29], $0x20  }
0xcb: {  	[sflag:s29] =	ssyncset.done $0x0  }
0xcc: {  	[sflag:s29] =	ssyncadd.s32 $0xFFFFFFE0  }
0xcd: {  	_ =	swait.ge [sflag:s29], $0x20  }
0xce: {  	[sflag:s29] =	ssyncset.done $0x0  }
0xcf: {  	[sflag:s29] =	ssyncadd.s32 $0xFFFFFFE0  }
0xd0: {  	_ =	swait.ge [sflag:s29], $0x20  }
0xd1: {  	[sflag:s29] =	ssyncset.done $0x0  }
0xd2: {  	[sflag:s29] =	ssyncadd.s32 $0xFFFFFFE0  }
0xd3: {  	_ =	swait.ge [sflag:s29], $0x20  }
0xd4: {  	[sflag:s29] =	ssyncset.done $0x0  }
0xd5: {  	[sflag:s29] =	ssyncadd.s32 $0xFFFFFFE0  }
0xd6: {  	_ =	swait.ge [sflag:s29], $0x20  }
0xd7: {  	[sflag:s29] =	ssyncset.done $0x0  }
0xd8: {  	[sflag:s29] =	ssyncadd.s32 $0xFFFFFFE0  }
0xd9: {  	_ =	swait.ge [sflag:s29], $0x20  }
0xda: {  	[sflag:s29] =	ssyncset.done $0x0  }
0xdb: {  	[sflag:s29] =	ssyncadd.s32 $0xFFFFFFE0  }
0xdc: {  	_ =	swait.ge [sflag:s29], $0x20  }
0xdd: {  	[sflag:s29] =	ssyncset.done $0x0  }
0xde: {  	[sflag:s29] =	ssyncadd.s32 $0xFFFFFFE0  }
0xdf: {  	_ =	swait.ge [sflag:s29], $0x20  }
0xe0: {  	[sflag:s29] =	ssyncset.done $0x0  }
0xe1: {  	[sflag:s29] =	ssyncadd.s32 $0xFFFFFFE0  }
0xe2: {  	_ =	swait.ge [sflag:s29], $0x20  }
0xe3: {  	[sflag:s29] =	ssyncset.done $0x0  }
0xe4: {  	[sflag:s29] =	ssyncadd.s32 $0xFFFFFFE0  }
0xe5: {  	_ =	swait.ge [sflag:s29], $0x20  }
0xe6: {  	[sflag:s29] =	ssyncset.done $0x0  }
0xe7: {  	[sflag:s29] =	ssyncadd.s32 $0xFFFFFFE0  }
0xe8: {  	v33 =	vld [tilespmem:$0x4880]  }
0xe9: {  	v34 =	vld [tilespmem:$0x4000]  }
0xea: {  	v35 =	vld [tilespmem:$0x4890]  }
0xeb: {  	v36 =	vld [tilespmem:$0x4010]  }
0xec: {  	v4 =	vld [tilespmem:$0x4080]  }
0xed: {  	v5 =	vld [tilespmem:$0x4090]  }
0xee: {  	v6 =	vld [tilespmem:$0x4100]  }
0xef: {  	v37 =	vld [tilespmem:$0x4110];
	v0 =	vadd.f32 v34, v33  }
0xf0: {  	v38 =	vld [tilespmem:$0x4180];
	v2 =	vadd.f32 v36, v35  }
0xf1: {  	v39 =	vld [tilespmem:$0x4190];
	v0 =	vadd.f32 v4, v0  }
0xf2: {  	v40 =	vld [tilespmem:$0x4200];
	v2 =	vadd.f32 v5, v2  }
0xf3: {  	v41 =	vld [tilespmem:$0x4210];
	v0 =	vadd.f32 v6, v0  }
0xf4: {  	v42 =	vld [tilespmem:$0x4280];
	v1 =	vadd.f32 v37, v2  }
0xf5: {  	v43 =	vld [tilespmem:$0x4290];
	v0 =	vadd.f32 v38, v0  }
0xf6: {  	v44 =	vld [tilespmem:$0x4300];
	v1 =	vadd.f32 v39, v1  }
0xf7: {  	v45 =	vld [tilespmem:$0x4310];
	v0 =	vadd.f32 v40, v0  }
0xf8: {  	v46 =	vld [tilespmem:$0x4380];
	v1 =	vadd.f32 v41, v1  }
0xf9: {  	v47 =	vld [tilespmem:$0x4390];
	v0 =	vadd.f32 v42, v0  }
0xfa: {  	v48 =	vld [tilespmem:$0x4400];
	v1 =	vadd.f32 v43, v1  }
0xfb: {  	v49 =	vld [tilespmem:$0x4410];
	v0 =	vadd.f32 v44, v0  }
0xfc: {  	v50 =	vld [tilespmem:$0x4480];
	v1 =	vadd.f32 v45, v1  }
0xfd: {  	v51 =	vld [tilespmem:$0x4490];
	v0 =	vadd.f32 v46, v0  }
0xfe: {  	v52 =	vld [tilespmem:$0x4500];
	v1 =	vadd.f32 v47, v1  }
0xff: {  	v53 =	vld [tilespmem:$0x4510];
	v0 =	vadd.f32 v48, v0  }
0x100: {  	v54 =	vld [tilespmem:$0x4580];
	v1 =	vadd.f32 v49, v1  }
0x101: {  	v55 =	vld [tilespmem:$0x4590];
	v0 =	vadd.f32 v50, v0  }
0x102: {  	v56 =	vld [tilespmem:$0x4600];
	v1 =	vadd.f32 v51, v1  }
0x103: {  	v57 =	vld [tilespmem:$0x4610];
	v0 =	vadd.f32 v52, v0  }
0x104: {  	v58 =	vld [tilespmem:$0x4680];
	v1 =	vadd.f32 v53, v1  }
0x105: {  	v59 =	vld [tilespmem:$0x4690];
	v0 =	vadd.f32 v54, v0  }
0x106: {  	v60 =	vld [tilespmem:$0x4700];
	v1 =	vadd.f32 v55, v1  }
0x107: {  	v61 =	vld [tilespmem:$0x4710];
	v0 =	vadd.f32 v56, v0  }
0x108: {  	v62 =	vld [tilespmem:$0x4780];
	v1 =	vadd.f32 v57, v1  }
0x109: {  	v63 =	vld [tilespmem:$0x4790];
	v0 =	vadd.f32 v58, v0  }
0x10a: {  	v1 =	vadd.f32 v59, v1  }
0x10b: {  	v0 =	vadd.f32 v60, v0  }
0x10c: {  	v1 =	vadd.f32 v61, v1  }
0x10d: {  	v0 =	vadd.f32 v62, v0  }
0x10e: {  	v1 =	vadd.f32 v63, v1  }
0x10f: {  	[tilespmem:$0x4800] =	vst v0  }
0x110: {  	s2 =	sadd.s32 s3, s2;
	s30 =	simm.s32 $0x0;
	s31 =	simm.s32 $0x4800;
	[tilespmem:$0x4810] =	vst v1  }
0x111: {  	[hbm4b:s2+s30] =	stream.linear.scatter [tilespmem:s31], [sflag:$0x3], $0x20, $0x38;
	[tilespmem:$0x4B00] =	vst v63  }
0x112: {  	_ =	swait.ge [sflag:s5], $0x20  }
0x113: {  	[sflag:s5] =	ssyncset.done $0x0  }
0x114: {  	[sflag:s5] =	ssyncadd.s32 $0xFFFFFFE0  }
0x115: {  	_ =	sfence.sel $0x180000  }
0x116: {  	[bflag:$0x0] =	sbarrier.arrive $0xFFFF  }
0x117: {  	p0 =	sne.s32 s1, $0x0;
	_ =	strace $0x90000047  }
0x118: {  	s0 =	sadd.s32 @!p0 $0x100000, s0;
	[bflag:$0x2] =	sbarrier.arrive $0xFFFF  }
0x119: {  	[sflag:s0] =	ssyncadd.tile.s32 @!p0 $0x1;
	_ =	shalt  }
.Lfunc_end2:
_tile_overlayer_lowered:
.L_overlay_start_2:
0x11a: {  	(tag) =	ssettag $0x2  }
0x11b: {  	s0 =	rddreg [dreg:$0x0];
	s2 =	stileid.u32  }
0x11c: {  	s1 =	rddreg [dreg:$0x1];
	p0 =	sne.s32 s2, $0x0  }
0x11d: {  	s3 =	rddreg [dreg:$0x2];
	[bflag:$0x3] =	sbarrier.arrive $0xFFFF;
	s2 =	simm.s32 @!p0 $0x1C03  }
0x11e: {  	[timem:s3], [sflag:s2] =	dma.local @!p0 [hbm:s0], s1  }
0x11f: {  	s0 =	simm.s32 @!p0 $0x3  }
0x120: {  	_ =	swait.ge @!p0 [sflag:s0], s1  }
0x121: {  	s1 =	ssub.s32 @!p0 $0x0, s1;
	[sflag:s0] =	ssyncset.done @!p0 $0x0  }
0x122: {  	[sflag:s0] =	ssyncadd.s32 @!p0 s1  }
0x123: {  	[bflag:$0x3] =	sbarrier.arrive $0xFFFF  }
0x124: {  	_ =	shalt  }

// kernel: kernel.9.cloned.1.call-start
scs
__scs_entry_jumppad:
0x0: {  	(pc) =	sbr.rel $0x88, $3  }
0x1: {  	(tag) =	ssettag $0x0;
	lr =	simm.s32 $0x1  }
0x2: {  	[smem:$0x3F9B] =	sst lr;
	_ =	strace $0xD0000000  }
0x3: {  	_ = 	snop  }
0x4: {  	_ = 	snop  }
0x5: {  	_ = 	snop  }
0x6: {  	_ = 	snop  }
0x7: {  	_ = 	snop  }
__scs_overlays_trampoline_lowered:
0x8: {  	[smem:$0x3FAA] =	sst s0  }
0x9: {  	[smem:$0x3FAB] =	sst s1  }
0xa: {  	[smem:$0x3FAC] =	sst s2  }
0xb: {  	[smem:$0x3FAD] =	sst s3  }
0xc: {  	[smem:$0x3FAE] =	sst s4  }
0xd: {  	[smem:$0x3FAF] =	sst s5  }
0xe: {  	[smem:$0x3FB0] =	sst s6  }
0xf: {  	[smem:$0x3FB1] =	sst s7  }
0x10: {  	[smem:$0x3FB2] =	sst s8  }
0x11: {  	[smem:$0x3FB3] =	sst s9;
	s0 =	simm.s32 @!p0 $0x0  }
0x12: {  	s1 =	sld [smem:$0x3F99];
	s0 =	simm.s32 @p0 $0x1  }
0x13: {  	[smem:$0x3FB4] =	sst s0;
	s0 =	simm.s32 @!p1 $0x0  }
0x14: {  	s2 =	sld [smem:$0x3F98];
	s0 =	simm.s32 @p1 $0x1  }
0x15: {  	[smem:$0x3FB5] =	sst s0;
	s0 =	simm.s32 @!p2 $0x0  }
0x16: {  	s3 =	sld [smem:$0x3FDB];
	s0 =	simm.s32 @p2 $0x1  }
0x17: {  	s4 =	simm.s32 $0x1BF5;
	[smem:$0x3FB7] =	sst s0  }
0x18: {  	s0 =	sld [smem:$0x3F9A];
	_ =	swait.ge [sflag:s4], $0x0  }
0x19: {  	s7 =	sld [smem:$0x3F9B]  }
0x1a: {  	s8 =	sadd.s32 $0xFFFFE003, lr  }
0x1b: {  	s9 =	sadd.s32 $0xFFFFFEF7, lr;
	s5 =	simm.s32 $0xFFFFFFFF;
	p2 =	slt.u32 s8, $0xFFFFF086  }
0x1c: {  	p1 =	slt.u32 s9, $0xF7A;
	s5 =	simm.s32 @!p2 $0x0  }
0x1d: {  	s5 =	simm.s32 @p1 $0x1;
	p0 =	seq.s32 s7, s2  }
0x1e: {  	s7 =	smul.u32 @!p0 $0xF7A, s2;
	p2 =	seq.s32 @!p0 s5, $0x0  }
0x1f: {  	s9 =	smul.u32 $0xF7A, s1;
	s8 =	simm.s32 @!p0 $0x1BF5;
	p2 =	por !p2, p0  }
0x20: {  	[sflag:s8] =	ssyncset.s32 @!p0 $0xFFFFF086;
	s6 =	sadd.s32 @!p0 s3, s7;
	s7 =	simm.s32 @!p0 $0x108  }
0x21: {  	s3 =	sadd.s32 s3, s9;
	s6 =	sadd.s32 @!p0 $0x88, s6;
	s7 =	simm.s32 @p2 $0x1082  }
0x22: {  	[simem:s7], [sflag:s8] =	dma.local @!p0 [hbm:s6], $0xF7A  }
0x23: {  	s9 =	sor.u32 $0xD0000000, s2;
	s6 =	simm.s32 $0x108;
	_ =	swait.ge @!p0 [sflag:s8], $0x0  }
0x24: {  	s3 =	sadd.s32 $0x88, s3;
	s6 =	simm.s32 @!p1 $0x1082;
	[sflag:s4] =	ssyncset.s32 $0xFFFFF086  }
0x25: {  	[simem:s6], [sflag:s4] =	dma.local [hbm:s3], $0xF7A  }
0x26: {  	[smem:$0x3F9B] =	sst s1;
	(tag) =	ssettag s2;
	_ =	strace s9  }
0x27: {  	s1 =	sld [smem:$0x3FAB]  }
0x28: {  	s2 =	sld [smem:$0x3FAC]  }
0x29: {  	s4 =	sld [smem:$0x3FAE]  }
0x2a: {  	p0 =	seq.s32 s5, $0x0;
	s5 =	sld [smem:$0x3FAF]  }
0x2b: {  	s6 =	sld [smem:$0x3FB0]  }
0x2c: {  	s7 =	sld [smem:$0x3FB1]  }
0x2d: {  	s3 =	simm.s32 $0x108;
	s8 =	sld [smem:$0x3FB2]  }
0x2e: {  	s3 =	simm.s32 @!p0 $0x1082;
	s9 =	sld [smem:$0x3FB3]  }
0x2f: {  	lr =	sadd.s32 s0, s3;
	s0 =	sld [smem:$0x3FAA]  }
0x30: {  	s3 =	sld [smem:$0x3FAD]  }
0x31: {  	[smem:$0x3FB6] =	sst s10  }
0x32: {  	s10 =	sld [smem:$0x3FB4];
	_ =	sdelay $0x3  }
0x33: {  	p0 =	seq.s32 s10, $0x1;
	s10 =	sld [smem:$0x3FB6];
	_ =	sdelay $0x3  }
0x34: {  	[smem:$0x3FB6] =	sst s10  }
0x35: {  	s10 =	sld [smem:$0x3FB5];
	_ =	sdelay $0x3  }
0x36: {  	p1 =	seq.s32 s10, $0x1;
	s10 =	sld [smem:$0x3FB6];
	_ =	sdelay $0x3  }
0x37: {  	[smem:$0x3FB6] =	sst s10  }
0x38: {  	s10 =	sld [smem:$0x3FB7]  }
0x39: {  	_ = 	snop;
	(pc) =	sbr.ind lr, $3  }
0x3a: {  	_ = 	snop  }
0x3b: {  	_ = 	snop  }
0x3c: {  	p2 =	seq.s32 s10, $0x1;
	s10 =	sld [smem:$0x3FB6]  }
0x3d: {  	_ =	shalt  }
0x3e: {  	_ =	shalt  }
0x3f: {  	_ =	shalt  }
0x40: {  	_ =	shalt  }
0x41: {  	_ =	shalt  }
0x42: {  	_ =	shalt  }
0x43: {  	_ =	shalt  }
0x44: {  	_ =	shalt  }
0x45: {  	_ =	shalt  }
0x46: {  	_ =	shalt  }
0x47: {  	_ =	shalt  }
0x48: {  	_ =	shalt  }
0x49: {  	_ =	shalt  }
0x4a: {  	_ =	shalt  }
0x4b: {  	_ =	shalt  }
0x4c: {  	_ =	shalt  }
0x4d: {  	_ =	shalt  }
0x4e: {  	_ =	shalt  }
0x4f: {  	_ =	shalt  }
0x50: {  	_ =	shalt  }
0x51: {  	_ =	shalt  }
0x52: {  	_ =	shalt  }
0x53: {  	_ =	shalt  }
0x54: {  	_ =	shalt  }
0x55: {  	_ =	shalt  }
0x56: {  	_ =	shalt  }
0x57: {  	_ =	shalt  }
0x58: {  	_ =	shalt  }
0x59: {  	_ =	shalt  }
0x5a: {  	_ =	shalt  }
0x5b: {  	_ =	shalt  }
0x5c: {  	_ =	shalt  }
0x5d: {  	_ =	shalt  }
0x5e: {  	_ =	shalt  }
0x5f: {  	_ =	shalt  }
0x60: {  	_ =	shalt  }
0x61: {  	_ =	shalt  }
0x62: {  	_ =	shalt  }
0x63: {  	_ =	shalt  }
0x64: {  	_ =	shalt  }
0x65: {  	_ =	shalt  }
0x66: {  	_ =	shalt  }
0x67: {  	_ =	shalt  }
0x68: {  	_ =	shalt  }
0x69: {  	_ =	shalt  }
0x6a: {  	_ =	shalt  }
0x6b: {  	_ =	shalt  }
0x6c: {  	_ =	shalt  }
0x6d: {  	_ =	shalt  }
0x6e: {  	_ =	shalt  }
0x6f: {  	_ =	shalt  }
0x70: {  	_ =	shalt  }
0x71: {  	_ =	shalt  }
0x72: {  	_ =	shalt  }
0x73: {  	_ =	shalt  }
0x74: {  	_ =	shalt  }
0x75: {  	_ =	shalt  }
0x76: {  	_ =	shalt  }
0x77: {  	_ =	shalt  }
0x78: {  	_ =	shalt  }
0x79: {  	_ =	shalt  }
0x7a: {  	_ =	shalt  }
0x7b: {  	_ =	shalt  }
0x7c: {  	_ =	shalt  }
0x7d: {  	_ =	shalt  }
0x7e: {  	_ =	shalt  }
0x7f: {  	_ =	shalt  }
0x80: {  	_ =	shalt  }
0x81: {  	_ =	shalt  }
0x82: {  	_ =	shalt  }
0x83: {  	_ =	shalt  }
0x84: {  	_ =	shalt  }
0x85: {  	_ =	shalt  }
0x86: {  	_ =	shalt  }
0x87: {  	_ =	shalt  }
.Lfunc_end0:
.L_simem_size_0:
called_computation.1_lowered:
.L_overlay_start_0:
0x88: {  	s0 =	sld [smem:$0x3FD9]  }
0x89: {  	s1 =	sld [smem:$0x3FFE];
	_ =	sdelay $0x3  }
0x8a: {  	s0 =	sadd.s32 s1, s0  }
0x8b: {  	[smem:$0x3FC2] =	sst s0  }
0x8c: {  	_ = 	snop  }
0x8d: {  	s0 =	sld [smem:$0x3FD0];
	_ =	sdelay $0x2  }
0x8e: {  	s2 =	simm.s32 $0xA;
	s3 =	simm.s32 $0x10;
	s13 =	sld [smem:$0x3FC8]  }
0x8f: {  	[smem:s3], [sflag:s2] =	dma.local [hbm:s0], $0x1  }
0x90: {  	_ =	swait.eq [sflag:s2], $0x1  }
0x91: {  	[sflag:s2] =	ssyncset.done $0x0  }
0x92: {  	[sflag:s2] =	ssyncadd.s32 $0xFFFFFFFF  }
0x93: {  	s14 =	sld [smem:$0x10];
	(tm) =	ssettm $0x1  }
0x94: {  	s15 =	sld [smem:$0x3FFB];
	_ =	sdelay $0x3  }
0x95: {  	_ =	strace s15  }
0x96: {  	s2 =	sld [smem:$0x3FFC];
	_ =	sdelay $0x3  }
0x97: {  	_ =	strace s2  }
0x98: {  	s2 =	sld [smem:$0x3FFD];
	_ =	sdelay $0x3  }
0x99: {  	_ =	strace s2  }
0x9a: {  	_ =	strace $0x8FFFFFFF  }
0x9b: {  	s16 =	sld [smem:$0x3FDB];
	_ =	sdelay $0x1  }
0x9c: {  	s17 =	simm.s32 $_scs_section_size  }
0x9d: {  	s4 =	simm.s32 $_size__tile_overlayer_lowered;
	s5 =	simm.s32 $_tile_overlayer_lowered  }
0x9e: {  	s20 =	simm.s32 $0x1BFF;
	s19 =	sshll.u32 s5, $0x1;
	s2 =	sadd.s32 s17, s16  }
0x9f: {  	s6 =	simm.s32 $0x0;
	s18 =	sshll.u32 s4, $0x1;
	s4 =	sadd.s32 s19, s2  }
0xa0: {  	[timem:s6], [sflag:s20] =	dma.local [hbm:s4], s18  }
0xa1: {  	_ =	swait.ge [sflag:s20], s18  }
0xa2: {  	s3 =	ssub.s32 $0x0, s18;
	[sflag:s20] =	ssyncset.done $0x0  }
0xa3: {  	[sflag:s20] =	ssyncadd.s32 s3;
	_ =	sdelay $0x1  }
0xa4: {  	s21 =	simm.s32 $0x1B8B  }
0xa5: {  	_ =	swait.ge [sflag:s21], $0x1  }
0xa6: {  	[sflag:s21] =	ssyncset.done $0x0  }
0xa7: {  	s23 =	simm.s32 $0x1B8E;
	s22 =	sld [smem:$0x3FFE];
	[sflag:s21] =	ssyncadd.s32 $0xFFFFFFFF  }
0xa8: {  	s24 =	simm.s32 $execute0_lowered;
	[smem:$0x3FD2] =	sst s23  }
0xa9: {  	s4 =	sshll.u32 s24, $0x1;
	_ =	strace $0x80000049;
	[dreg:$0x1] =	wrdreg $0xFFFFFFFF  }
0xaa: {  	s25 =	simm.s32 $_size_execute0_lowered;
	s2 =	sadd.s32 s2, s4;
	[dreg:$0x0] =	wrdreg $0x0  }
0xab: {  	s4 =	sshll.u32 s25, $0x1;
	[dreg:$0x2] =	wrdreg s2  }
0xac: {  	[dreg:$0x3] =	wrdreg s4  }
0xad: {  	[dreg:$0x4] =	wrdreg $0xC0  }
0xae: {  	_ =	task [dreg:s6], $0x5FFFF  }
0xaf: {  	[dreg:$0x1] =	wrdreg $0xFFFFFFFF  }
0xb0: {  	[dreg:$0x0] =	wrdreg $0x60  }
0xb1: {  	[dreg:$0x2] =	wrdreg s22  }
0xb2: {  	[dreg:$0x3] =	wrdreg s13  }
0xb3: {  	[dreg:$0x4] =	wrdreg s14  }
0xb4: {  	[dreg:$0x5] =	wrdreg $0x3F000  }
0xb5: {  	[dreg:$0x6] =	wrdreg $0x9  }
0xb6: {  	_ =	task.clear_ibuf [dreg:s6], $0x7FFFF;
	_ =	strace $0x90000049  }
0xb7: {  	s26 =	simm.s32 $0x9;
	_ =	strace $0x8000004B  }
0xb8: {  	_ =	swait.ge [sflag:s26], $0x1  }
0xb9: {  	[sflag:s26] =	ssyncadd.s32 $0xFFFFFFFF  }
0xba: {  	_ =	strace $0x9000004B  }
0xbb: {  	_ =	sfence  }
0xbc: {  	s28 =	sld [smem:$0x0];
	_ =	sdelay $0x1  }
0xbd: {  	s29 =	srdreg.scid  }
0xbe: {  	s30 =	sshll.u32 s29, $0xD;
	s31 =	sshrl.u32 s29, $0x2  }
0xbf: {  	s1 =	sand.u32 $0x1, s29;
	s2 =	sand.u32 $0x4000, s30;
	s0 =	sadd.s32 s31, s28  }
0xc0: {  	s1 =	sor.u32 s2, s1;
	s0 =	sshll.u32 s0, $0x11  }
0xc1: {  	s0 =	sor.u32 s0, s1  }
0xc2: {  	s0 =	sadd.s32 $0x8F2B, s0  }
0xc3: {  	[sflag:s0] =	ssyncadd.remote.s32 $0x1  }
0xc4: {  	_ =	sfence.sel $0xFFFF  }
0xc5: {  	[dreg:$0x0] =	wrdreg $0xFFFFFFFF;
	(pc) =	sbr.abs _section_cstart, $3  }
0xc6: {  	[dreg:$0x1] =	wrdreg $0xFFFFFFFF  }
0xc7: {  	_ =	task.clear_ibuf [dreg:s6], $0x2FFFF;
	_ =	strace $0x9FFFFFFF  }
0xc8: {  	(tm) =	ssettm $0x7FFFFFFF  }
0xc9: {  	_ =	shalt  }
tec
execute0_lowered:
.L_overlay_start_1:
0x0: {  	(tag) =	ssettag $0x1  }
0x1: {  	s2 =	rddreg [dreg:$0x0]  }
0x2: {  	s14 =	rddreg [dreg:$0x1]  }
0x3: {  	s21 =	rddreg [dreg:$0x2]  }
0x4: {  	s10 =	rddreg [dreg:$0x3];
	s1 =	stileid.u32  }
0x5: {  	s0 =	rddreg [dreg:$0x4];
	s11 =	simm.s32 $0x0;
	s20 =	simm.s32 $0x5  }
0x6: {  	s16 =	simm.s32 $0xA00;
	s31 =	simm.s32 $0x3E80;
	s12 =	smul.u32 $0xA00, s1  }
0x7: {  	[smem:$0x7FF] =	sst s11;
	s22 =	sshll.u32 s1, $0x2;
	s26 =	sshll.u32 s1, $0x5  }
0x8: {  	p0 =	seq.s32 s1, $0xF;
	s28 =	sshll.u32 s1, $0x9;
	s13 =	sshll.u32 s1, $0x8  }
0x9: {  	s7 =	sshll.u32 s1, $0x7;
	_ =	strace $0x8000004A;
	s20 =	simm.s32 @!p0 $0x50  }
0xa: {  	s6 =	sand.u32 $0xC00, s13;
	s15 =	sand.u32 $0x60, s26;
	s30 =	sand.u32 $0x380, s7  }
0xb: {  	s23 =	simm.s32 @!p0 $0x2;
	s3 =	sshrl.u32 s12, $0x3;
	s29 =	sadd.s32 s6, s10  }
0xc: {  	s13 =	sor.u32 s13, s15;
	s4 =	sadd.s32 s3, s2;
	s3 =	sadd.s32 s14, s3  }
0xd: {  	s2 =	sadd.s32 s22, s2;
	s7 =	sadd.s32 s15, s29;
	s15 =	sor.u32 $0x300, s13  }
0xe: {  	s13 =	sor.u32 $0x380, s13;
	s5 =	sadd.s32 $0x1000, s4;
	s9 =	sadd.s32 $0x1E00, s3  }
0xf: {  	s2 =	sadd.s32 $0xE00, s2;
	s4 =	sand.u32 $0x1000, s28;
	s8 =	sadd.s32 $0x80, s7  }
0x10: {  	s6 =	sadd.s32 $0x100, s7;
	s3 =	sadd.s32 $0x200, s7;
	s13 =	sadd.s32 s13, s10  }
0x11: {  	[tilespmem:s11], [sflag:$0x1] =	stream.linear.gather [hbm4b:s5+s11], $0xA00, $0x38;
	[tilespmem:$0x4100] =	vst v63  }
0x12: {  	s18 =	sadd.s32 $0x1180, s7;
	s17 =	sadd.s32 $0x1280, s7;
	s4 =	sadd.s32 s4, s10  }
0x13: {  	[tilespmem:s16], [sflag:$0x2] =	stream.linear.gather [hbm4b:s9+s11], $0xA0, $0x38;
	[tilespmem:$0x4100] =	vst v63  }
0x14: {  	s5 =	sadd.s32 $0x280, s7;
	s19 =	sadd.s32 s30, s4;
	s4 =	sadd.s32 $0x180, s7  }
0x15: {  	[tilespmem:s31], [sflag:$0x2] =	stream.linear.gather [hbm4b:s2+s11], $0x20, $0x38;
	[tilespmem:$0x4100] =	vst v63  }
0x16: {  	s9 =	sadd.s32 s15, s10;
	s10 =	sadd.s32 $0x1100, s7;
	s2 =	sshrl.u32 @!p0 s12, $0x3  }
0x17: {  	s15 =	simm.s32 @!p0 $0xAA0;
	s16 =	sadd.s32 $0x1200, s7;
	s2 =	sadd.s32 @!p0 s14, s2  }
0x18: {  	s11 =	sadd.s32 $0x1000, s7;
	s14 =	simm.s32 @!p0 $0x0;
	s2 =	sadd.s32 @!p0 $0x1E14, s2  }
0x19: {  	[tilespmem:s15], [sflag:$0x2] =	stream.linear.gather @!p0 [hbm4b:s2+s14], $0x960, $0x38;
	[tilespmem:$0x4100] =	vst v63  }
0x1a: {  	s12 =	sadd.s32 $0x1080, s7;
	s14 =	sadd.s32 $0x1300, s7;
	_ =	swait.ge @!p0 [sflag:s23], $0x960  }
0x1b: {  	s15 =	sadd.s32 $0x1380, s7;
	s2 =	sadd.s32 s21, s22;
	[sflag:s23] =	ssyncset.done @!p0 $0x0  }
0x1c: {  	v0 =	vimm.f32 $0.0e+00;
	s22 =	simm.s32 $0x100;
	s21 =	simm.s32 $0x0;
	[sflag:s23] =	ssyncadd.s32 @!p0 $0xFFFFF6A0  }
.LBB2_1:
0x1d: {  	p0 =	sne.s32 s22, $0x7F00;
	[tilespmem:s21+$0x1430] =	vst v0;
	s23 =	smov.u32 s22;
	s22 =	sadd.s32 $0x100, s22  }
.Ltmp0:
0x1e: {  	[tilespmem:s21+$0x1420] =	vst v0;
	(pc) =	sbr.rel @p0 .LBB2_1-.Ltmp0, $3  }
0x1f: {  	[tilespmem:s21+$0x1400] =	vst v0  }
0x20: {  	[tilespmem:s21+$0x1410] =	vst v0;
	_ =	sdelay $0x1  }
0x21: {  	s21 =	sshra.s32 s23, $0x2  }
0x22: {  	[tilespmem:s21+$0x1430] =	vst v0  }
0x23: {  	[tilespmem:s21+$0x1420] =	vst v0  }
0x24: {  	[tilespmem:s21+$0x1400] =	vst v0  }
0x25: {  	[tilespmem:s21+$0x1410] =	vst v0;
	s30 =	simm.s32 $0x1  }
0x26: {  	_ =	swait.ge [sflag:s30], $0xA00  }
0x27: {  	[sflag:s30] =	ssyncset.done $0x0  }
0x28: {  	s31 =	simm.s32 $0x2;
	[sflag:s30] =	ssyncadd.s32 $0xFFFFF600  }
0x29: {  	_ =	swait.ge [sflag:s31], $0xA0  }
0x2a: {  	[sflag:s31] =	ssyncset.done $0x0  }
0x2b: {  	[sflag:s31] =	ssyncadd.s32 $0xFFFFFF60  }
0x2c: {  	_ =	swait.ge [sflag:s31], $0x20  }
0x2d: {  	v0 =	vlaneseq.u32;
	s21 =	simm.s32 $0x10;
	[sflag:s31] =	ssyncset.done $0x0  }
0x2e: {  	s22 =	simm.s32 $0xA10;
	s23 =	simm.s32 $0x1400;
	v0 =	vmul.u32 $0x200, v0;
	[sflag:s31] =	ssyncadd.s32 $0xFFFFFFE0  }
.LBB2_3:
0x2f: {  	v1 =	vld [tilespmem:s22+$0xFFFFFFF0];
	_ =	sdelay $0x4  }
0x30: {  	v2 =	vld [tilespmem:s21+$0xFFFFFFF0];
	v1 =	vadd.s32 v0, v1;
	_ =	sdelay $0x4  }
0x31: {  	[tilespmem:v1+s23+$0x0] =	vst.idx.add.f32.msk $0xffff, v2  }
0x32: {  	v1 =	vld [tilespmem:s22+$0x0];
	_ =	sdelay $0x4  }
0x33: {  	p0 =	sne.s32 s20, $0x1;
	v2 =	vld [tilespmem:s21+$0x0];
	v1 =	vadd.s32 v0, v1  }
.Ltmp1:
0x34: {  	_ = 	snop;
	(pc) =	sbr.rel @p0 .LBB2_3-.Ltmp1, $2  }
0x35: {  	_ =	sdelay $0x2  }
0x36: {  	s20 =	sadd.s32 $0xFFFFFFFF, s20;
	s21 =	sadd.s32 $0x20, s21;
	s22 =	sadd.s32 $0x20, s22;
	[tilespmem:v1+s23+$0x0] =	vst.idx.add.f32.msk $0xffff, v2  }
0x37: {  	s20 =	simm.s32 $0x0;
	v0 =	vld [tilespmem:s23+$0x0]  }
0x38: {  	s20 =	sand.u32 $0x1F0, s20  }
0x39: {  	v1 =	vld [tilespmem:s20+$0x1600];
	_ =	sdelay $0x1  }
0x3a: {  	v2 =	vld [tilespmem:s20+$0x1800]  }
0x3b: {  	v0 =	vadd.f32 $0.0e+00, v0  }
0x3c: {  	v3 =	vld [tilespmem:s20+$0x1A00]  }
0x3d: {  	v0 =	vadd.f32 v1, v0  }
0x3e: {  	v1 =	vld [tilespmem:s20+$0x1C00]  }
0x3f: {  	v0 =	vadd.f32 v2, v0  }
0x40: {  	v2 =	vld [tilespmem:s20+$0x1E00]  }
0x41: {  	v0 =	vadd.f32 v3, v0  }
0x42: {  	v3 =	vld [tilespmem:s20+$0x2000]  }
0x43: {  	v0 =	vadd.f32 v1, v0  }
0x44: {  	v1 =	vld [tilespmem:s20+$0x2200]  }
0x45: {  	v0 =	vadd.f32 v2, v0  }
0x46: {  	v2 =	vld [tilespmem:s20+$0x2400]  }
0x47: {  	v0 =	vadd.f32 v3, v0  }
0x48: {  	v3 =	vld [tilespmem:s20+$0x2600]  }
0x49: {  	v0 =	vadd.f32 v1, v0  }
0x4a: {  	v1 =	vld [tilespmem:s20+$0x2800]  }
0x4b: {  	v0 =	vadd.f32 v2, v0  }
0x4c: {  	v2 =	vld [tilespmem:s20+$0x2A00]  }
0x4d: {  	v0 =	vadd.f32 v3, v0  }
0x4e: {  	v3 =	vld [tilespmem:s20+$0x2C00]  }
0x4f: {  	v0 =	vadd.f32 v1, v0  }
0x50: {  	v1 =	vld [tilespmem:s20+$0x2E00]  }
0x51: {  	v0 =	vadd.f32 v2, v0  }
0x52: {  	v2 =	vld [tilespmem:s20+$0x3000]  }
0x53: {  	v0 =	vadd.f32 v3, v0  }
0x54: {  	v3 =	vld [tilespmem:s20+$0x3200]  }
0x55: {  	v0 =	vadd.f32 v1, v0;
	_ =	sdelay $0x1  }
0x56: {  	v0 =	vadd.f32 v2, v0;
	_ =	sdelay $0x1  }
0x57: {  	v0 =	vadd.f32 v3, v0  }
0x58: {  	s20 =	simm.s32 $0x3400  }
0x59: {  	s21 =	simm.s32 $0x1410;
	[tilespmem:s20+$0x0] =	vst v0  }
0x5a: {  	s22 =	simm.s32 $0x10;
	s23 =	simm.s32 $0x20;
	v0 =	vld [tilespmem:s21+$0x0]  }
.LBB2_5:
0x5b: {  	p0 =	sne.s32 s23, $0x1F0;
	s24 =	sand.u32 $0x1F0, s22;
	s22 =	smov.u32 s23  }
0x5c: {  	v1 =	vld [tilespmem:s24+$0x1600];
	_ =	sdelay $0x1  }
0x5d: {  	v2 =	vld [tilespmem:s24+$0x1800]  }
0x5e: {  	v0 =	vadd.f32 $0.0e+00, v0  }
0x5f: {  	v3 =	vld [tilespmem:s24+$0x1A00]  }
0x60: {  	v0 =	vadd.f32 v1, v0  }
0x61: {  	v1 =	vld [tilespmem:s24+$0x1C00]  }
0x62: {  	v0 =	vadd.f32 v2, v0  }
0x63: {  	v2 =	vld [tilespmem:s24+$0x1E00]  }
0x64: {  	v0 =	vadd.f32 v3, v0  }
0x65: {  	v3 =	vld [tilespmem:s24+$0x2000]  }
0x66: {  	v0 =	vadd.f32 v1, v0  }
0x67: {  	v1 =	vld [tilespmem:s24+$0x2200]  }
0x68: {  	v0 =	vadd.f32 v2, v0  }
0x69: {  	v2 =	vld [tilespmem:s24+$0x2400]  }
0x6a: {  	v0 =	vadd.f32 v3, v0  }
0x6b: {  	v3 =	vld [tilespmem:s24+$0x2600]  }
0x6c: {  	v0 =	vadd.f32 v1, v0  }
0x6d: {  	v1 =	vld [tilespmem:s24+$0x2800]  }
0x6e: {  	v0 =	vadd.f32 v2, v0  }
0x6f: {  	v2 =	vld [tilespmem:s24+$0x2A00]  }
0x70: {  	v0 =	vadd.f32 v3, v0  }
0x71: {  	v3 =	vld [tilespmem:s24+$0x2C00]  }
0x72: {  	v0 =	vadd.f32 v1, v0  }
0x73: {  	v1 =	vld [tilespmem:s24+$0x2E00]  }
0x74: {  	v0 =	vadd.f32 v2, v0  }
0x75: {  	v2 =	vld [tilespmem:s24+$0x3000]  }
0x76: {  	v0 =	vadd.f32 v3, v0  }
0x77: {  	v3 =	vld [tilespmem:s24+$0x3200]  }
0x78: {  	v0 =	vadd.f32 v1, v0;
	_ =	sdelay $0x1  }
0x79: {  	v0 =	vadd.f32 v2, v0  }
.Ltmp2:
0x7a: {  	(pc) =	sbr.rel @p0 .LBB2_5-.Ltmp2, $4  }
0x7b: {  	v0 =	vadd.f32 v3, v0  }
0x7c: {  	s20 =	sadd.s32 $0x10, s20  }
0x7d: {  	s21 =	sadd.s32 $0x10, s21;
	[tilespmem:s20+$0x0] =	vst v0  }
0x7e: {  	s23 =	sadd.s32 $0x10, s23;
	v0 =	vld [tilespmem:s21+$0x0]  }
0x7f: {  	s21 =	sand.u32 $0x1F0, s22  }
0x80: {  	v1 =	vld [tilespmem:s21+$0x1600];
	_ =	sdelay $0x1  }
0x81: {  	v2 =	vld [tilespmem:s21+$0x1800]  }
0x82: {  	v0 =	vadd.f32 $0.0e+00, v0  }
0x83: {  	v3 =	vld [tilespmem:s21+$0x1A00]  }
0x84: {  	v0 =	vadd.f32 v1, v0  }
0x85: {  	v21 =	vld [tilespmem:s21+$0x1C00]  }
0x86: {  	v0 =	vadd.f32 v2, v0  }
0x87: {  	v22 =	vld [tilespmem:s21+$0x1E00]  }
0x88: {  	v0 =	vadd.f32 v3, v0  }
0x89: {  	v23 =	vld [tilespmem:s21+$0x2000]  }
0x8a: {  	v0 =	vadd.f32 v21, v0  }
0x8b: {  	v24 =	vld [tilespmem:s21+$0x2200]  }
0x8c: {  	v0 =	vadd.f32 v22, v0  }
0x8d: {  	v25 =	vld [tilespmem:s21+$0x2400]  }
0x8e: {  	v0 =	vadd.f32 v23, v0  }
0x8f: {  	v26 =	vld [tilespmem:s21+$0x2600]  }
0x90: {  	v0 =	vadd.f32 v24, v0  }
0x91: {  	v27 =	vld [tilespmem:s21+$0x2800]  }
0x92: {  	v0 =	vadd.f32 v25, v0  }
0x93: {  	v28 =	vld [tilespmem:s21+$0x2A00]  }
0x94: {  	v0 =	vadd.f32 v26, v0  }
0x95: {  	v29 =	vld [tilespmem:s21+$0x2C00]  }
0x96: {  	v0 =	vadd.f32 v27, v0  }
0x97: {  	v30 =	vld [tilespmem:s21+$0x2E00]  }
0x98: {  	v0 =	vadd.f32 v28, v0  }
0x99: {  	v31 =	vld [tilespmem:s21+$0x3000]  }
0x9a: {  	v0 =	vadd.f32 v29, v0  }
0x9b: {  	v32 =	vld [tilespmem:s21+$0x3200]  }
0x9c: {  	v0 =	vadd.f32 v30, v0;
	_ =	sdelay $0x1  }
0x9d: {  	v0 =	vadd.f32 v31, v0;
	_ =	sdelay $0x1  }
0x9e: {  	v0 =	vadd.f32 v32, v0  }
0x9f: {  	s20 =	sadd.s32 $0x10, s20  }
0xa0: {  	s24 =	simm.s32 $0x80;
	s25 =	simm.s32 $0x400;
	s26 =	simm.s32 $0x3400;
	[tilespmem:s20+$0x0] =	vst v0  }
0xa1: {  	[spmem:s19] =	stream.strided.scatter [tilespmem:s26], [sflag:$0x3], $0x200, s25, s24, $0x38;
	[tilespmem:$0x4100] =	vst v63  }
0xa2: {  	s19 =	simm.s32 $0x3  }
0xa3: {  	_ =	swait.ge [sflag:s19], $0x200  }
0xa4: {  	[sflag:s19] =	ssyncset.done $0x0  }
0xa5: {  	[sflag:s19] =	ssyncadd.s32 $0xFFFFFE00  }
0xa6: {  	s28 =	simm.s32 $0x3600;
	[bflag:$0x0] =	sbarrier.arrive $0xFFFF  }
0xa7: {  	[tilespmem:s28], [sflag:$0x1] =	stream.linear.gather [spmem:s7], $0x20, $0x38;
	[tilespmem:$0x4100] =	vst v63  }
0xa8: {  	s29 =	simm.s32 $0x3680  }
0xa9: {  	[tilespmem:s29], [sflag:$0x1] =	stream.linear.gather [spmem:s8], $0x20, $0x38;
	[tilespmem:$0x4100] =	vst v63  }
0xaa: {  	s30 =	simm.s32 $0x3700  }
0xab: {  	[tilespmem:s30], [sflag:$0x1] =	stream.linear.gather [spmem:s6], $0x20, $0x38;
	[tilespmem:$0x4100] =	vst v63  }
0xac: {  	s31 =	simm.s32 $0x3780  }
0xad: {  	[tilespmem:s31], [sflag:$0x1] =	stream.linear.gather [spmem:s4], $0x20, $0x38;
	[tilespmem:$0x4100] =	vst v63  }
0xae: {  	s6 =	simm.s32 $0x3800  }
0xaf: {  	[tilespmem:s6], [sflag:$0x1] =	stream.linear.gather [spmem:s3], $0x20, $0x38;
	[tilespmem:$0x4100] =	vst v63  }
0xb0: {  	s7 =	simm.s32 $0x3880  }
0xb1: {  	[tilespmem:s7], [sflag:$0x1] =	stream.linear.gather [spmem:s5], $0x20, $0x38;
	[tilespmem:$0x4100] =	vst v63  }
0xb2: {  	s8 =	simm.s32 $0x3900  }
0xb3: {  	[tilespmem:s8], [sflag:$0x1] =	stream.linear.gather [spmem:s9], $0x20, $0x38;
	[tilespmem:$0x4100] =	vst v63  }
0xb4: {  	s9 =	simm.s32 $0x3980  }
0xb5: {  	[tilespmem:s9], [sflag:$0x1] =	stream.linear.gather [spmem:s13], $0x20, $0x38;
	[tilespmem:$0x4100] =	vst v63  }
0xb6: {  	s20 =	simm.s32 $0x3A00  }
0xb7: {  	[tilespmem:s20], [sflag:$0x1] =	stream.linear.gather [spmem:s11], $0x20, $0x38;
	[tilespmem:$0x4100] =	vst v63  }
0xb8: {  	s21 =	simm.s32 $0x3A80  }
0xb9: {  	[tilespmem:s21], [sflag:$0x1] =	stream.linear.gather [spmem:s12], $0x20, $0x38;
	[tilespmem:$0x4100] =	vst v63  }
0xba: {  	s22 =	simm.s32 $0x3B00  }
0xbb: {  	[tilespmem:s22], [sflag:$0x1] =	stream.linear.gather [spmem:s10], $0x20, $0x38;
	[tilespmem:$0x4100] =	vst v63  }
0xbc: {  	s23 =	simm.s32 $0x3B80  }
0xbd: {  	[tilespmem:s23], [sflag:$0x1] =	stream.linear.gather [spmem:s18], $0x20, $0x38;
	[tilespmem:$0x4100] =	vst v63  }
0xbe: {  	s24 =	simm.s32 $0x3C00  }
0xbf: {  	[tilespmem:s24], [sflag:$0x1] =	stream.linear.gather [spmem:s16], $0x20, $0x38;
	[tilespmem:$0x4100] =	vst v63  }
0xc0: {  	s25 =	simm.s32 $0x3C80  }
0xc1: {  	[tilespmem:s25], [sflag:$0x1] =	stream.linear.gather [spmem:s17], $0x20, $0x38;
	[tilespmem:$0x4100] =	vst v63  }
0xc2: {  	s26 =	simm.s32 $0x3D00  }
0xc3: {  	[tilespmem:s26], [sflag:$0x1] =	stream.linear.gather [spmem:s14], $0x20, $0x38;
	[tilespmem:$0x4100] =	vst v63  }
0xc4: {  	s28 =	simm.s32 $0x3D80;
	s29 =	simm.s32 $0x1  }
0xc5: {  	[tilespmem:s28], [sflag:$0x1] =	stream.linear.gather [spmem:s15], $0x20, $0x38;
	[tilespmem:$0x4100] =	vst v63  }
0xc6: {  	_ =	swait.ge [sflag:s29], $0x20  }
0xc7: {  	[sflag:s29] =	ssyncset.done $0x0  }
0xc8: {  	[sflag:s29] =	ssyncadd.s32 $0xFFFFFFE0  }
0xc9: {  	_ =	swait.ge [sflag:s29], $0x20  }
0xca: {  	[sflag:s29] =	ssyncset.done $0x0  }
0xcb: {  	[sflag:s29] =	ssyncadd.s32 $0xFFFFFFE0  }
0xcc: {  	_ =	swait.ge [sflag:s29], $0x20  }
0xcd: {  	[sflag:s29] =	ssyncset.done $0x0  }
0xce: {  	[sflag:s29] =	ssyncadd.s32 $0xFFFFFFE0  }
0xcf: {  	_ =	swait.ge [sflag:s29], $0x20  }
0xd0: {  	[sflag:s29] =	ssyncset.done $0x0  }
0xd1: {  	[sflag:s29] =	ssyncadd.s32 $0xFFFFFFE0  }
0xd2: {  	_ =	swait.ge [sflag:s29], $0x20  }
0xd3: {  	[sflag:s29] =	ssyncset.done $0x0  }
0xd4: {  	[sflag:s29] =	ssyncadd.s32 $0xFFFFFFE0  }
0xd5: {  	_ =	swait.ge [sflag:s29], $0x20  }
0xd6: {  	[sflag:s29] =	ssyncset.done $0x0  }
0xd7: {  	[sflag:s29] =	ssyncadd.s32 $0xFFFFFFE0  }
0xd8: {  	_ =	swait.ge [sflag:s29], $0x20  }
0xd9: {  	[sflag:s29] =	ssyncset.done $0x0  }
0xda: {  	[sflag:s29] =	ssyncadd.s32 $0xFFFFFFE0  }
0xdb: {  	_ =	swait.ge [sflag:s29], $0x20  }
0xdc: {  	[sflag:s29] =	ssyncset.done $0x0  }
0xdd: {  	[sflag:s29] =	ssyncadd.s32 $0xFFFFFFE0  }
0xde: {  	_ =	swait.ge [sflag:s29], $0x20  }
0xdf: {  	[sflag:s29] =	ssyncset.done $0x0  }
0xe0: {  	[sflag:s29] =	ssyncadd.s32 $0xFFFFFFE0  }
0xe1: {  	_ =	swait.ge [sflag:s29], $0x20  }
0xe2: {  	[sflag:s29] =	ssyncset.done $0x0  }
0xe3: {  	[sflag:s29] =	ssyncadd.s32 $0xFFFFFFE0  }
0xe4: {  	_ =	swait.ge [sflag:s29], $0x20  }
0xe5: {  	[sflag:s29] =	ssyncset.done $0x0  }
0xe6: {  	[sflag:s29] =	ssyncadd.s32 $0xFFFFFFE0  }
0xe7: {  	_ =	swait.ge [sflag:s29], $0x20  }
0xe8: {  	[sflag:s29] =	ssyncset.done $0x0  }
0xe9: {  	[sflag:s29] =	ssyncadd.s32 $0xFFFFFFE0  }
0xea: {  	_ =	swait.ge [sflag:s29], $0x20  }
0xeb: {  	[sflag:s29] =	ssyncset.done $0x0  }
0xec: {  	[sflag:s29] =	ssyncadd.s32 $0xFFFFFFE0  }
0xed: {  	_ =	swait.ge [sflag:s29], $0x20  }
0xee: {  	[sflag:s29] =	ssyncset.done $0x0  }
0xef: {  	[sflag:s29] =	ssyncadd.s32 $0xFFFFFFE0  }
0xf0: {  	_ =	swait.ge [sflag:s29], $0x20  }
0xf1: {  	[sflag:s29] =	ssyncset.done $0x0  }
0xf2: {  	[sflag:s29] =	ssyncadd.s32 $0xFFFFFFE0  }
0xf3: {  	_ =	swait.ge [sflag:s29], $0x20  }
0xf4: {  	[sflag:s29] =	ssyncset.done $0x0  }
0xf5: {  	[sflag:s29] =	ssyncadd.s32 $0xFFFFFFE0  }
0xf6: {  	v33 =	vld [tilespmem:$0x3E80]  }
0xf7: {  	v34 =	vld [tilespmem:$0x3600]  }
0xf8: {  	v35 =	vld [tilespmem:$0x3E90]  }
0xf9: {  	v36 =	vld [tilespmem:$0x3610]  }
0xfa: {  	v4 =	vld [tilespmem:$0x3680]  }
0xfb: {  	v5 =	vld [tilespmem:$0x3690]  }
0xfc: {  	v6 =	vld [tilespmem:$0x3700]  }
0xfd: {  	v37 =	vld [tilespmem:$0x3710];
	v0 =	vadd.f32 v34, v33  }
0xfe: {  	v38 =	vld [tilespmem:$0x3780];
	v2 =	vadd.f32 v36, v35  }
0xff: {  	v39 =	vld [tilespmem:$0x3790];
	v0 =	vadd.f32 v4, v0  }
0x100: {  	v40 =	vld [tilespmem:$0x3800];
	v2 =	vadd.f32 v5, v2  }
0x101: {  	v41 =	vld [tilespmem:$0x3810];
	v0 =	vadd.f32 v6, v0  }
0x102: {  	v42 =	vld [tilespmem:$0x3880];
	v1 =	vadd.f32 v37, v2  }
0x103: {  	v43 =	vld [tilespmem:$0x3890];
	v0 =	vadd.f32 v38, v0  }
0x104: {  	v44 =	vld [tilespmem:$0x3900];
	v1 =	vadd.f32 v39, v1  }
0x105: {  	v45 =	vld [tilespmem:$0x3910];
	v0 =	vadd.f32 v40, v0  }
0x106: {  	v46 =	vld [tilespmem:$0x3980];
	v1 =	vadd.f32 v41, v1  }
0x107: {  	v47 =	vld [tilespmem:$0x3990];
	v0 =	vadd.f32 v42, v0  }
0x108: {  	v48 =	vld [tilespmem:$0x3A00];
	v1 =	vadd.f32 v43, v1  }
0x109: {  	v49 =	vld [tilespmem:$0x3A10];
	v0 =	vadd.f32 v44, v0  }
0x10a: {  	v50 =	vld [tilespmem:$0x3A80];
	v1 =	vadd.f32 v45, v1  }
0x10b: {  	v51 =	vld [tilespmem:$0x3A90];
	v0 =	vadd.f32 v46, v0  }
0x10c: {  	v52 =	vld [tilespmem:$0x3B00];
	v1 =	vadd.f32 v47, v1  }
0x10d: {  	v53 =	vld [tilespmem:$0x3B10];
	v0 =	vadd.f32 v48, v0  }
0x10e: {  	v54 =	vld [tilespmem:$0x3B80];
	v1 =	vadd.f32 v49, v1  }
0x10f: {  	v55 =	vld [tilespmem:$0x3B90];
	v0 =	vadd.f32 v50, v0  }
0x110: {  	v56 =	vld [tilespmem:$0x3C00];
	v1 =	vadd.f32 v51, v1  }
0x111: {  	v57 =	vld [tilespmem:$0x3C10];
	v0 =	vadd.f32 v52, v0  }
0x112: {  	v58 =	vld [tilespmem:$0x3C80];
	v1 =	vadd.f32 v53, v1  }
0x113: {  	v59 =	vld [tilespmem:$0x3C90];
	v0 =	vadd.f32 v54, v0  }
0x114: {  	v60 =	vld [tilespmem:$0x3D00];
	v1 =	vadd.f32 v55, v1  }
0x115: {  	v61 =	vld [tilespmem:$0x3D10];
	v0 =	vadd.f32 v56, v0  }
0x116: {  	v62 =	vld [tilespmem:$0x3D80];
	v1 =	vadd.f32 v57, v1  }
0x117: {  	v63 =	vld [tilespmem:$0x3D90];
	v0 =	vadd.f32 v58, v0  }
0x118: {  	v1 =	vadd.f32 v59, v1  }
0x119: {  	v0 =	vadd.f32 v60, v0  }
0x11a: {  	v1 =	vadd.f32 v61, v1  }
0x11b: {  	v0 =	vadd.f32 v62, v0  }
0x11c: {  	v1 =	vadd.f32 v63, v1  }
0x11d: {  	[tilespmem:$0x3E00] =	vst v0  }
0x11e: {  	s30 =	simm.s32 $0x0;
	s31 =	simm.s32 $0x3E00;
	[tilespmem:$0x3E10] =	vst v1  }
0x11f: {  	[hbm4b:s2+s30] =	stream.linear.scatter [tilespmem:s31], [sflag:$0x3], $0x20, $0x38;
	[tilespmem:$0x4100] =	vst v63  }
0x120: {  	_ =	swait.ge [sflag:s19], $0x20  }
0x121: {  	[sflag:s19] =	ssyncset.done $0x0  }
0x122: {  	[sflag:s19] =	ssyncadd.s32 $0xFFFFFFE0  }
0x123: {  	_ =	sfence.sel $0x180000  }
0x124: {  	[bflag:$0x0] =	sbarrier.arrive $0xFFFF  }
0x125: {  	p0 =	sne.s32 s1, $0x0;
	_ =	strace $0x9000004A  }
0x126: {  	s0 =	sadd.s32 @!p0 $0x100000, s0;
	[bflag:$0x2] =	sbarrier.arrive $0xFFFF  }
0x127: {  	[sflag:s0] =	ssyncadd.tile.s32 @!p0 $0x1;
	_ =	shalt  }
.Lfunc_end2:
_tile_overlayer_lowered:
.L_overlay_start_2:
0x128: {  	(tag) =	ssettag $0x2  }
0x129: {  	s0 =	rddreg [dreg:$0x0];
	s2 =	stileid.u32  }
0x12a: {  	s1 =	rddreg [dreg:$0x1];
	p0 =	sne.s32 s2, $0x0  }
0x12b: {  	s3 =	rddreg [dreg:$0x2];
	[bflag:$0x3] =	sbarrier.arrive $0xFFFF;
	s2 =	simm.s32 @!p0 $0x1C03  }
0x12c: {  	[timem:s3], [sflag:s2] =	dma.local @!p0 [hbm:s0], s1  }
0x12d: {  	s0 =	simm.s32 @!p0 $0x3  }
0x12e: {  	_ =	swait.ge @!p0 [sflag:s0], s1  }
0x12f: {  	s1 =	ssub.s32 @!p0 $0x0, s1;
	[sflag:s0] =	ssyncset.done @!p0 $0x0  }
0x130: {  	[sflag:s0] =	ssyncadd.s32 @!p0 s1  }
0x131: {  	[bflag:$0x3] =	sbarrier.arrive $0xFFFF  }
0x132: {  	_ =	shalt  }

</sc_bundles>
